<compile_context>
chip_gen: v7x
topology: tpu7x:2x2x1
jax: 0.10.2.dev20260603
libtpu: 0.0.44.dev20260713+nightly
codegen_flags: <defaults>
</compile_context>

<pallas_src>
import functools

import jax
import jax.numpy as jnp
from jax import lax
from jax.experimental import pallas as pl
from jax.experimental.pallas import tpu as pltpu
from jax.experimental.pallas import tpu_sc as plsc

C = 21
M = 1024
NW = 32
K = 512
L = 16


def _sc_histogram(logits_r, labels_r):
  B, _, H, W = logits_r.shape
  S = H * W
  P = S // NW
  NCHUNK = P // K
  Mf = float(M)

  mesh = plsc.VectorSubcoreMesh(core_axis_name="c", subcore_axis_name="s")

  @functools.partial(
      pl.kernel,
      out_type=jax.ShapeDtypeStruct((NW, 2 * C * M), jnp.int32),
      mesh=mesh,
      compiler_params=pltpu.CompilerParams(needs_layout_passes=False),
      scratch_types=[
          pltpu.VMEM((2, C, K), jnp.float32),
          pltpu.VMEM((2, K), jnp.int32),
          pltpu.VMEM((2 * C * M,), jnp.int32),
          pltpu.SemaphoreType.DMA,
          pltpu.SemaphoreType.DMA,
          pltpu.SemaphoreType.DMA,
          pltpu.SemaphoreType.DMA,
      ],
  )
  def body(logits_hbm, labels_hbm, out_hbm, chunk_v, lab_v, hist_v,
           lsem0, lsem1, bsem0, bsem1):
    wid = lax.axis_index("s") * 2 + lax.axis_index("c")
    lsem = (lsem0, lsem1)
    bsem = (bsem0, bsem1)

    zero16 = jnp.zeros((L,), jnp.int32)
    def zrow(r, carry):
      for i in range(8):
        hist_v[pl.ds(r * 8 * L + i * L, L)] = zero16
      return carry
    lax.fori_loop(0, 2 * C * M // (8 * L), zrow, 0)

    def _tree(xs, op):
      while len(xs) > 1:
        nxt = [op(xs[i], xs[i + 1]) for i in range(0, len(xs) - 1, 2)]
        if len(xs) % 2:
          nxt.append(xs[-1])
        xs = nxt
      return xs[0]

    def groups(slot):
      def one_group(base):
        lab = lab_v[slot, pl.ds(base, L)]
        es = [jnp.exp(chunk_v[slot, c, pl.ds(base, L)]) for c in range(C)]
        ssum = _tree(es, lambda a, b2: a + b2)
        rm = (Mf - 0.5) / ssum
        for c in range(C):
          pm = es[c] * rm
          fg = lab == c
          val = jnp.where(fg, float((C + c + 1) * M) - 0.25 - pm,
                          float(c * M) + pm)
          idx = val.astype(jnp.int32)
          cnt, last = plsc.scan_count(idx)
          plsc.addupdate_scatter(hist_v, [idx], cnt, mask=last)

      def gbody(g, carry):
        one_group(g * (2 * L))
        one_group(g * (2 * L) + L)
        return carry
      lax.fori_loop(0, K // (2 * L), gbody, 0)

    NTOT = B * NCHUNK

    def issue(t, slot):
      b = t >> 4
      row = wid * NCHUNK + (t & (NCHUNK - 1))
      pltpu.async_copy(logits_hbm.at[b, :, row, :],
                       chunk_v.at[slot], lsem[slot])
      pltpu.async_copy(labels_hbm.at[b, row, :],
                       lab_v.at[slot], bsem[slot])

    def drain(slot):
      pltpu.make_async_copy(logits_hbm.at[0, :, 0, :],
                            chunk_v.at[slot], lsem[slot]).wait()
      pltpu.make_async_copy(labels_hbm.at[0, 0, :],
                            lab_v.at[slot], bsem[slot]).wait()

    issue(0, 0)

    def outer(tt, carry):
      for s in range(2):
        t = tt * 2 + s
        drain(s)
        @pl.when(t + 1 < NTOT)
        def _():
          issue(t + 1, s ^ 1)
        groups(s)
      return carry
    lax.fori_loop(0, NTOT // 2, outer, 0)

    pltpu.sync_copy(hist_v, out_hbm.at[wid])

  return body(logits_r, labels_r)


def _tc_finalize(hist):

  def body(h_ref, o_ref):
    h = h_ref[...].astype(jnp.float32)
    hs = jnp.sum(h, axis=0)
    A = hs[0:C] + hs[C:2 * C]
    F = hs[C:2 * C]
    ge = (lax.broadcasted_iota(jnp.int32, (M, M), 0) >=
          lax.broadcasted_iota(jnp.int32, (M, M), 1)).astype(jnp.float32)
    SA = jnp.dot(A, ge, preferred_element_type=jnp.float32)
    SF = jnp.dot(F, ge, preferred_element_type=jnp.float32)
    G = SF[:, 0:1]
    I = G - SF
    U = G + SA - SF
    J = 1.0 - I / jnp.maximum(U, 1.0)
    bmask = (lax.broadcasted_iota(jnp.int32, (C, M), 1) >= 1).astype(
        jnp.float32)
    lsum = (jnp.sum(J * bmask, axis=1, keepdims=True) * (1.0 / (M - 0.5))
            + 0.5 / (M - 0.5))
    pres = (G > 0).astype(jnp.float32)
    num = jnp.sum(lsum * pres)
    den = jnp.sum(pres)
    o_ref[0, 0] = num / den

  return pl.pallas_call(
      body,
      out_shape=jax.ShapeDtypeStruct((1, 1), jnp.float32),
      out_specs=pl.BlockSpec(memory_space=pltpu.SMEM),
  )(hist)


def kernel(logits, labels):
  lb = labels.astype(jnp.int32)
  hist = _sc_histogram(logits, lb).reshape(NW, 2 * C, M)
  return _tc_finalize(hist).reshape(())

# --- scband reference (transcript-rebuilt; emitter-appended) ---
"""Pipeline reference for scband-lovasz-loss-68951404970501 (READ-ONLY COPY).

The authoritative reference and input builder live on the scoring server;
editing this copy changes nothing except your own understanding.
"""

import jax, jax.numpy as jnp
import numpy as np


def lovasz_grad(gt_sorted):
    gts = gt_sorted.sum()
    intersection = gts - jnp.cumsum(gt_sorted, 0)
    union = gts + jnp.cumsum(1.0 - gt_sorted, 0)
    jaccard = 1.0 - intersection / union
    jaccard = jnp.concatenate([jaccard[:1], jaccard[1:] - jaccard[:-1]])
    return jaccard


def lovasz_softmax_flat(probas, labels):
    C = probas.shape[1]
    losses = []
    present = []
    for c in range(C):
        fg = (labels == c).astype(jnp.float32)
        # 'present' classes only; expressed as a traced mask under jit
        is_present = fg.sum() > 0.0
        class_pred = probas[:, c]
        errors = jnp.abs(fg - class_pred)
        perm = jnp.argsort(-errors)  # descending sort permutation
        errors_sorted = errors[perm]
        fg_sorted = fg[perm]
        loss_c = jnp.dot(errors_sorted, lovasz_grad(fg_sorted))
        losses.append(jnp.where(is_present, loss_c, 0.0))
        present.append(is_present.astype(jnp.float32))
    losses = jnp.stack(losses)
    present = jnp.stack(present)
    return losses.sum() / present.sum()


def setup_inputs(seed: int = 0) -> dict:
    key = jax.random.key(seed)
    k1, k2 = jax.random.split(key)
    logits = jax.random.normal(k1, (4, 21, 512, 512), dtype=jnp.float32)
    labels = jax.random.randint(k2, (4, 512, 512), 0, 21).astype(jnp.int64)
    return {"logits": logits, "labels": labels}


def reference(logits, labels):
    probas = jax.nn.softmax(logits, axis=1)
    C = probas.shape[1]
    probas_flat = jnp.transpose(probas, (0, 2, 3, 1)).reshape(-1, C)
    labels_flat = labels.reshape(-1)
    return lovasz_softmax_flat(probas_flat, labels_flat)

if __name__ == "__main__":
    import jax
    _d = setup_inputs()
    print(jax.jit(kernel)(*tuple(_d.values())))

</pallas_src>

<mosaic_0001>
#map = affine_map<(d0, d1) -> (0, 0, 0, 0)>
#map1 = affine_map<(d0, d1) -> (0, 0, 0)>
#map2 = affine_map<(d0, d1) -> (0, 0)>
module attributes {stable_mosaic.version = 14 : i64} {
  func.func @body(%arg0: i32, %arg1: i32, %arg2: memref<4x21x512x512xf32, #tpu.memory_space<hbm>>, %arg3: memref<4x512x512xi32, #tpu.memory_space<hbm>>, %arg4: memref<32x43008xi32, #tpu.memory_space<hbm>>, %arg5: memref<2x21x512xf32, #tpu.memory_space<vmem>>, %arg6: memref<2x512xi32, #tpu.memory_space<vmem>>, %arg7: memref<43008xi32, #tpu.memory_space<vmem>>, %arg8: memref<!tpu.dma_semaphore, #tpu.memory_space<semaphore_mem>>, %arg9: memref<!tpu.dma_semaphore, #tpu.memory_space<semaphore_mem>>, %arg10: memref<!tpu.dma_semaphore, #tpu.memory_space<semaphore_mem>>, %arg11: memref<!tpu.dma_semaphore, #tpu.memory_space<semaphore_mem>>) attributes {dimension_semantics = [#tpu.dimension_semantics<core_parallel>, #tpu.dimension_semantics<subcore_parallel>], iteration_bounds = array<i64: 2, 16>, scalar_prefetch = 0 : i64, scratch_operands = 7 : i64, tpu.core_type = #tpu.core_type<sc_vector_subcore>, window_params = [{transform_indices = #map}, {transform_indices = #map1}, {transform_indices = #map2}]} {
    %mul3A = arith.constant 2 : i32
    %mul3A_0 = arith.muli %arg1, %mul3A : i32
    %add3A = arith.addi %mul3A_0, %arg0 : i32
    %broadcast_in_dim3A = arith.constant 0 : i32
    %broadcast_in_dim3A_1 = vector.broadcast %broadcast_in_dim3A : i32 to vector<16xi32>
    %scan3A = arith.constant 0 : i32
    %scan3A_2 = arith.constant 0 : i32
    %scan3A_3 = arith.constant 336 : i32
    %scan3A_4 = arith.addi %scan3A_2, %scan3A_3 : i32
    %scan3A_5 = arith.constant 1 : i32
    scf.for %scan3A_48 = %scan3A_2 to %scan3A_4 step %scan3A_5  : i32 {
      %mul3A_49 = arith.constant 8 : i32
      %mul3A_50 = arith.muli %scan3A_48, %mul3A_49 : i32
      %mul3A_51 = arith.constant 16 : i32
      %mul3A_52 = arith.muli %mul3A_50, %mul3A_51 : i32
      %add3A_53 = arith.constant 0 : i32
      %add3A_54 = arith.addi %mul3A_52, %add3A_53 : i32
      %swap3A = arith.index_cast %add3A_54 : i32 to index
      %swap3A_55 = tpu.vector_load %arg7[%swap3A] {strides = array<i32>} : memref<43008xi32, #tpu.memory_space<vmem>>, vector<16xi32>,
      tpu.vector_store %arg7[%swap3A], %broadcast_in_dim3A_1 {strides = array<i32>} : memref<43008xi32, #tpu.memory_space<vmem>>, vector<16xi32>,
      %mul3A_56 = arith.constant 8 : i32
      %mul3A_57 = arith.muli %scan3A_48, %mul3A_56 : i32
      %mul3A_58 = arith.constant 16 : i32
      %mul3A_59 = arith.muli %mul3A_57, %mul3A_58 : i32
      %add3A_60 = arith.constant 16 : i32
      %add3A_61 = arith.addi %mul3A_59, %add3A_60 : i32
      %swap3A_62 = arith.index_cast %add3A_61 : i32 to index
      %swap3A_63 = tpu.vector_load %arg7[%swap3A_62] {strides = array<i32>} : memref<43008xi32, #tpu.memory_space<vmem>>, vector<16xi32>,
      tpu.vector_store %arg7[%swap3A_62], %broadcast_in_dim3A_1 {strides = array<i32>} : memref<43008xi32, #tpu.memory_space<vmem>>, vector<16xi32>,
      %mul3A_64 = arith.constant 8 : i32
      %mul3A_65 = arith.muli %scan3A_48, %mul3A_64 : i32
      %mul3A_66 = arith.constant 16 : i32
      %mul3A_67 = arith.muli %mul3A_65, %mul3A_66 : i32
      %add3A_68 = arith.constant 32 : i32
      %add3A_69 = arith.addi %mul3A_67, %add3A_68 : i32
      %swap3A_70 = arith.index_cast %add3A_69 : i32 to index
      %swap3A_71 = tpu.vector_load %arg7[%swap3A_70] {strides = array<i32>} : memref<43008xi32, #tpu.memory_space<vmem>>, vector<16xi32>,
      tpu.vector_store %arg7[%swap3A_70], %broadcast_in_dim3A_1 {strides = array<i32>} : memref<43008xi32, #tpu.memory_space<vmem>>, vector<16xi32>,
      %mul3A_72 = arith.constant 8 : i32
      %mul3A_73 = arith.muli %scan3A_48, %mul3A_72 : i32
      %mul3A_74 = arith.constant 16 : i32
      %mul3A_75 = arith.muli %mul3A_73, %mul3A_74 : i32
      %add3A_76 = arith.constant 48 : i32
      %add3A_77 = arith.addi %mul3A_75, %add3A_76 : i32
      %swap3A_78 = arith.index_cast %add3A_77 : i32 to index
      %swap3A_79 = tpu.vector_load %arg7[%swap3A_78] {strides = array<i32>} : memref<43008xi32, #tpu.memory_space<vmem>>, vector<16xi32>,
      tpu.vector_store %arg7[%swap3A_78], %broadcast_in_dim3A_1 {strides = array<i32>} : memref<43008xi32, #tpu.memory_space<vmem>>, vector<16xi32>,
      %mul3A_80 = arith.constant 8 : i32
      %mul3A_81 = arith.muli %scan3A_48, %mul3A_80 : i32
      %mul3A_82 = arith.constant 16 : i32
      %mul3A_83 = arith.muli %mul3A_81, %mul3A_82 : i32
      %add3A_84 = arith.constant 64 : i32
      %add3A_85 = arith.addi %mul3A_83, %add3A_84 : i32
      %swap3A_86 = arith.index_cast %add3A_85 : i32 to index
      %swap3A_87 = tpu.vector_load %arg7[%swap3A_86] {strides = array<i32>} : memref<43008xi32, #tpu.memory_space<vmem>>, vector<16xi32>,
      tpu.vector_store %arg7[%swap3A_86], %broadcast_in_dim3A_1 {strides = array<i32>} : memref<43008xi32, #tpu.memory_space<vmem>>, vector<16xi32>,
      %mul3A_88 = arith.constant 8 : i32
      %mul3A_89 = arith.muli %scan3A_48, %mul3A_88 : i32
      %mul3A_90 = arith.constant 16 : i32
      %mul3A_91 = arith.muli %mul3A_89, %mul3A_90 : i32
      %add3A_92 = arith.constant 80 : i32
      %add3A_93 = arith.addi %mul3A_91, %add3A_92 : i32
      %swap3A_94 = arith.index_cast %add3A_93 : i32 to index
      %swap3A_95 = tpu.vector_load %arg7[%swap3A_94] {strides = array<i32>} : memref<43008xi32, #tpu.memory_space<vmem>>, vector<16xi32>,
      tpu.vector_store %arg7[%swap3A_94], %broadcast_in_dim3A_1 {strides = array<i32>} : memref<43008xi32, #tpu.memory_space<vmem>>, vector<16xi32>,
      %mul3A_96 = arith.constant 8 : i32
      %mul3A_97 = arith.muli %scan3A_48, %mul3A_96 : i32
      %mul3A_98 = arith.constant 16 : i32
      %mul3A_99 = arith.muli %mul3A_97, %mul3A_98 : i32
      %add3A_100 = arith.constant 96 : i32
      %add3A_101 = arith.addi %mul3A_99, %add3A_100 : i32
      %swap3A_102 = arith.index_cast %add3A_101 : i32 to index
      %swap3A_103 = tpu.vector_load %arg7[%swap3A_102] {strides = array<i32>} : memref<43008xi32, #tpu.memory_space<vmem>>, vector<16xi32>,
      tpu.vector_store %arg7[%swap3A_102], %broadcast_in_dim3A_1 {strides = array<i32>} : memref<43008xi32, #tpu.memory_space<vmem>>, vector<16xi32>,
      %mul3A_104 = arith.constant 8 : i32
      %mul3A_105 = arith.muli %scan3A_48, %mul3A_104 : i32
      %mul3A_106 = arith.constant 16 : i32
      %mul3A_107 = arith.muli %mul3A_105, %mul3A_106 : i32
      %add3A_108 = arith.constant 112 : i32
      %add3A_109 = arith.addi %mul3A_107, %add3A_108 : i32
      %swap3A_110 = arith.index_cast %add3A_109 : i32 to index
      %swap3A_111 = tpu.vector_load %arg7[%swap3A_110] {strides = array<i32>} : memref<43008xi32, #tpu.memory_space<vmem>>, vector<16xi32>,
      tpu.vector_store %arg7[%swap3A_110], %broadcast_in_dim3A_1 {strides = array<i32>} : memref<43008xi32, #tpu.memory_space<vmem>>, vector<16xi32>,
    }
    %scan3A_6 = arith.constant 336 : i32
    %mul3A_7 = arith.constant 16 : i32
    %mul3A_8 = arith.muli %add3A, %mul3A_7 : i32
    %add3A_9 = arith.constant 0 : i32
    %add3A_10 = arith.addi %mul3A_8, %add3A_9 : i32
    %dma_start3A = arith.constant 0 : i32
    %dma_start3A_11 = arith.constant 0 : i32
    %dma_start3A_12 = arith.constant 0 : i32
    %dma_start3A_13 = arith.constant 0 : i32
    %dma_start3A_14 = tpu.memref_slice %arg5[%dma_start3A_11, %dma_start3A_12, %dma_start3A_13] : memref<2x21x512xf32, #tpu.memory_space<vmem>> -> memref<1x21x512xf32, #tpu.memory_space<vmem>>
    %dma_start3A_15 = tpu.memref_squeeze %dma_start3A_14 : memref<1x21x512xf32, #tpu.memory_space<vmem>> -> memref<21x512xf32, #tpu.memory_space<vmem>>
    %dma_start3A_16 = arith.constant 0 : i32
    %dma_start3A_17 = arith.constant 0 : i32
    %dma_start3A_18 = tpu.memref_slice %arg2[%dma_start3A, %dma_start3A_16, %add3A_10, %dma_start3A_17] : memref<4x21x512x512xf32, #tpu.memory_space<hbm>> -> memref<1x21x1x512xf32, #tpu.memory_space<hbm>>
    %dma_start3A_19 = tpu.memref_squeeze %dma_start3A_18 : memref<1x21x1x512xf32, #tpu.memory_space<hbm>> -> memref<21x512xf32, #tpu.memory_space<hbm>>
    %dma_start3A_20 = arith.constant 0 : i32
    %dma_start3A_21 = arith.constant 0 : i32
    %dma_start3A_22 = tpu.memref_slice %arg5[%dma_start3A_11, %dma_start3A_20, %dma_start3A_21] : memref<2x21x512xf32, #tpu.memory_space<vmem>> -> memref<1x21x512xf32, #tpu.memory_space<vmem>>
    %dma_start3A_23 = tpu.memref_squeeze %dma_start3A_22 : memref<1x21x512xf32, #tpu.memory_space<vmem>> -> memref<21x512xf32, #tpu.memory_space<vmem>>
    %dma_start3A_24 = arith.constant 0 : i32
    %dma_start3A_25 = arith.constant 0 : i32
    %dma_start3A_26 = tpu.memref_slice %arg2[%dma_start3A, %dma_start3A_24, %add3A_10, %dma_start3A_25] : memref<4x21x512x512xf32, #tpu.memory_space<hbm>> -> memref<1x21x1x512xf32, #tpu.memory_space<hbm>>
    %dma_start3A_27 = tpu.memref_squeeze %dma_start3A_26 : memref<1x21x1x512xf32, #tpu.memory_space<hbm>> -> memref<21x512xf32, #tpu.memory_space<hbm>>
    tpu.enqueue_dma source(%dma_start3A_27 : memref<21x512xf32, #tpu.memory_space<hbm>>) target(%dma_start3A_23 : memref<21x512xf32, #tpu.memory_space<vmem>>) target_semaphore(%arg8 : memref<!tpu.dma_semaphore, #tpu.memory_space<semaphore_mem>>)
    %dma_start3A_28 = arith.constant 0 : i32
    %dma_start3A_29 = arith.constant 0 : i32
    %dma_start3A_30 = arith.constant 0 : i32
    %dma_start3A_31 = tpu.memref_slice %arg6[%dma_start3A_29, %dma_start3A_30] : memref<2x512xi32, #tpu.memory_space<vmem>> -> memref<1x512xi32, #tpu.memory_space<vmem>>
    %dma_start3A_32 = tpu.memref_squeeze %dma_start3A_31 : memref<1x512xi32, #tpu.memory_space<vmem>> -> memref<512xi32, #tpu.memory_space<vmem>>
    %dma_start3A_33 = arith.constant 0 : i32
    %dma_start3A_34 = tpu.memref_slice %arg3[%dma_start3A_28, %add3A_10, %dma_start3A_33] : memref<4x512x512xi32, #tpu.memory_space<hbm>> -> memref<1x1x512xi32, #tpu.memory_space<hbm>>
    %dma_start3A_35 = tpu.memref_squeeze %dma_start3A_34 : memref<1x1x512xi32, #tpu.memory_space<hbm>> -> memref<512xi32, #tpu.memory_space<hbm>>
    %dma_start3A_36 = arith.constant 0 : i32
    %dma_start3A_37 = tpu.memref_slice %arg6[%dma_start3A_29, %dma_start3A_36] : memref<2x512xi32, #tpu.memory_space<vmem>> -> memref<1x512xi32, #tpu.memory_space<vmem>>
    %dma_start3A_38 = tpu.memref_squeeze %dma_start3A_37 : memref<1x512xi32, #tpu.memory_space<vmem>> -> memref<512xi32, #tpu.memory_space<vmem>>
    %dma_start3A_39 = arith.constant 0 : i32
    %dma_start3A_40 = tpu.memref_slice %arg3[%dma_start3A_28, %add3A_10, %dma_start3A_39] : memref<4x512x512xi32, #tpu.memory_space<hbm>> -> memref<1x1x512xi32, #tpu.memory_space<hbm>>
    %dma_start3A_41 = tpu.memref_squeeze %dma_start3A_40 : memref<1x1x512xi32, #tpu.memory_space<hbm>> -> memref<512xi32, #tpu.memory_space<hbm>>
    tpu.enqueue_dma source(%dma_start3A_41 : memref<512xi32, #tpu.memory_space<hbm>>) target(%dma_start3A_38 : memref<512xi32, #tpu.memory_space<vmem>>) target_semaphore(%arg10 : memref<!tpu.dma_semaphore, #tpu.memory_space<semaphore_mem>>)
    %scan3A_42 = arith.constant 0 : i32
    %scan3A_43 = arith.constant 0 : i32
    %scan3A_44 = arith.constant 32 : i32
    %scan3A_45 = arith.addi %scan3A_43, %scan3A_44 : i32
    %scan3A_46 = arith.constant 1 : i32
    scf.for %scan3A_48 = %scan3A_43 to %scan3A_45 step %scan3A_46  : i32 {
      %mul3A_49 = arith.constant 2 : i32
      %mul3A_50 = arith.muli %scan3A_48, %mul3A_49 : i32
      %add3A_51 = arith.constant 0 : i32
      %add3A_52 = arith.addi %mul3A_50, %add3A_51 : i32
      %dma_wait3A = arith.constant 0 : i32
      %dma_wait3A_53 = arith.constant 0 : i32
      %dma_wait3A_54 = arith.constant 0 : i32
      %dma_wait3A_55 = arith.constant 0 : i32
      %dma_wait3A_56 = arith.constant 0 : i32
      %dma_wait3A_57 = tpu.memref_slice %arg5[%dma_wait3A_54, %dma_wait3A_55, %dma_wait3A_56] : memref<2x21x512xf32, #tpu.memory_space<vmem>> -> memref<1x21x512xf32, #tpu.memory_space<vmem>>
      %dma_wait3A_58 = tpu.memref_squeeze %dma_wait3A_57 : memref<1x21x512xf32, #tpu.memory_space<vmem>> -> memref<21x512xf32, #tpu.memory_space<vmem>>
      %dma_wait3A_59 = arith.constant 0 : i32
      %dma_wait3A_60 = arith.constant 0 : i32
      %dma_wait3A_61 = tpu.memref_slice %arg2[%dma_wait3A, %dma_wait3A_59, %dma_wait3A_53, %dma_wait3A_60] : memref<4x21x512x512xf32, #tpu.memory_space<hbm>> -> memref<1x21x1x512xf32, #tpu.memory_space<hbm>>
      %dma_wait3A_62 = tpu.memref_squeeze %dma_wait3A_61 : memref<1x21x1x512xf32, #tpu.memory_space<hbm>> -> memref<21x512xf32, #tpu.memory_space<hbm>>
      %dma_wait3A_63 = arith.constant 0 : i32
      %dma_wait3A_64 = arith.constant 0 : i32
      %dma_wait3A_65 = tpu.memref_slice %arg5[%dma_wait3A_54, %dma_wait3A_63, %dma_wait3A_64] : memref<2x21x512xf32, #tpu.memory_space<vmem>> -> memref<1x21x512xf32, #tpu.memory_space<vmem>>
      %dma_wait3A_66 = tpu.memref_squeeze %dma_wait3A_65 : memref<1x21x512xf32, #tpu.memory_space<vmem>> -> memref<21x512xf32, #tpu.memory_space<vmem>>
      %dma_wait3A_67 = arith.constant 0 : i32
      %dma_wait3A_68 = arith.constant 0 : i32
      %dma_wait3A_69 = tpu.memref_slice %arg2[%dma_wait3A, %dma_wait3A_67, %dma_wait3A_53, %dma_wait3A_68] : memref<4x21x512x512xf32, #tpu.memory_space<hbm>> -> memref<1x21x1x512xf32, #tpu.memory_space<hbm>>
      %dma_wait3A_70 = tpu.memref_squeeze %dma_wait3A_69 : memref<1x21x1x512xf32, #tpu.memory_space<hbm>> -> memref<21x512xf32, #tpu.memory_space<hbm>>
      tpu.wait_dma2 semaphore(%arg8 : memref<!tpu.dma_semaphore, #tpu.memory_space<semaphore_mem>>) src(%dma_wait3A_70 : memref<21x512xf32, #tpu.memory_space<hbm>>) dst(%dma_wait3A_66 : memref<21x512xf32, #tpu.memory_space<vmem>>)
      %dma_wait3A_71 = arith.constant 0 : i32
      %dma_wait3A_72 = arith.constant 0 : i32
      %dma_wait3A_73 = arith.constant 0 : i32
      %dma_wait3A_74 = arith.constant 0 : i32
      %dma_wait3A_75 = tpu.memref_slice %arg6[%dma_wait3A_73, %dma_wait3A_74] : memref<2x512xi32, #tpu.memory_space<vmem>> -> memref<1x512xi32, #tpu.memory_space<vmem>>
      %dma_wait3A_76 = tpu.memref_squeeze %dma_wait3A_75 : memref<1x512xi32, #tpu.memory_space<vmem>> -> memref<512xi32, #tpu.memory_space<vmem>>
      %dma_wait3A_77 = arith.constant 0 : i32
      %dma_wait3A_78 = tpu.memref_slice %arg3[%dma_wait3A_71, %dma_wait3A_72, %dma_wait3A_77] : memref<4x512x512xi32, #tpu.memory_space<hbm>> -> memref<1x1x512xi32, #tpu.memory_space<hbm>>
      %dma_wait3A_79 = tpu.memref_squeeze %dma_wait3A_78 : memref<1x1x512xi32, #tpu.memory_space<hbm>> -> memref<512xi32, #tpu.memory_space<hbm>>
      %dma_wait3A_80 = arith.constant 0 : i32
      %dma_wait3A_81 = tpu.memref_slice %arg6[%dma_wait3A_73, %dma_wait3A_80] : memref<2x512xi32, #tpu.memory_space<vmem>> -> memref<1x512xi32, #tpu.memory_space<vmem>>
      %dma_wait3A_82 = tpu.memref_squeeze %dma_wait3A_81 : memref<1x512xi32, #tpu.memory_space<vmem>> -> memref<512xi32, #tpu.memory_space<vmem>>
      %dma_wait3A_83 = arith.constant 0 : i32
      %dma_wait3A_84 = tpu.memref_slice %arg3[%dma_wait3A_71, %dma_wait3A_72, %dma_wait3A_83] : memref<4x512x512xi32, #tpu.memory_space<hbm>> -> memref<1x1x512xi32, #tpu.memory_space<hbm>>
      %dma_wait3A_85 = tpu.memref_squeeze %dma_wait3A_84 : memref<1x1x512xi32, #tpu.memory_space<hbm>> -> memref<512xi32, #tpu.memory_space<hbm>>
      tpu.wait_dma2 semaphore(%arg10 : memref<!tpu.dma_semaphore, #tpu.memory_space<semaphore_mem>>) src(%dma_wait3A_85 : memref<512xi32, #tpu.memory_space<hbm>>) dst(%dma_wait3A_82 : memref<512xi32, #tpu.memory_space<vmem>>)
      %add3A_86 = arith.constant 1 : i32
      %add3A_87 = arith.addi %add3A_52, %add3A_86 : i32
      %lt3A = arith.constant 64 : i32
      %lt3A_88 = arith.cmpi slt, %add3A_87, %lt3A : i32
      %convert_element_type3A = arith.extui %lt3A_88 : i1 to i32
      %cond3A = arith.constant 0 : i32
      %cond3A_89 = arith.cmpi ne, %convert_element_type3A, %cond3A : i32
      scf.if %cond3A_89 {
        %add3A_147 = arith.constant 1 : i32
        %add3A_148 = arith.addi %add3A_52, %add3A_147 : i32
        %shift_right_arithmetic3A = arith.constant 4 : i32
        %shift_right_arithmetic3A_149 = arith.shrsi %add3A_148, %shift_right_arithmetic3A : i32
        %mul3A_150 = arith.constant 16 : i32
        %mul3A_151 = arith.muli %add3A, %mul3A_150 : i32
        %and3A = arith.constant 15 : i32
        %and3A_152 = arith.andi %add3A_148, %and3A : i32
        %add3A_153 = arith.addi %mul3A_151, %and3A_152 : i32
        %dma_start3A_154 = arith.constant 1 : i32
        %dma_start3A_155 = arith.constant 0 : i32
        %dma_start3A_156 = arith.constant 0 : i32
        %dma_start3A_157 = tpu.memref_slice %arg5[%dma_start3A_154, %dma_start3A_155, %dma_start3A_156] : memref<2x21x512xf32, #tpu.memory_space<vmem>> -> memref<1x21x512xf32, #tpu.memory_space<vmem>>
        %dma_start3A_158 = tpu.memref_squeeze %dma_start3A_157 : memref<1x21x512xf32, #tpu.memory_space<vmem>> -> memref<21x512xf32, #tpu.memory_space<vmem>>
        %dma_start3A_159 = arith.constant 0 : i32
        %dma_start3A_160 = arith.constant 0 : i32
        %dma_start3A_161 = tpu.memref_slice %arg2[%shift_right_arithmetic3A_149, %dma_start3A_159, %add3A_153, %dma_start3A_160] : memref<4x21x512x512xf32, #tpu.memory_space<hbm>> -> memref<1x21x1x512xf32, #tpu.memory_space<hbm>>
        %dma_start3A_162 = tpu.memref_squeeze %dma_start3A_161 : memref<1x21x1x512xf32, #tpu.memory_space<hbm>> -> memref<21x512xf32, #tpu.memory_space<hbm>>
        %dma_start3A_163 = arith.constant 0 : i32
        %dma_start3A_164 = arith.constant 0 : i32
        %dma_start3A_165 = tpu.memref_slice %arg5[%dma_start3A_154, %dma_start3A_163, %dma_start3A_164] : memref<2x21x512xf32, #tpu.memory_space<vmem>> -> memref<1x21x512xf32, #tpu.memory_space<vmem>>
        %dma_start3A_166 = tpu.memref_squeeze %dma_start3A_165 : memref<1x21x512xf32, #tpu.memory_space<vmem>> -> memref<21x512xf32, #tpu.memory_space<vmem>>
        %dma_start3A_167 = arith.constant 0 : i32
        %dma_start3A_168 = arith.constant 0 : i32
        %dma_start3A_169 = tpu.memref_slice %arg2[%shift_right_arithmetic3A_149, %dma_start3A_167, %add3A_153, %dma_start3A_168] : memref<4x21x512x512xf32, #tpu.memory_space<hbm>> -> memref<1x21x1x512xf32, #tpu.memory_space<hbm>>
        %dma_start3A_170 = tpu.memref_squeeze %dma_start3A_169 : memref<1x21x1x512xf32, #tpu.memory_space<hbm>> -> memref<21x512xf32, #tpu.memory_space<hbm>>
        tpu.enqueue_dma source(%dma_start3A_170 : memref<21x512xf32, #tpu.memory_space<hbm>>) target(%dma_start3A_166 : memref<21x512xf32, #tpu.memory_space<vmem>>) target_semaphore(%arg9 : memref<!tpu.dma_semaphore, #tpu.memory_space<semaphore_mem>>)
        %dma_start3A_171 = arith.constant 1 : i32
        %dma_start3A_172 = arith.constant 0 : i32
        %dma_start3A_173 = tpu.memref_slice %arg6[%dma_start3A_171, %dma_start3A_172] : memref<2x512xi32, #tpu.memory_space<vmem>> -> memref<1x512xi32, #tpu.memory_space<vmem>>
        %dma_start3A_174 = tpu.memref_squeeze %dma_start3A_173 : memref<1x512xi32, #tpu.memory_space<vmem>> -> memref<512xi32, #tpu.memory_space<vmem>>
        %dma_start3A_175 = arith.constant 0 : i32
        %dma_start3A_176 = tpu.memref_slice %arg3[%shift_right_arithmetic3A_149, %add3A_153, %dma_start3A_175] : memref<4x512x512xi32, #tpu.memory_space<hbm>> -> memref<1x1x512xi32, #tpu.memory_space<hbm>>
        %dma_start3A_177 = tpu.memref_squeeze %dma_start3A_176 : memref<1x1x512xi32, #tpu.memory_space<hbm>> -> memref<512xi32, #tpu.memory_space<hbm>>
        %dma_start3A_178 = arith.constant 0 : i32
        %dma_start3A_179 = tpu.memref_slice %arg6[%dma_start3A_171, %dma_start3A_178] : memref<2x512xi32, #tpu.memory_space<vmem>> -> memref<1x512xi32, #tpu.memory_space<vmem>>
        %dma_start3A_180 = tpu.memref_squeeze %dma_start3A_179 : memref<1x512xi32, #tpu.memory_space<vmem>> -> memref<512xi32, #tpu.memory_space<vmem>>
        %dma_start3A_181 = arith.constant 0 : i32
        %dma_start3A_182 = tpu.memref_slice %arg3[%shift_right_arithmetic3A_149, %add3A_153, %dma_start3A_181] : memref<4x512x512xi32, #tpu.memory_space<hbm>> -> memref<1x1x512xi32, #tpu.memory_space<hbm>>
        %dma_start3A_183 = tpu.memref_squeeze %dma_start3A_182 : memref<1x1x512xi32, #tpu.memory_space<hbm>> -> memref<512xi32, #tpu.memory_space<hbm>>
        tpu.enqueue_dma source(%dma_start3A_183 : memref<512xi32, #tpu.memory_space<hbm>>) target(%dma_start3A_180 : memref<512xi32, #tpu.memory_space<vmem>>) target_semaphore(%arg11 : memref<!tpu.dma_semaphore, #tpu.memory_space<semaphore_mem>>)
      } else {
      }
      %scan3A_90 = arith.constant 0 : i32
      %scan3A_91 = arith.constant 0 : i32
      %scan3A_92 = arith.constant 16 : i32
      %scan3A_93 = arith.addi %scan3A_91, %scan3A_92 : i32
      %scan3A_94 = arith.constant 1 : i32
      scf.for %scan3A_147 = %scan3A_91 to %scan3A_93 step %scan3A_94  : i32 {
        %mul3A_148 = arith.constant 32 : i32
        %mul3A_149 = arith.muli %scan3A_147, %mul3A_148 : i32
        %get3A = arith.constant 0 : i32
        %get3A_150 = arith.index_cast %get3A : i32 to index
        %get3A_151 = arith.index_cast %mul3A_149 : i32 to index
        %get3A_152 = tpu.vector_load %arg6[%get3A_150, %get3A_151] {strides = array<i32>} : memref<2x512xi32, #tpu.memory_space<vmem>>, vector<16xi32>,
        %get3A_153 = arith.constant 0 : i32
        %get3A_154 = arith.constant 0 : i32
        %get3A_155 = arith.index_cast %get3A_153 : i32 to index
        %get3A_156 = arith.index_cast %get3A_154 : i32 to index
        %get3A_157 = arith.index_cast %mul3A_149 : i32 to index
        %get3A_158 = tpu.vector_load %arg5[%get3A_155, %get3A_156, %get3A_157] {strides = array<i32>} : memref<2x21x512xf32, #tpu.memory_space<vmem>>, vector<16xf32>,
        %exp3A = math.exp %get3A_158 : vector<16xf32>
        %get3A_159 = arith.constant 0 : i32
        %get3A_160 = arith.constant 1 : i32
        %get3A_161 = arith.index_cast %get3A_159 : i32 to index
        %get3A_162 = arith.index_cast %get3A_160 : i32 to index
        %get3A_163 = arith.index_cast %mul3A_149 : i32 to index
        %get3A_164 = tpu.vector_load %arg5[%get3A_161, %get3A_162, %get3A_163] {strides = array<i32>} : memref<2x21x512xf32, #tpu.memory_space<vmem>>, vector<16xf32>,
        %exp3A_165 = math.exp %get3A_164 : vector<16xf32>
        %get3A_166 = arith.constant 0 : i32
        %get3A_167 = arith.constant 2 : i32
        %get3A_168 = arith.index_cast %get3A_166 : i32 to index
        %get3A_169 = arith.index_cast %get3A_167 : i32 to index
        %get3A_170 = arith.index_cast %mul3A_149 : i32 to index
        %get3A_171 = tpu.vector_load %arg5[%get3A_168, %get3A_169, %get3A_170] {strides = array<i32>} : memref<2x21x512xf32, #tpu.memory_space<vmem>>, vector<16xf32>,
        %exp3A_172 = math.exp %get3A_171 : vector<16xf32>
        %get3A_173 = arith.constant 0 : i32
        %get3A_174 = arith.constant 3 : i32
        %get3A_175 = arith.index_cast %get3A_173 : i32 to index
        %get3A_176 = arith.index_cast %get3A_174 : i32 to index
        %get3A_177 = arith.index_cast %mul3A_149 : i32 to index
        %get3A_178 = tpu.vector_load %arg5[%get3A_175, %get3A_176, %get3A_177] {strides = array<i32>} : memref<2x21x512xf32, #tpu.memory_space<vmem>>, vector<16xf32>,
        %exp3A_179 = math.exp %get3A_178 : vector<16xf32>
        %get3A_180 = arith.constant 0 : i32
        %get3A_181 = arith.constant 4 : i32
        %get3A_182 = arith.index_cast %get3A_180 : i32 to index
        %get3A_183 = arith.index_cast %get3A_181 : i32 to index
        %get3A_184 = arith.index_cast %mul3A_149 : i32 to index
        %get3A_185 = tpu.vector_load %arg5[%get3A_182, %get3A_183, %get3A_184] {strides = array<i32>} : memref<2x21x512xf32, #tpu.memory_space<vmem>>, vector<16xf32>,
        %exp3A_186 = math.exp %get3A_185 : vector<16xf32>
        %get3A_187 = arith.constant 0 : i32
        %get3A_188 = arith.constant 5 : i32
        %get3A_189 = arith.index_cast %get3A_187 : i32 to index
        %get3A_190 = arith.index_cast %get3A_188 : i32 to index
        %get3A_191 = arith.index_cast %mul3A_149 : i32 to index
        %get3A_192 = tpu.vector_load %arg5[%get3A_189, %get3A_190, %get3A_191] {strides = array<i32>} : memref<2x21x512xf32, #tpu.memory_space<vmem>>, vector<16xf32>,
        %exp3A_193 = math.exp %get3A_192 : vector<16xf32>
        %get3A_194 = arith.constant 0 : i32
        %get3A_195 = arith.constant 6 : i32
        %get3A_196 = arith.index_cast %get3A_194 : i32 to index
        %get3A_197 = arith.index_cast %get3A_195 : i32 to index
        %get3A_198 = arith.index_cast %mul3A_149 : i32 to index
        %get3A_199 = tpu.vector_load %arg5[%get3A_196, %get3A_197, %get3A_198] {strides = array<i32>} : memref<2x21x512xf32, #tpu.memory_space<vmem>>, vector<16xf32>,
        %exp3A_200 = math.exp %get3A_199 : vector<16xf32>
        %get3A_201 = arith.constant 0 : i32
        %get3A_202 = arith.constant 7 : i32
        %get3A_203 = arith.index_cast %get3A_201 : i32 to index
        %get3A_204 = arith.index_cast %get3A_202 : i32 to index
        %get3A_205 = arith.index_cast %mul3A_149 : i32 to index
        %get3A_206 = tpu.vector_load %arg5[%get3A_203, %get3A_204, %get3A_205] {strides = array<i32>} : memref<2x21x512xf32, #tpu.memory_space<vmem>>, vector<16xf32>,
        %exp3A_207 = math.exp %get3A_206 : vector<16xf32>
        %get3A_208 = arith.constant 0 : i32
        %get3A_209 = arith.constant 8 : i32
        %get3A_210 = arith.index_cast %get3A_208 : i32 to index
        %get3A_211 = arith.index_cast %get3A_209 : i32 to index
        %get3A_212 = arith.index_cast %mul3A_149 : i32 to index
        %get3A_213 = tpu.vector_load %arg5[%get3A_210, %get3A_211, %get3A_212] {strides = array<i32>} : memref<2x21x512xf32, #tpu.memory_space<vmem>>, vector<16xf32>,
        %exp3A_214 = math.exp %get3A_213 : vector<16xf32>
        %get3A_215 = arith.constant 0 : i32
        %get3A_216 = arith.constant 9 : i32
        %get3A_217 = arith.index_cast %get3A_215 : i32 to index
        %get3A_218 = arith.index_cast %get3A_216 : i32 to index
        %get3A_219 = arith.index_cast %mul3A_149 : i32 to index
        %get3A_220 = tpu.vector_load %arg5[%get3A_217, %get3A_218, %get3A_219] {strides = array<i32>} : memref<2x21x512xf32, #tpu.memory_space<vmem>>, vector<16xf32>,
        %exp3A_221 = math.exp %get3A_220 : vector<16xf32>
        %get3A_222 = arith.constant 0 : i32
        %get3A_223 = arith.constant 10 : i32
        %get3A_224 = arith.index_cast %get3A_222 : i32 to index
        %get3A_225 = arith.index_cast %get3A_223 : i32 to index
        %get3A_226 = arith.index_cast %mul3A_149 : i32 to index
        %get3A_227 = tpu.vector_load %arg5[%get3A_224, %get3A_225, %get3A_226] {strides = array<i32>} : memref<2x21x512xf32, #tpu.memory_space<vmem>>, vector<16xf32>,
        %exp3A_228 = math.exp %get3A_227 : vector<16xf32>
        %get3A_229 = arith.constant 0 : i32
        %get3A_230 = arith.constant 11 : i32
        %get3A_231 = arith.index_cast %get3A_229 : i32 to index
        %get3A_232 = arith.index_cast %get3A_230 : i32 to index
        %get3A_233 = arith.index_cast %mul3A_149 : i32 to index
        %get3A_234 = tpu.vector_load %arg5[%get3A_231, %get3A_232, %get3A_233] {strides = array<i32>} : memref<2x21x512xf32, #tpu.memory_space<vmem>>, vector<16xf32>,
        %exp3A_235 = math.exp %get3A_234 : vector<16xf32>
        %get3A_236 = arith.constant 0 : i32
        %get3A_237 = arith.constant 12 : i32
        %get3A_238 = arith.index_cast %get3A_236 : i32 to index
        %get3A_239 = arith.index_cast %get3A_237 : i32 to index
        %get3A_240 = arith.index_cast %mul3A_149 : i32 to index
        %get3A_241 = tpu.vector_load %arg5[%get3A_238, %get3A_239, %get3A_240] {strides = array<i32>} : memref<2x21x512xf32, #tpu.memory_space<vmem>>, vector<16xf32>,
        %exp3A_242 = math.exp %get3A_241 : vector<16xf32>
        %get3A_243 = arith.constant 0 : i32
        %get3A_244 = arith.constant 13 : i32
        %get3A_245 = arith.index_cast %get3A_243 : i32 to index
        %get3A_246 = arith.index_cast %get3A_244 : i32 to index
        %get3A_247 = arith.index_cast %mul3A_149 : i32 to index
        %get3A_248 = tpu.vector_load %arg5[%get3A_245, %get3A_246, %get3A_247] {strides = array<i32>} : memref<2x21x512xf32, #tpu.memory_space<vmem>>, vector<16xf32>,
        %exp3A_249 = math.exp %get3A_248 : vector<16xf32>
        %get3A_250 = arith.constant 0 : i32
        %get3A_251 = arith.constant 14 : i32
        %get3A_252 = arith.index_cast %get3A_250 : i32 to index
        %get3A_253 = arith.index_cast %get3A_251 : i32 to index
        %get3A_254 = arith.index_cast %mul3A_149 : i32 to index
        %get3A_255 = tpu.vector_load %arg5[%get3A_252, %get3A_253, %get3A_254] {strides = array<i32>} : memref<2x21x512xf32, #tpu.memory_space<vmem>>, vector<16xf32>,
        %exp3A_256 = math.exp %get3A_255 : vector<16xf32>
        %get3A_257 = arith.constant 0 : i32
        %get3A_258 = arith.constant 15 : i32
        %get3A_259 = arith.index_cast %get3A_257 : i32 to index
        %get3A_260 = arith.index_cast %get3A_258 : i32 to index
        %get3A_261 = arith.index_cast %mul3A_149 : i32 to index
        %get3A_262 = tpu.vector_load %arg5[%get3A_259, %get3A_260, %get3A_261] {strides = array<i32>} : memref<2x21x512xf32, #tpu.memory_space<vmem>>, vector<16xf32>,
        %exp3A_263 = math.exp %get3A_262 : vector<16xf32>
        %get3A_264 = arith.constant 0 : i32
        %get3A_265 = arith.constant 16 : i32
        %get3A_266 = arith.index_cast %get3A_264 : i32 to index
        %get3A_267 = arith.index_cast %get3A_265 : i32 to index
        %get3A_268 = arith.index_cast %mul3A_149 : i32 to index
        %get3A_269 = tpu.vector_load %arg5[%get3A_266, %get3A_267, %get3A_268] {strides = array<i32>} : memref<2x21x512xf32, #tpu.memory_space<vmem>>, vector<16xf32>,
        %exp3A_270 = math.exp %get3A_269 : vector<16xf32>
        %get3A_271 = arith.constant 0 : i32
        %get3A_272 = arith.constant 17 : i32
        %get3A_273 = arith.index_cast %get3A_271 : i32 to index
        %get3A_274 = arith.index_cast %get3A_272 : i32 to index
        %get3A_275 = arith.index_cast %mul3A_149 : i32 to index
        %get3A_276 = tpu.vector_load %arg5[%get3A_273, %get3A_274, %get3A_275] {strides = array<i32>} : memref<2x21x512xf32, #tpu.memory_space<vmem>>, vector<16xf32>,
        %exp3A_277 = math.exp %get3A_276 : vector<16xf32>
        %get3A_278 = arith.constant 0 : i32
        %get3A_279 = arith.constant 18 : i32
        %get3A_280 = arith.index_cast %get3A_278 : i32 to index
        %get3A_281 = arith.index_cast %get3A_279 : i32 to index
        %get3A_282 = arith.index_cast %mul3A_149 : i32 to index
        %get3A_283 = tpu.vector_load %arg5[%get3A_280, %get3A_281, %get3A_282] {strides = array<i32>} : memref<2x21x512xf32, #tpu.memory_space<vmem>>, vector<16xf32>,
        %exp3A_284 = math.exp %get3A_283 : vector<16xf32>
        %get3A_285 = arith.constant 0 : i32
        %get3A_286 = arith.constant 19 : i32
        %get3A_287 = arith.index_cast %get3A_285 : i32 to index
        %get3A_288 = arith.index_cast %get3A_286 : i32 to index
        %get3A_289 = arith.index_cast %mul3A_149 : i32 to index
        %get3A_290 = tpu.vector_load %arg5[%get3A_287, %get3A_288, %get3A_289] {strides = array<i32>} : memref<2x21x512xf32, #tpu.memory_space<vmem>>, vector<16xf32>,
        %exp3A_291 = math.exp %get3A_290 : vector<16xf32>
        %get3A_292 = arith.constant 0 : i32
        %get3A_293 = arith.constant 20 : i32
        %get3A_294 = arith.index_cast %get3A_292 : i32 to index
        %get3A_295 = arith.index_cast %get3A_293 : i32 to index
        %get3A_296 = arith.index_cast %mul3A_149 : i32 to index
        %get3A_297 = tpu.vector_load %arg5[%get3A_294, %get3A_295, %get3A_296] {strides = array<i32>} : memref<2x21x512xf32, #tpu.memory_space<vmem>>, vector<16xf32>,
        %exp3A_298 = math.exp %get3A_297 : vector<16xf32>
        %add3A_299 = arith.addf %exp3A, %exp3A_165 : vector<16xf32>
        %add3A_300 = arith.addf %exp3A_172, %exp3A_179 : vector<16xf32>
        %add3A_301 = arith.addf %exp3A_186, %exp3A_193 : vector<16xf32>
        %add3A_302 = arith.addf %exp3A_200, %exp3A_207 : vector<16xf32>
        %add3A_303 = arith.addf %exp3A_214, %exp3A_221 : vector<16xf32>
        %add3A_304 = arith.addf %exp3A_228, %exp3A_235 : vector<16xf32>
        %add3A_305 = arith.addf %exp3A_242, %exp3A_249 : vector<16xf32>
        %add3A_306 = arith.addf %exp3A_256, %exp3A_263 : vector<16xf32>
        %add3A_307 = arith.addf %exp3A_270, %exp3A_277 : vector<16xf32>
        %add3A_308 = arith.addf %exp3A_284, %exp3A_291 : vector<16xf32>
        %add3A_309 = arith.addf %add3A_299, %add3A_300 : vector<16xf32>
        %add3A_310 = arith.addf %add3A_301, %add3A_302 : vector<16xf32>
        %add3A_311 = arith.addf %add3A_303, %add3A_304 : vector<16xf32>
        %add3A_312 = arith.addf %add3A_305, %add3A_306 : vector<16xf32>
        %add3A_313 = arith.addf %add3A_307, %add3A_308 : vector<16xf32>
        %add3A_314 = arith.addf %add3A_309, %add3A_310 : vector<16xf32>
        %add3A_315 = arith.addf %add3A_311, %add3A_312 : vector<16xf32>
        %add3A_316 = arith.addf %add3A_313, %exp3A_298 : vector<16xf32>
        %add3A_317 = arith.addf %add3A_314, %add3A_315 : vector<16xf32>
        %add3A_318 = arith.addf %add3A_317, %add3A_316 : vector<16xf32>
        %div3A = arith.constant 1.023500e+03 : f32
        %div3A_319 = vector.broadcast %div3A : f32 to vector<16xf32>
        %div3A_320 = arith.divf %div3A_319, %add3A_318 : vector<16xf32>
        %mul3A_321 = arith.mulf %exp3A, %div3A_320 : vector<16xf32>
        %eq3A = arith.constant 0 : i32
        %eq3A_322 = vector.broadcast %eq3A : i32 to vector<16xi32>
        %eq3A_323 = arith.cmpi eq, %get3A_152, %eq3A_322 : vector<16xi32>
        %sub3A = arith.constant 22527.75 : f32
        %sub3A_324 = vector.broadcast %sub3A : f32 to vector<16xf32>
        %sub3A_325 = arith.subf %sub3A_324, %mul3A_321 : vector<16xf32>
        %add3A_326 = arith.constant 0.000000e+00 : f32
        %add3A_327 = vector.broadcast %add3A_326 : f32 to vector<16xf32>
        %add3A_328 = arith.addf %add3A_327, %mul3A_321 : vector<16xf32>
        %select_n3A = arith.select %eq3A_323, %sub3A_325, %add3A_328 : vector<16xi1>, vector<16xf32>
        %convert_element_type3A_329 = arith.fptosi %select_n3A : vector<16xf32> to vector<16xi32>
        %broadcast_in_dim3A_330 = arith.constant true
        %broadcast_in_dim3A_331 = vector.broadcast %broadcast_in_dim3A_330 : i1 to vector<16xi1>
        %unique3A, %unique3A_332 = tpu.scan_count mask(%broadcast_in_dim3A_331 : vector<16xi1>) value(%convert_element_type3A_329 : vector<16xi32>) : vector<16xi1>, vector<16xi32>
        tpu.vector_store_idx %arg7[%convert_element_type3A_329], %unique3A_332 masked %unique3A {add = true} : memref<43008xi32, #tpu.memory_space<vmem>>[vector<16xi32>], vector<16xi32>, vector<16xi1>
        %mul3A_333 = arith.mulf %exp3A_165, %div3A_320 : vector<16xf32>
        %eq3A_334 = arith.constant 1 : i32
        %eq3A_335 = vector.broadcast %eq3A_334 : i32 to vector<16xi32>
        %eq3A_336 = arith.cmpi eq, %get3A_152, %eq3A_335 : vector<16xi32>
        %sub3A_337 = arith.constant 23551.75 : f32
        %sub3A_338 = vector.broadcast %sub3A_337 : f32 to vector<16xf32>
        %sub3A_339 = arith.subf %sub3A_338, %mul3A_333 : vector<16xf32>
        %add3A_340 = arith.constant 1.024000e+03 : f32
        %add3A_341 = vector.broadcast %add3A_340 : f32 to vector<16xf32>
        %add3A_342 = arith.addf %add3A_341, %mul3A_333 : vector<16xf32>
        %select_n3A_343 = arith.select %eq3A_336, %sub3A_339, %add3A_342 : vector<16xi1>, vector<16xf32>
        %convert_element_type3A_344 = arith.fptosi %select_n3A_343 : vector<16xf32> to vector<16xi32>
        %broadcast_in_dim3A_345 = arith.constant true
        %broadcast_in_dim3A_346 = vector.broadcast %broadcast_in_dim3A_345 : i1 to vector<16xi1>
        %unique3A_347, %unique3A_348 = tpu.scan_count mask(%broadcast_in_dim3A_346 : vector<16xi1>) value(%convert_element_type3A_344 : vector<16xi32>) : vector<16xi1>, vector<16xi32>
        tpu.vector_store_idx %arg7[%convert_element_type3A_344], %unique3A_348 masked %unique3A_347 {add = true} : memref<43008xi32, #tpu.memory_space<vmem>>[vector<16xi32>], vector<16xi32>, vector<16xi1>
        %mul3A_349 = arith.mulf %exp3A_172, %div3A_320 : vector<16xf32>
        %eq3A_350 = arith.constant 2 : i32
        %eq3A_351 = vector.broadcast %eq3A_350 : i32 to vector<16xi32>
        %eq3A_352 = arith.cmpi eq, %get3A_152, %eq3A_351 : vector<16xi32>
        %sub3A_353 = arith.constant 24575.75 : f32
        %sub3A_354 = vector.broadcast %sub3A_353 : f32 to vector<16xf32>
        %sub3A_355 = arith.subf %sub3A_354, %mul3A_349 : vector<16xf32>
        %add3A_356 = arith.constant 2.048000e+03 : f32
        %add3A_357 = vector.broadcast %add3A_356 : f32 to vector<16xf32>
        %add3A_358 = arith.addf %add3A_357, %mul3A_349 : vector<16xf32>
        %select_n3A_359 = arith.select %eq3A_352, %sub3A_355, %add3A_358 : vector<16xi1>, vector<16xf32>
        %convert_element_type3A_360 = arith.fptosi %select_n3A_359 : vector<16xf32> to vector<16xi32>
        %broadcast_in_dim3A_361 = arith.constant true
        %broadcast_in_dim3A_362 = vector.broadcast %broadcast_in_dim3A_361 : i1 to vector<16xi1>
        %unique3A_363, %unique3A_364 = tpu.scan_count mask(%broadcast_in_dim3A_362 : vector<16xi1>) value(%convert_element_type3A_360 : vector<16xi32>) : vector<16xi1>, vector<16xi32>
        tpu.vector_store_idx %arg7[%convert_element_type3A_360], %unique3A_364 masked %unique3A_363 {add = true} : memref<43008xi32, #tpu.memory_space<vmem>>[vector<16xi32>], vector<16xi32>, vector<16xi1>
        %mul3A_365 = arith.mulf %exp3A_179, %div3A_320 : vector<16xf32>
        %eq3A_366 = arith.constant 3 : i32
        %eq3A_367 = vector.broadcast %eq3A_366 : i32 to vector<16xi32>
        %eq3A_368 = arith.cmpi eq, %get3A_152, %eq3A_367 : vector<16xi32>
        %sub3A_369 = arith.constant 25599.75 : f32
        %sub3A_370 = vector.broadcast %sub3A_369 : f32 to vector<16xf32>
        %sub3A_371 = arith.subf %sub3A_370, %mul3A_365 : vector<16xf32>
        %add3A_372 = arith.constant 3.072000e+03 : f32
        %add3A_373 = vector.broadcast %add3A_372 : f32 to vector<16xf32>
        %add3A_374 = arith.addf %add3A_373, %mul3A_365 : vector<16xf32>
        %select_n3A_375 = arith.select %eq3A_368, %sub3A_371, %add3A_374 : vector<16xi1>, vector<16xf32>
        %convert_element_type3A_376 = arith.fptosi %select_n3A_375 : vector<16xf32> to vector<16xi32>
        %broadcast_in_dim3A_377 = arith.constant true
        %broadcast_in_dim3A_378 = vector.broadcast %broadcast_in_dim3A_377 : i1 to vector<16xi1>
        %unique3A_379, %unique3A_380 = tpu.scan_count mask(%broadcast_in_dim3A_378 : vector<16xi1>) value(%convert_element_type3A_376 : vector<16xi32>) : vector<16xi1>, vector<16xi32>
        tpu.vector_store_idx %arg7[%convert_element_type3A_376], %unique3A_380 masked %unique3A_379 {add = true} : memref<43008xi32, #tpu.memory_space<vmem>>[vector<16xi32>], vector<16xi32>, vector<16xi1>
        %mul3A_381 = arith.mulf %exp3A_186, %div3A_320 : vector<16xf32>
        %eq3A_382 = arith.constant 4 : i32
        %eq3A_383 = vector.broadcast %eq3A_382 : i32 to vector<16xi32>
        %eq3A_384 = arith.cmpi eq, %get3A_152, %eq3A_383 : vector<16xi32>
        %sub3A_385 = arith.constant 26623.75 : f32
        %sub3A_386 = vector.broadcast %sub3A_385 : f32 to vector<16xf32>
        %sub3A_387 = arith.subf %sub3A_386, %mul3A_381 : vector<16xf32>
        %add3A_388 = arith.constant 4.096000e+03 : f32
        %add3A_389 = vector.broadcast %add3A_388 : f32 to vector<16xf32>
        %add3A_390 = arith.addf %add3A_389, %mul3A_381 : vector<16xf32>
        %select_n3A_391 = arith.select %eq3A_384, %sub3A_387, %add3A_390 : vector<16xi1>, vector<16xf32>
        %convert_element_type3A_392 = arith.fptosi %select_n3A_391 : vector<16xf32> to vector<16xi32>
        %broadcast_in_dim3A_393 = arith.constant true
        %broadcast_in_dim3A_394 = vector.broadcast %broadcast_in_dim3A_393 : i1 to vector<16xi1>
        %unique3A_395, %unique3A_396 = tpu.scan_count mask(%broadcast_in_dim3A_394 : vector<16xi1>) value(%convert_element_type3A_392 : vector<16xi32>) : vector<16xi1>, vector<16xi32>
        tpu.vector_store_idx %arg7[%convert_element_type3A_392], %unique3A_396 masked %unique3A_395 {add = true} : memref<43008xi32, #tpu.memory_space<vmem>>[vector<16xi32>], vector<16xi32>, vector<16xi1>
        %mul3A_397 = arith.mulf %exp3A_193, %div3A_320 : vector<16xf32>
        %eq3A_398 = arith.constant 5 : i32
        %eq3A_399 = vector.broadcast %eq3A_398 : i32 to vector<16xi32>
        %eq3A_400 = arith.cmpi eq, %get3A_152, %eq3A_399 : vector<16xi32>
        %sub3A_401 = arith.constant 27647.75 : f32
        %sub3A_402 = vector.broadcast %sub3A_401 : f32 to vector<16xf32>
        %sub3A_403 = arith.subf %sub3A_402, %mul3A_397 : vector<16xf32>
        %add3A_404 = arith.constant 5.120000e+03 : f32
        %add3A_405 = vector.broadcast %add3A_404 : f32 to vector<16xf32>
        %add3A_406 = arith.addf %add3A_405, %mul3A_397 : vector<16xf32>
        %select_n3A_407 = arith.select %eq3A_400, %sub3A_403, %add3A_406 : vector<16xi1>, vector<16xf32>
        %convert_element_type3A_408 = arith.fptosi %select_n3A_407 : vector<16xf32> to vector<16xi32>
        %broadcast_in_dim3A_409 = arith.constant true
        %broadcast_in_dim3A_410 = vector.broadcast %broadcast_in_dim3A_409 : i1 to vector<16xi1>
        %unique3A_411, %unique3A_412 = tpu.scan_count mask(%broadcast_in_dim3A_410 : vector<16xi1>) value(%convert_element_type3A_408 : vector<16xi32>) : vector<16xi1>, vector<16xi32>
        tpu.vector_store_idx %arg7[%convert_element_type3A_408], %unique3A_412 masked %unique3A_411 {add = true} : memref<43008xi32, #tpu.memory_space<vmem>>[vector<16xi32>], vector<16xi32>, vector<16xi1>
        %mul3A_413 = arith.mulf %exp3A_200, %div3A_320 : vector<16xf32>
        %eq3A_414 = arith.constant 6 : i32
        %eq3A_415 = vector.broadcast %eq3A_414 : i32 to vector<16xi32>
        %eq3A_416 = arith.cmpi eq, %get3A_152, %eq3A_415 : vector<16xi32>
        %sub3A_417 = arith.constant 28671.75 : f32
        %sub3A_418 = vector.broadcast %sub3A_417 : f32 to vector<16xf32>
        %sub3A_419 = arith.subf %sub3A_418, %mul3A_413 : vector<16xf32>
        %add3A_420 = arith.constant 6.144000e+03 : f32
        %add3A_421 = vector.broadcast %add3A_420 : f32 to vector<16xf32>
        %add3A_422 = arith.addf %add3A_421, %mul3A_413 : vector<16xf32>
        %select_n3A_423 = arith.select %eq3A_416, %sub3A_419, %add3A_422 : vector<16xi1>, vector<16xf32>
        %convert_element_type3A_424 = arith.fptosi %select_n3A_423 : vector<16xf32> to vector<16xi32>
        %broadcast_in_dim3A_425 = arith.constant true
        %broadcast_in_dim3A_426 = vector.broadcast %broadcast_in_dim3A_425 : i1 to vector<16xi1>
        %unique3A_427, %unique3A_428 = tpu.scan_count mask(%broadcast_in_dim3A_426 : vector<16xi1>) value(%convert_element_type3A_424 : vector<16xi32>) : vector<16xi1>, vector<16xi32>
        tpu.vector_store_idx %arg7[%convert_element_type3A_424], %unique3A_428 masked %unique3A_427 {add = true} : memref<43008xi32, #tpu.memory_space<vmem>>[vector<16xi32>], vector<16xi32>, vector<16xi1>
        %mul3A_429 = arith.mulf %exp3A_207, %div3A_320 : vector<16xf32>
        %eq3A_430 = arith.constant 7 : i32
        %eq3A_431 = vector.broadcast %eq3A_430 : i32 to vector<16xi32>
        %eq3A_432 = arith.cmpi eq, %get3A_152, %eq3A_431 : vector<16xi32>
        %sub3A_433 = arith.constant 29695.75 : f32
        %sub3A_434 = vector.broadcast %sub3A_433 : f32 to vector<16xf32>
        %sub3A_435 = arith.subf %sub3A_434, %mul3A_429 : vector<16xf32>
        %add3A_436 = arith.constant 7.168000e+03 : f32
        %add3A_437 = vector.broadcast %add3A_436 : f32 to vector<16xf32>
        %add3A_438 = arith.addf %add3A_437, %mul3A_429 : vector<16xf32>
        %select_n3A_439 = arith.select %eq3A_432, %sub3A_435, %add3A_438 : vector<16xi1>, vector<16xf32>
        %convert_element_type3A_440 = arith.fptosi %select_n3A_439 : vector<16xf32> to vector<16xi32>
        %broadcast_in_dim3A_441 = arith.constant true
        %broadcast_in_dim3A_442 = vector.broadcast %broadcast_in_dim3A_441 : i1 to vector<16xi1>
        %unique3A_443, %unique3A_444 = tpu.scan_count mask(%broadcast_in_dim3A_442 : vector<16xi1>) value(%convert_element_type3A_440 : vector<16xi32>) : vector<16xi1>, vector<16xi32>
        tpu.vector_store_idx %arg7[%convert_element_type3A_440], %unique3A_444 masked %unique3A_443 {add = true} : memref<43008xi32, #tpu.memory_space<vmem>>[vector<16xi32>], vector<16xi32>, vector<16xi1>
        %mul3A_445 = arith.mulf %exp3A_214, %div3A_320 : vector<16xf32>
        %eq3A_446 = arith.constant 8 : i32
        %eq3A_447 = vector.broadcast %eq3A_446 : i32 to vector<16xi32>
        %eq3A_448 = arith.cmpi eq, %get3A_152, %eq3A_447 : vector<16xi32>
        %sub3A_449 = arith.constant 30719.75 : f32
        %sub3A_450 = vector.broadcast %sub3A_449 : f32 to vector<16xf32>
        %sub3A_451 = arith.subf %sub3A_450, %mul3A_445 : vector<16xf32>
        %add3A_452 = arith.constant 8.192000e+03 : f32
        %add3A_453 = vector.broadcast %add3A_452 : f32 to vector<16xf32>
        %add3A_454 = arith.addf %add3A_453, %mul3A_445 : vector<16xf32>
        %select_n3A_455 = arith.select %eq3A_448, %sub3A_451, %add3A_454 : vector<16xi1>, vector<16xf32>
        %convert_element_type3A_456 = arith.fptosi %select_n3A_455 : vector<16xf32> to vector<16xi32>
        %broadcast_in_dim3A_457 = arith.constant true
        %broadcast_in_dim3A_458 = vector.broadcast %broadcast_in_dim3A_457 : i1 to vector<16xi1>
        %unique3A_459, %unique3A_460 = tpu.scan_count mask(%broadcast_in_dim3A_458 : vector<16xi1>) value(%convert_element_type3A_456 : vector<16xi32>) : vector<16xi1>, vector<16xi32>
        tpu.vector_store_idx %arg7[%convert_element_type3A_456], %unique3A_460 masked %unique3A_459 {add = true} : memref<43008xi32, #tpu.memory_space<vmem>>[vector<16xi32>], vector<16xi32>, vector<16xi1>
        %mul3A_461 = arith.mulf %exp3A_221, %div3A_320 : vector<16xf32>
        %eq3A_462 = arith.constant 9 : i32
        %eq3A_463 = vector.broadcast %eq3A_462 : i32 to vector<16xi32>
        %eq3A_464 = arith.cmpi eq, %get3A_152, %eq3A_463 : vector<16xi32>
        %sub3A_465 = arith.constant 31743.75 : f32
        %sub3A_466 = vector.broadcast %sub3A_465 : f32 to vector<16xf32>
        %sub3A_467 = arith.subf %sub3A_466, %mul3A_461 : vector<16xf32>
        %add3A_468 = arith.constant 9.216000e+03 : f32
        %add3A_469 = vector.broadcast %add3A_468 : f32 to vector<16xf32>
        %add3A_470 = arith.addf %add3A_469, %mul3A_461 : vector<16xf32>
        %select_n3A_471 = arith.select %eq3A_464, %sub3A_467, %add3A_470 : vector<16xi1>, vector<16xf32>
        %convert_element_type3A_472 = arith.fptosi %select_n3A_471 : vector<16xf32> to vector<16xi32>
        %broadcast_in_dim3A_473 = arith.constant true
        %broadcast_in_dim3A_474 = vector.broadcast %broadcast_in_dim3A_473 : i1 to vector<16xi1>
        %unique3A_475, %unique3A_476 = tpu.scan_count mask(%broadcast_in_dim3A_474 : vector<16xi1>) value(%convert_element_type3A_472 : vector<16xi32>) : vector<16xi1>, vector<16xi32>
        tpu.vector_store_idx %arg7[%convert_element_type3A_472], %unique3A_476 masked %unique3A_475 {add = true} : memref<43008xi32, #tpu.memory_space<vmem>>[vector<16xi32>], vector<16xi32>, vector<16xi1>
        %mul3A_477 = arith.mulf %exp3A_228, %div3A_320 : vector<16xf32>
        %eq3A_478 = arith.constant 10 : i32
        %eq3A_479 = vector.broadcast %eq3A_478 : i32 to vector<16xi32>
        %eq3A_480 = arith.cmpi eq, %get3A_152, %eq3A_479 : vector<16xi32>
        %sub3A_481 = arith.constant 32767.75 : f32
        %sub3A_482 = vector.broadcast %sub3A_481 : f32 to vector<16xf32>
        %sub3A_483 = arith.subf %sub3A_482, %mul3A_477 : vector<16xf32>
        %add3A_484 = arith.constant 1.024000e+04 : f32
        %add3A_485 = vector.broadcast %add3A_484 : f32 to vector<16xf32>
        %add3A_486 = arith.addf %add3A_485, %mul3A_477 : vector<16xf32>
        %select_n3A_487 = arith.select %eq3A_480, %sub3A_483, %add3A_486 : vector<16xi1>, vector<16xf32>
        %convert_element_type3A_488 = arith.fptosi %select_n3A_487 : vector<16xf32> to vector<16xi32>
        %broadcast_in_dim3A_489 = arith.constant true
        %broadcast_in_dim3A_490 = vector.broadcast %broadcast_in_dim3A_489 : i1 to vector<16xi1>
        %unique3A_491, %unique3A_492 = tpu.scan_count mask(%broadcast_in_dim3A_490 : vector<16xi1>) value(%convert_element_type3A_488 : vector<16xi32>) : vector<16xi1>, vector<16xi32>
        tpu.vector_store_idx %arg7[%convert_element_type3A_488], %unique3A_492 masked %unique3A_491 {add = true} : memref<43008xi32, #tpu.memory_space<vmem>>[vector<16xi32>], vector<16xi32>, vector<16xi1>
        %mul3A_493 = arith.mulf %exp3A_235, %div3A_320 : vector<16xf32>
        %eq3A_494 = arith.constant 11 : i32
        %eq3A_495 = vector.broadcast %eq3A_494 : i32 to vector<16xi32>
        %eq3A_496 = arith.cmpi eq, %get3A_152, %eq3A_495 : vector<16xi32>
        %sub3A_497 = arith.constant 33791.75 : f32
        %sub3A_498 = vector.broadcast %sub3A_497 : f32 to vector<16xf32>
        %sub3A_499 = arith.subf %sub3A_498, %mul3A_493 : vector<16xf32>
        %add3A_500 = arith.constant 1.126400e+04 : f32
        %add3A_501 = vector.broadcast %add3A_500 : f32 to vector<16xf32>
        %add3A_502 = arith.addf %add3A_501, %mul3A_493 : vector<16xf32>
        %select_n3A_503 = arith.select %eq3A_496, %sub3A_499, %add3A_502 : vector<16xi1>, vector<16xf32>
        %convert_element_type3A_504 = arith.fptosi %select_n3A_503 : vector<16xf32> to vector<16xi32>
        %broadcast_in_dim3A_505 = arith.constant true
        %broadcast_in_dim3A_506 = vector.broadcast %broadcast_in_dim3A_505 : i1 to vector<16xi1>
        %unique3A_507, %unique3A_508 = tpu.scan_count mask(%broadcast_in_dim3A_506 : vector<16xi1>) value(%convert_element_type3A_504 : vector<16xi32>) : vector<16xi1>, vector<16xi32>
        tpu.vector_store_idx %arg7[%convert_element_type3A_504], %unique3A_508 masked %unique3A_507 {add = true} : memref<43008xi32, #tpu.memory_space<vmem>>[vector<16xi32>], vector<16xi32>, vector<16xi1>
        %mul3A_509 = arith.mulf %exp3A_242, %div3A_320 : vector<16xf32>
        %eq3A_510 = arith.constant 12 : i32
        %eq3A_511 = vector.broadcast %eq3A_510 : i32 to vector<16xi32>
        %eq3A_512 = arith.cmpi eq, %get3A_152, %eq3A_511 : vector<16xi32>
        %sub3A_513 = arith.constant 34815.75 : f32
        %sub3A_514 = vector.broadcast %sub3A_513 : f32 to vector<16xf32>
        %sub3A_515 = arith.subf %sub3A_514, %mul3A_509 : vector<16xf32>
        %add3A_516 = arith.constant 1.228800e+04 : f32
        %add3A_517 = vector.broadcast %add3A_516 : f32 to vector<16xf32>
        %add3A_518 = arith.addf %add3A_517, %mul3A_509 : vector<16xf32>
        %select_n3A_519 = arith.select %eq3A_512, %sub3A_515, %add3A_518 : vector<16xi1>, vector<16xf32>
        %convert_element_type3A_520 = arith.fptosi %select_n3A_519 : vector<16xf32> to vector<16xi32>
        %broadcast_in_dim3A_521 = arith.constant true
        %broadcast_in_dim3A_522 = vector.broadcast %broadcast_in_dim3A_521 : i1 to vector<16xi1>
        %unique3A_523, %unique3A_524 = tpu.scan_count mask(%broadcast_in_dim3A_522 : vector<16xi1>) value(%convert_element_type3A_520 : vector<16xi32>) : vector<16xi1>, vector<16xi32>
        tpu.vector_store_idx %arg7[%convert_element_type3A_520], %unique3A_524 masked %unique3A_523 {add = true} : memref<43008xi32, #tpu.memory_space<vmem>>[vector<16xi32>], vector<16xi32>, vector<16xi1>
        %mul3A_525 = arith.mulf %exp3A_249, %div3A_320 : vector<16xf32>
        %eq3A_526 = arith.constant 13 : i32
        %eq3A_527 = vector.broadcast %eq3A_526 : i32 to vector<16xi32>
        %eq3A_528 = arith.cmpi eq, %get3A_152, %eq3A_527 : vector<16xi32>
        %sub3A_529 = arith.constant 35839.75 : f32
        %sub3A_530 = vector.broadcast %sub3A_529 : f32 to vector<16xf32>
        %sub3A_531 = arith.subf %sub3A_530, %mul3A_525 : vector<16xf32>
        %add3A_532 = arith.constant 1.331200e+04 : f32
        %add3A_533 = vector.broadcast %add3A_532 : f32 to vector<16xf32>
        %add3A_534 = arith.addf %add3A_533, %mul3A_525 : vector<16xf32>
        %select_n3A_535 = arith.select %eq3A_528, %sub3A_531, %add3A_534 : vector<16xi1>, vector<16xf32>
        %convert_element_type3A_536 = arith.fptosi %select_n3A_535 : vector<16xf32> to vector<16xi32>
        %broadcast_in_dim3A_537 = arith.constant true
        %broadcast_in_dim3A_538 = vector.broadcast %broadcast_in_dim3A_537 : i1 to vector<16xi1>
        %unique3A_539, %unique3A_540 = tpu.scan_count mask(%broadcast_in_dim3A_538 : vector<16xi1>) value(%convert_element_type3A_536 : vector<16xi32>) : vector<16xi1>, vector<16xi32>
        tpu.vector_store_idx %arg7[%convert_element_type3A_536], %unique3A_540 masked %unique3A_539 {add = true} : memref<43008xi32, #tpu.memory_space<vmem>>[vector<16xi32>], vector<16xi32>, vector<16xi1>
        %mul3A_541 = arith.mulf %exp3A_256, %div3A_320 : vector<16xf32>
        %eq3A_542 = arith.constant 14 : i32
        %eq3A_543 = vector.broadcast %eq3A_542 : i32 to vector<16xi32>
        %eq3A_544 = arith.cmpi eq, %get3A_152, %eq3A_543 : vector<16xi32>
        %sub3A_545 = arith.constant 36863.75 : f32
        %sub3A_546 = vector.broadcast %sub3A_545 : f32 to vector<16xf32>
        %sub3A_547 = arith.subf %sub3A_546, %mul3A_541 : vector<16xf32>
        %add3A_548 = arith.constant 1.433600e+04 : f32
        %add3A_549 = vector.broadcast %add3A_548 : f32 to vector<16xf32>
        %add3A_550 = arith.addf %add3A_549, %mul3A_541 : vector<16xf32>
        %select_n3A_551 = arith.select %eq3A_544, %sub3A_547, %add3A_550 : vector<16xi1>, vector<16xf32>
        %convert_element_type3A_552 = arith.fptosi %select_n3A_551 : vector<16xf32> to vector<16xi32>
        %broadcast_in_dim3A_553 = arith.constant true
        %broadcast_in_dim3A_554 = vector.broadcast %broadcast_in_dim3A_553 : i1 to vector<16xi1>
        %unique3A_555, %unique3A_556 = tpu.scan_count mask(%broadcast_in_dim3A_554 : vector<16xi1>) value(%convert_element_type3A_552 : vector<16xi32>) : vector<16xi1>, vector<16xi32>
        tpu.vector_store_idx %arg7[%convert_element_type3A_552], %unique3A_556 masked %unique3A_555 {add = true} : memref<43008xi32, #tpu.memory_space<vmem>>[vector<16xi32>], vector<16xi32>, vector<16xi1>
        %mul3A_557 = arith.mulf %exp3A_263, %div3A_320 : vector<16xf32>
        %eq3A_558 = arith.constant 15 : i32
        %eq3A_559 = vector.broadcast %eq3A_558 : i32 to vector<16xi32>
        %eq3A_560 = arith.cmpi eq, %get3A_152, %eq3A_559 : vector<16xi32>
        %sub3A_561 = arith.constant 37887.75 : f32
        %sub3A_562 = vector.broadcast %sub3A_561 : f32 to vector<16xf32>
        %sub3A_563 = arith.subf %sub3A_562, %mul3A_557 : vector<16xf32>
        %add3A_564 = arith.constant 1.536000e+04 : f32
        %add3A_565 = vector.broadcast %add3A_564 : f32 to vector<16xf32>
        %add3A_566 = arith.addf %add3A_565, %mul3A_557 : vector<16xf32>
        %select_n3A_567 = arith.select %eq3A_560, %sub3A_563, %add3A_566 : vector<16xi1>, vector<16xf32>
        %convert_element_type3A_568 = arith.fptosi %select_n3A_567 : vector<16xf32> to vector<16xi32>
        %broadcast_in_dim3A_569 = arith.constant true
        %broadcast_in_dim3A_570 = vector.broadcast %broadcast_in_dim3A_569 : i1 to vector<16xi1>
        %unique3A_571, %unique3A_572 = tpu.scan_count mask(%broadcast_in_dim3A_570 : vector<16xi1>) value(%convert_element_type3A_568 : vector<16xi32>) : vector<16xi1>, vector<16xi32>
        tpu.vector_store_idx %arg7[%convert_element_type3A_568], %unique3A_572 masked %unique3A_571 {add = true} : memref<43008xi32, #tpu.memory_space<vmem>>[vector<16xi32>], vector<16xi32>, vector<16xi1>
        %mul3A_573 = arith.mulf %exp3A_270, %div3A_320 : vector<16xf32>
        %eq3A_574 = arith.constant 16 : i32
        %eq3A_575 = vector.broadcast %eq3A_574 : i32 to vector<16xi32>
        %eq3A_576 = arith.cmpi eq, %get3A_152, %eq3A_575 : vector<16xi32>
        %sub3A_577 = arith.constant 38911.75 : f32
        %sub3A_578 = vector.broadcast %sub3A_577 : f32 to vector<16xf32>
        %sub3A_579 = arith.subf %sub3A_578, %mul3A_573 : vector<16xf32>
        %add3A_580 = arith.constant 1.638400e+04 : f32
        %add3A_581 = vector.broadcast %add3A_580 : f32 to vector<16xf32>
        %add3A_582 = arith.addf %add3A_581, %mul3A_573 : vector<16xf32>
        %select_n3A_583 = arith.select %eq3A_576, %sub3A_579, %add3A_582 : vector<16xi1>, vector<16xf32>
        %convert_element_type3A_584 = arith.fptosi %select_n3A_583 : vector<16xf32> to vector<16xi32>
        %broadcast_in_dim3A_585 = arith.constant true
        %broadcast_in_dim3A_586 = vector.broadcast %broadcast_in_dim3A_585 : i1 to vector<16xi1>
        %unique3A_587, %unique3A_588 = tpu.scan_count mask(%broadcast_in_dim3A_586 : vector<16xi1>) value(%convert_element_type3A_584 : vector<16xi32>) : vector<16xi1>, vector<16xi32>
        tpu.vector_store_idx %arg7[%convert_element_type3A_584], %unique3A_588 masked %unique3A_587 {add = true} : memref<43008xi32, #tpu.memory_space<vmem>>[vector<16xi32>], vector<16xi32>, vector<16xi1>
        %mul3A_589 = arith.mulf %exp3A_277, %div3A_320 : vector<16xf32>
        %eq3A_590 = arith.constant 17 : i32
        %eq3A_591 = vector.broadcast %eq3A_590 : i32 to vector<16xi32>
        %eq3A_592 = arith.cmpi eq, %get3A_152, %eq3A_591 : vector<16xi32>
        %sub3A_593 = arith.constant 39935.75 : f32
        %sub3A_594 = vector.broadcast %sub3A_593 : f32 to vector<16xf32>
        %sub3A_595 = arith.subf %sub3A_594, %mul3A_589 : vector<16xf32>
        %add3A_596 = arith.constant 1.740800e+04 : f32
        %add3A_597 = vector.broadcast %add3A_596 : f32 to vector<16xf32>
        %add3A_598 = arith.addf %add3A_597, %mul3A_589 : vector<16xf32>
        %select_n3A_599 = arith.select %eq3A_592, %sub3A_595, %add3A_598 : vector<16xi1>, vector<16xf32>
        %convert_element_type3A_600 = arith.fptosi %select_n3A_599 : vector<16xf32> to vector<16xi32>
        %broadcast_in_dim3A_601 = arith.constant true
        %broadcast_in_dim3A_602 = vector.broadcast %broadcast_in_dim3A_601 : i1 to vector<16xi1>
        %unique3A_603, %unique3A_604 = tpu.scan_count mask(%broadcast_in_dim3A_602 : vector<16xi1>) value(%convert_element_type3A_600 : vector<16xi32>) : vector<16xi1>, vector<16xi32>
        tpu.vector_store_idx %arg7[%convert_element_type3A_600], %unique3A_604 masked %unique3A_603 {add = true} : memref<43008xi32, #tpu.memory_space<vmem>>[vector<16xi32>], vector<16xi32>, vector<16xi1>
        %mul3A_605 = arith.mulf %exp3A_284, %div3A_320 : vector<16xf32>
        %eq3A_606 = arith.constant 18 : i32
        %eq3A_607 = vector.broadcast %eq3A_606 : i32 to vector<16xi32>
        %eq3A_608 = arith.cmpi eq, %get3A_152, %eq3A_607 : vector<16xi32>
        %sub3A_609 = arith.constant 40959.75 : f32
        %sub3A_610 = vector.broadcast %sub3A_609 : f32 to vector<16xf32>
        %sub3A_611 = arith.subf %sub3A_610, %mul3A_605 : vector<16xf32>
        %add3A_612 = arith.constant 1.843200e+04 : f32
        %add3A_613 = vector.broadcast %add3A_612 : f32 to vector<16xf32>
        %add3A_614 = arith.addf %add3A_613, %mul3A_605 : vector<16xf32>
        %select_n3A_615 = arith.select %eq3A_608, %sub3A_611, %add3A_614 : vector<16xi1>, vector<16xf32>
        %convert_element_type3A_616 = arith.fptosi %select_n3A_615 : vector<16xf32> to vector<16xi32>
        %broadcast_in_dim3A_617 = arith.constant true
        %broadcast_in_dim3A_618 = vector.broadcast %broadcast_in_dim3A_617 : i1 to vector<16xi1>
        %unique3A_619, %unique3A_620 = tpu.scan_count mask(%broadcast_in_dim3A_618 : vector<16xi1>) value(%convert_element_type3A_616 : vector<16xi32>) : vector<16xi1>, vector<16xi32>
        tpu.vector_store_idx %arg7[%convert_element_type3A_616], %unique3A_620 masked %unique3A_619 {add = true} : memref<43008xi32, #tpu.memory_space<vmem>>[vector<16xi32>], vector<16xi32>, vector<16xi1>
        %mul3A_621 = arith.mulf %exp3A_291, %div3A_320 : vector<16xf32>
        %eq3A_622 = arith.constant 19 : i32
        %eq3A_623 = vector.broadcast %eq3A_622 : i32 to vector<16xi32>
        %eq3A_624 = arith.cmpi eq, %get3A_152, %eq3A_623 : vector<16xi32>
        %sub3A_625 = arith.constant 41983.75 : f32
        %sub3A_626 = vector.broadcast %sub3A_625 : f32 to vector<16xf32>
        %sub3A_627 = arith.subf %sub3A_626, %mul3A_621 : vector<16xf32>
        %add3A_628 = arith.constant 1.945600e+04 : f32
        %add3A_629 = vector.broadcast %add3A_628 : f32 to vector<16xf32>
        %add3A_630 = arith.addf %add3A_629, %mul3A_621 : vector<16xf32>
        %select_n3A_631 = arith.select %eq3A_624, %sub3A_627, %add3A_630 : vector<16xi1>, vector<16xf32>
        %convert_element_type3A_632 = arith.fptosi %select_n3A_631 : vector<16xf32> to vector<16xi32>
        %broadcast_in_dim3A_633 = arith.constant true
        %broadcast_in_dim3A_634 = vector.broadcast %broadcast_in_dim3A_633 : i1 to vector<16xi1>
        %unique3A_635, %unique3A_636 = tpu.scan_count mask(%broadcast_in_dim3A_634 : vector<16xi1>) value(%convert_element_type3A_632 : vector<16xi32>) : vector<16xi1>, vector<16xi32>
        tpu.vector_store_idx %arg7[%convert_element_type3A_632], %unique3A_636 masked %unique3A_635 {add = true} : memref<43008xi32, #tpu.memory_space<vmem>>[vector<16xi32>], vector<16xi32>, vector<16xi1>
        %mul3A_637 = arith.mulf %exp3A_298, %div3A_320 : vector<16xf32>
        %eq3A_638 = arith.constant 20 : i32
        %eq3A_639 = vector.broadcast %eq3A_638 : i32 to vector<16xi32>
        %eq3A_640 = arith.cmpi eq, %get3A_152, %eq3A_639 : vector<16xi32>
        %sub3A_641 = arith.constant 43007.75 : f32
        %sub3A_642 = vector.broadcast %sub3A_641 : f32 to vector<16xf32>
        %sub3A_643 = arith.subf %sub3A_642, %mul3A_637 : vector<16xf32>
        %add3A_644 = arith.constant 2.048000e+04 : f32
        %add3A_645 = vector.broadcast %add3A_644 : f32 to vector<16xf32>
        %add3A_646 = arith.addf %add3A_645, %mul3A_637 : vector<16xf32>
        %select_n3A_647 = arith.select %eq3A_640, %sub3A_643, %add3A_646 : vector<16xi1>, vector<16xf32>
        %convert_element_type3A_648 = arith.fptosi %select_n3A_647 : vector<16xf32> to vector<16xi32>
        %broadcast_in_dim3A_649 = arith.constant true
        %broadcast_in_dim3A_650 = vector.broadcast %broadcast_in_dim3A_649 : i1 to vector<16xi1>
        %unique3A_651, %unique3A_652 = tpu.scan_count mask(%broadcast_in_dim3A_650 : vector<16xi1>) value(%convert_element_type3A_648 : vector<16xi32>) : vector<16xi1>, vector<16xi32>
        tpu.vector_store_idx %arg7[%convert_element_type3A_648], %unique3A_652 masked %unique3A_651 {add = true} : memref<43008xi32, #tpu.memory_space<vmem>>[vector<16xi32>], vector<16xi32>, vector<16xi1>
        %mul3A_653 = arith.constant 32 : i32
        %mul3A_654 = arith.muli %scan3A_147, %mul3A_653 : i32
        %add3A_655 = arith.constant 16 : i32
        %add3A_656 = arith.addi %mul3A_654, %add3A_655 : i32
        %get3A_657 = arith.constant 0 : i32
        %get3A_658 = arith.index_cast %get3A_657 : i32 to index
        %get3A_659 = arith.index_cast %add3A_656 : i32 to index
        %get3A_660 = tpu.vector_load %arg6[%get3A_658, %get3A_659] {strides = array<i32>} : memref<2x512xi32, #tpu.memory_space<vmem>>, vector<16xi32>,
        %get3A_661 = arith.constant 0 : i32
        %get3A_662 = arith.constant 0 : i32
        %get3A_663 = arith.index_cast %get3A_661 : i32 to index
        %get3A_664 = arith.index_cast %get3A_662 : i32 to index
        %get3A_665 = arith.index_cast %add3A_656 : i32 to index
        %get3A_666 = tpu.vector_load %arg5[%get3A_663, %get3A_664, %get3A_665] {strides = array<i32>} : memref<2x21x512xf32, #tpu.memory_space<vmem>>, vector<16xf32>,
        %exp3A_667 = math.exp %get3A_666 : vector<16xf32>
        %get3A_668 = arith.constant 0 : i32
        %get3A_669 = arith.constant 1 : i32
        %get3A_670 = arith.index_cast %get3A_668 : i32 to index
        %get3A_671 = arith.index_cast %get3A_669 : i32 to index
        %get3A_672 = arith.index_cast %add3A_656 : i32 to index
        %get3A_673 = tpu.vector_load %arg5[%get3A_670, %get3A_671, %get3A_672] {strides = array<i32>} : memref<2x21x512xf32, #tpu.memory_space<vmem>>, vector<16xf32>,
        %exp3A_674 = math.exp %get3A_673 : vector<16xf32>
        %get3A_675 = arith.constant 0 : i32
        %get3A_676 = arith.constant 2 : i32
        %get3A_677 = arith.index_cast %get3A_675 : i32 to index
        %get3A_678 = arith.index_cast %get3A_676 : i32 to index
        %get3A_679 = arith.index_cast %add3A_656 : i32 to index
        %get3A_680 = tpu.vector_load %arg5[%get3A_677, %get3A_678, %get3A_679] {strides = array<i32>} : memref<2x21x512xf32, #tpu.memory_space<vmem>>, vector<16xf32>,
        %exp3A_681 = math.exp %get3A_680 : vector<16xf32>
        %get3A_682 = arith.constant 0 : i32
        %get3A_683 = arith.constant 3 : i32
        %get3A_684 = arith.index_cast %get3A_682 : i32 to index
        %get3A_685 = arith.index_cast %get3A_683 : i32 to index
        %get3A_686 = arith.index_cast %add3A_656 : i32 to index
        %get3A_687 = tpu.vector_load %arg5[%get3A_684, %get3A_685, %get3A_686] {strides = array<i32>} : memref<2x21x512xf32, #tpu.memory_space<vmem>>, vector<16xf32>,
        %exp3A_688 = math.exp %get3A_687 : vector<16xf32>
        %get3A_689 = arith.constant 0 : i32
        %get3A_690 = arith.constant 4 : i32
        %get3A_691 = arith.index_cast %get3A_689 : i32 to index
        %get3A_692 = arith.index_cast %get3A_690 : i32 to index
        %get3A_693 = arith.index_cast %add3A_656 : i32 to index
        %get3A_694 = tpu.vector_load %arg5[%get3A_691, %get3A_692, %get3A_693] {strides = array<i32>} : memref<2x21x512xf32, #tpu.memory_space<vmem>>, vector<16xf32>,
        %exp3A_695 = math.exp %get3A_694 : vector<16xf32>
        %get3A_696 = arith.constant 0 : i32
        %get3A_697 = arith.constant 5 : i32
        %get3A_698 = arith.index_cast %get3A_696 : i32 to index
        %get3A_699 = arith.index_cast %get3A_697 : i32 to index
        %get3A_700 = arith.index_cast %add3A_656 : i32 to index
        %get3A_701 = tpu.vector_load %arg5[%get3A_698, %get3A_699, %get3A_700] {strides = array<i32>} : memref<2x21x512xf32, #tpu.memory_space<vmem>>, vector<16xf32>,
        %exp3A_702 = math.exp %get3A_701 : vector<16xf32>
        %get3A_703 = arith.constant 0 : i32
        %get3A_704 = arith.constant 6 : i32
        %get3A_705 = arith.index_cast %get3A_703 : i32 to index
        %get3A_706 = arith.index_cast %get3A_704 : i32 to index
        %get3A_707 = arith.index_cast %add3A_656 : i32 to index
        %get3A_708 = tpu.vector_load %arg5[%get3A_705, %get3A_706, %get3A_707] {strides = array<i32>} : memref<2x21x512xf32, #tpu.memory_space<vmem>>, vector<16xf32>,
        %exp3A_709 = math.exp %get3A_708 : vector<16xf32>
        %get3A_710 = arith.constant 0 : i32
        %get3A_711 = arith.constant 7 : i32
        %get3A_712 = arith.index_cast %get3A_710 : i32 to index
        %get3A_713 = arith.index_cast %get3A_711 : i32 to index
        %get3A_714 = arith.index_cast %add3A_656 : i32 to index
        %get3A_715 = tpu.vector_load %arg5[%get3A_712, %get3A_713, %get3A_714] {strides = array<i32>} : memref<2x21x512xf32, #tpu.memory_space<vmem>>, vector<16xf32>,
        %exp3A_716 = math.exp %get3A_715 : vector<16xf32>
        %get3A_717 = arith.constant 0 : i32
        %get3A_718 = arith.constant 8 : i32
        %get3A_719 = arith.index_cast %get3A_717 : i32 to index
        %get3A_720 = arith.index_cast %get3A_718 : i32 to index
        %get3A_721 = arith.index_cast %add3A_656 : i32 to index
        %get3A_722 = tpu.vector_load %arg5[%get3A_719, %get3A_720, %get3A_721] {strides = array<i32>} : memref<2x21x512xf32, #tpu.memory_space<vmem>>, vector<16xf32>,
        %exp3A_723 = math.exp %get3A_722 : vector<16xf32>
        %get3A_724 = arith.constant 0 : i32
        %get3A_725 = arith.constant 9 : i32
        %get3A_726 = arith.index_cast %get3A_724 : i32 to index
        %get3A_727 = arith.index_cast %get3A_725 : i32 to index
        %get3A_728 = arith.index_cast %add3A_656 : i32 to index
        %get3A_729 = tpu.vector_load %arg5[%get3A_726, %get3A_727, %get3A_728] {strides = array<i32>} : memref<2x21x512xf32, #tpu.memory_space<vmem>>, vector<16xf32>,
        %exp3A_730 = math.exp %get3A_729 : vector<16xf32>
        %get3A_731 = arith.constant 0 : i32
        %get3A_732 = arith.constant 10 : i32
        %get3A_733 = arith.index_cast %get3A_731 : i32 to index
        %get3A_734 = arith.index_cast %get3A_732 : i32 to index
        %get3A_735 = arith.index_cast %add3A_656 : i32 to index
        %get3A_736 = tpu.vector_load %arg5[%get3A_733, %get3A_734, %get3A_735] {strides = array<i32>} : memref<2x21x512xf32, #tpu.memory_space<vmem>>, vector<16xf32>,
        %exp3A_737 = math.exp %get3A_736 : vector<16xf32>
        %get3A_738 = arith.constant 0 : i32
        %get3A_739 = arith.constant 11 : i32
        %get3A_740 = arith.index_cast %get3A_738 : i32 to index
        %get3A_741 = arith.index_cast %get3A_739 : i32 to index
        %get3A_742 = arith.index_cast %add3A_656 : i32 to index
        %get3A_743 = tpu.vector_load %arg5[%get3A_740, %get3A_741, %get3A_742] {strides = array<i32>} : memref<2x21x512xf32, #tpu.memory_space<vmem>>, vector<16xf32>,
        %exp3A_744 = math.exp %get3A_743 : vector<16xf32>
        %get3A_745 = arith.constant 0 : i32
        %get3A_746 = arith.constant 12 : i32
        %get3A_747 = arith.index_cast %get3A_745 : i32 to index
        %get3A_748 = arith.index_cast %get3A_746 : i32 to index
        %get3A_749 = arith.index_cast %add3A_656 : i32 to index
        %get3A_750 = tpu.vector_load %arg5[%get3A_747, %get3A_748, %get3A_749] {strides = array<i32>} : memref<2x21x512xf32, #tpu.memory_space<vmem>>, vector<16xf32>,
        %exp3A_751 = math.exp %get3A_750 : vector<16xf32>
        %get3A_752 = arith.constant 0 : i32
        %get3A_753 = arith.constant 13 : i32
        %get3A_754 = arith.index_cast %get3A_752 : i32 to index
        %get3A_755 = arith.index_cast %get3A_753 : i32 to index
        %get3A_756 = arith.index_cast %add3A_656 : i32 to index
        %get3A_757 = tpu.vector_load %arg5[%get3A_754, %get3A_755, %get3A_756] {strides = array<i32>} : memref<2x21x512xf32, #tpu.memory_space<vmem>>, vector<16xf32>,
        %exp3A_758 = math.exp %get3A_757 : vector<16xf32>
        %get3A_759 = arith.constant 0 : i32
        %get3A_760 = arith.constant 14 : i32
        %get3A_761 = arith.index_cast %get3A_759 : i32 to index
        %get3A_762 = arith.index_cast %get3A_760 : i32 to index
        %get3A_763 = arith.index_cast %add3A_656 : i32 to index
        %get3A_764 = tpu.vector_load %arg5[%get3A_761, %get3A_762, %get3A_763] {strides = array<i32>} : memref<2x21x512xf32, #tpu.memory_space<vmem>>, vector<16xf32>,
        %exp3A_765 = math.exp %get3A_764 : vector<16xf32>
        %get3A_766 = arith.constant 0 : i32
        %get3A_767 = arith.constant 15 : i32
        %get3A_768 = arith.index_cast %get3A_766 : i32 to index
        %get3A_769 = arith.index_cast %get3A_767 : i32 to index
        %get3A_770 = arith.index_cast %add3A_656 : i32 to index
        %get3A_771 = tpu.vector_load %arg5[%get3A_768, %get3A_769, %get3A_770] {strides = array<i32>} : memref<2x21x512xf32, #tpu.memory_space<vmem>>, vector<16xf32>,
        %exp3A_772 = math.exp %get3A_771 : vector<16xf32>
        %get3A_773 = arith.constant 0 : i32
        %get3A_774 = arith.constant 16 : i32
        %get3A_775 = arith.index_cast %get3A_773 : i32 to index
        %get3A_776 = arith.index_cast %get3A_774 : i32 to index
        %get3A_777 = arith.index_cast %add3A_656 : i32 to index
        %get3A_778 = tpu.vector_load %arg5[%get3A_775, %get3A_776, %get3A_777] {strides = array<i32>} : memref<2x21x512xf32, #tpu.memory_space<vmem>>, vector<16xf32>,
        %exp3A_779 = math.exp %get3A_778 : vector<16xf32>
        %get3A_780 = arith.constant 0 : i32
        %get3A_781 = arith.constant 17 : i32
        %get3A_782 = arith.index_cast %get3A_780 : i32 to index
        %get3A_783 = arith.index_cast %get3A_781 : i32 to index
        %get3A_784 = arith.index_cast %add3A_656 : i32 to index
        %get3A_785 = tpu.vector_load %arg5[%get3A_782, %get3A_783, %get3A_784] {strides = array<i32>} : memref<2x21x512xf32, #tpu.memory_space<vmem>>, vector<16xf32>,
        %exp3A_786 = math.exp %get3A_785 : vector<16xf32>
        %get3A_787 = arith.constant 0 : i32
        %get3A_788 = arith.constant 18 : i32
        %get3A_789 = arith.index_cast %get3A_787 : i32 to index
        %get3A_790 = arith.index_cast %get3A_788 : i32 to index
        %get3A_791 = arith.index_cast %add3A_656 : i32 to index
        %get3A_792 = tpu.vector_load %arg5[%get3A_789, %get3A_790, %get3A_791] {strides = array<i32>} : memref<2x21x512xf32, #tpu.memory_space<vmem>>, vector<16xf32>,
        %exp3A_793 = math.exp %get3A_792 : vector<16xf32>
        %get3A_794 = arith.constant 0 : i32
        %get3A_795 = arith.constant 19 : i32
        %get3A_796 = arith.index_cast %get3A_794 : i32 to index
        %get3A_797 = arith.index_cast %get3A_795 : i32 to index
        %get3A_798 = arith.index_cast %add3A_656 : i32 to index
        %get3A_799 = tpu.vector_load %arg5[%get3A_796, %get3A_797, %get3A_798] {strides = array<i32>} : memref<2x21x512xf32, #tpu.memory_space<vmem>>, vector<16xf32>,
        %exp3A_800 = math.exp %get3A_799 : vector<16xf32>
        %get3A_801 = arith.constant 0 : i32
        %get3A_802 = arith.constant 20 : i32
        %get3A_803 = arith.index_cast %get3A_801 : i32 to index
        %get3A_804 = arith.index_cast %get3A_802 : i32 to index
        %get3A_805 = arith.index_cast %add3A_656 : i32 to index
        %get3A_806 = tpu.vector_load %arg5[%get3A_803, %get3A_804, %get3A_805] {strides = array<i32>} : memref<2x21x512xf32, #tpu.memory_space<vmem>>, vector<16xf32>,
        %exp3A_807 = math.exp %get3A_806 : vector<16xf32>
        %add3A_808 = arith.addf %exp3A_667, %exp3A_674 : vector<16xf32>
        %add3A_809 = arith.addf %exp3A_681, %exp3A_688 : vector<16xf32>
        %add3A_810 = arith.addf %exp3A_695, %exp3A_702 : vector<16xf32>
        %add3A_811 = arith.addf %exp3A_709, %exp3A_716 : vector<16xf32>
        %add3A_812 = arith.addf %exp3A_723, %exp3A_730 : vector<16xf32>
        %add3A_813 = arith.addf %exp3A_737, %exp3A_744 : vector<16xf32>
        %add3A_814 = arith.addf %exp3A_751, %exp3A_758 : vector<16xf32>
        %add3A_815 = arith.addf %exp3A_765, %exp3A_772 : vector<16xf32>
        %add3A_816 = arith.addf %exp3A_779, %exp3A_786 : vector<16xf32>
        %add3A_817 = arith.addf %exp3A_793, %exp3A_800 : vector<16xf32>
        %add3A_818 = arith.addf %add3A_808, %add3A_809 : vector<16xf32>
        %add3A_819 = arith.addf %add3A_810, %add3A_811 : vector<16xf32>
        %add3A_820 = arith.addf %add3A_812, %add3A_813 : vector<16xf32>
        %add3A_821 = arith.addf %add3A_814, %add3A_815 : vector<16xf32>
        %add3A_822 = arith.addf %add3A_816, %add3A_817 : vector<16xf32>
        %add3A_823 = arith.addf %add3A_818, %add3A_819 : vector<16xf32>
        %add3A_824 = arith.addf %add3A_820, %add3A_821 : vector<16xf32>
        %add3A_825 = arith.addf %add3A_822, %exp3A_807 : vector<16xf32>
        %add3A_826 = arith.addf %add3A_823, %add3A_824 : vector<16xf32>
        %add3A_827 = arith.addf %add3A_826, %add3A_825 : vector<16xf32>
        %div3A_828 = arith.constant 1.023500e+03 : f32
        %div3A_829 = vector.broadcast %div3A_828 : f32 to vector<16xf32>
        %div3A_830 = arith.divf %div3A_829, %add3A_827 : vector<16xf32>
        %mul3A_831 = arith.mulf %exp3A_667, %div3A_830 : vector<16xf32>
        %eq3A_832 = arith.constant 0 : i32
        %eq3A_833 = vector.broadcast %eq3A_832 : i32 to vector<16xi32>
        %eq3A_834 = arith.cmpi eq, %get3A_660, %eq3A_833 : vector<16xi32>
        %sub3A_835 = arith.constant 22527.75 : f32
        %sub3A_836 = vector.broadcast %sub3A_835 : f32 to vector<16xf32>
        %sub3A_837 = arith.subf %sub3A_836, %mul3A_831 : vector<16xf32>
        %add3A_838 = arith.constant 0.000000e+00 : f32
        %add3A_839 = vector.broadcast %add3A_838 : f32 to vector<16xf32>
        %add3A_840 = arith.addf %add3A_839, %mul3A_831 : vector<16xf32>
        %select_n3A_841 = arith.select %eq3A_834, %sub3A_837, %add3A_840 : vector<16xi1>, vector<16xf32>
        %convert_element_type3A_842 = arith.fptosi %select_n3A_841 : vector<16xf32> to vector<16xi32>
        %broadcast_in_dim3A_843 = arith.constant true
        %broadcast_in_dim3A_844 = vector.broadcast %broadcast_in_dim3A_843 : i1 to vector<16xi1>
        %unique3A_845, %unique3A_846 = tpu.scan_count mask(%broadcast_in_dim3A_844 : vector<16xi1>) value(%convert_element_type3A_842 : vector<16xi32>) : vector<16xi1>, vector<16xi32>
        tpu.vector_store_idx %arg7[%convert_element_type3A_842], %unique3A_846 masked %unique3A_845 {add = true} : memref<43008xi32, #tpu.memory_space<vmem>>[vector<16xi32>], vector<16xi32>, vector<16xi1>
        %mul3A_847 = arith.mulf %exp3A_674, %div3A_830 : vector<16xf32>
        %eq3A_848 = arith.constant 1 : i32
        %eq3A_849 = vector.broadcast %eq3A_848 : i32 to vector<16xi32>
        %eq3A_850 = arith.cmpi eq, %get3A_660, %eq3A_849 : vector<16xi32>
        %sub3A_851 = arith.constant 23551.75 : f32
        %sub3A_852 = vector.broadcast %sub3A_851 : f32 to vector<16xf32>
        %sub3A_853 = arith.subf %sub3A_852, %mul3A_847 : vector<16xf32>
        %add3A_854 = arith.constant 1.024000e+03 : f32
        %add3A_855 = vector.broadcast %add3A_854 : f32 to vector<16xf32>
        %add3A_856 = arith.addf %add3A_855, %mul3A_847 : vector<16xf32>
        %select_n3A_857 = arith.select %eq3A_850, %sub3A_853, %add3A_856 : vector<16xi1>, vector<16xf32>
        %convert_element_type3A_858 = arith.fptosi %select_n3A_857 : vector<16xf32> to vector<16xi32>
        %broadcast_in_dim3A_859 = arith.constant true
        %broadcast_in_dim3A_860 = vector.broadcast %broadcast_in_dim3A_859 : i1 to vector<16xi1>
        %unique3A_861, %unique3A_862 = tpu.scan_count mask(%broadcast_in_dim3A_860 : vector<16xi1>) value(%convert_element_type3A_858 : vector<16xi32>) : vector<16xi1>, vector<16xi32>
        tpu.vector_store_idx %arg7[%convert_element_type3A_858], %unique3A_862 masked %unique3A_861 {add = true} : memref<43008xi32, #tpu.memory_space<vmem>>[vector<16xi32>], vector<16xi32>, vector<16xi1>
        %mul3A_863 = arith.mulf %exp3A_681, %div3A_830 : vector<16xf32>
        %eq3A_864 = arith.constant 2 : i32
        %eq3A_865 = vector.broadcast %eq3A_864 : i32 to vector<16xi32>
        %eq3A_866 = arith.cmpi eq, %get3A_660, %eq3A_865 : vector<16xi32>
        %sub3A_867 = arith.constant 24575.75 : f32
        %sub3A_868 = vector.broadcast %sub3A_867 : f32 to vector<16xf32>
        %sub3A_869 = arith.subf %sub3A_868, %mul3A_863 : vector<16xf32>
        %add3A_870 = arith.constant 2.048000e+03 : f32
        %add3A_871 = vector.broadcast %add3A_870 : f32 to vector<16xf32>
        %add3A_872 = arith.addf %add3A_871, %mul3A_863 : vector<16xf32>
        %select_n3A_873 = arith.select %eq3A_866, %sub3A_869, %add3A_872 : vector<16xi1>, vector<16xf32>
        %convert_element_type3A_874 = arith.fptosi %select_n3A_873 : vector<16xf32> to vector<16xi32>
        %broadcast_in_dim3A_875 = arith.constant true
        %broadcast_in_dim3A_876 = vector.broadcast %broadcast_in_dim3A_875 : i1 to vector<16xi1>
        %unique3A_877, %unique3A_878 = tpu.scan_count mask(%broadcast_in_dim3A_876 : vector<16xi1>) value(%convert_element_type3A_874 : vector<16xi32>) : vector<16xi1>, vector<16xi32>
        tpu.vector_store_idx %arg7[%convert_element_type3A_874], %unique3A_878 masked %unique3A_877 {add = true} : memref<43008xi32, #tpu.memory_space<vmem>>[vector<16xi32>], vector<16xi32>, vector<16xi1>
        %mul3A_879 = arith.mulf %exp3A_688, %div3A_830 : vector<16xf32>
        %eq3A_880 = arith.constant 3 : i32
        %eq3A_881 = vector.broadcast %eq3A_880 : i32 to vector<16xi32>
        %eq3A_882 = arith.cmpi eq, %get3A_660, %eq3A_881 : vector<16xi32>
        %sub3A_883 = arith.constant 25599.75 : f32
        %sub3A_884 = vector.broadcast %sub3A_883 : f32 to vector<16xf32>
        %sub3A_885 = arith.subf %sub3A_884, %mul3A_879 : vector<16xf32>
        %add3A_886 = arith.constant 3.072000e+03 : f32
        %add3A_887 = vector.broadcast %add3A_886 : f32 to vector<16xf32>
        %add3A_888 = arith.addf %add3A_887, %mul3A_879 : vector<16xf32>
        %select_n3A_889 = arith.select %eq3A_882, %sub3A_885, %add3A_888 : vector<16xi1>, vector<16xf32>
        %convert_element_type3A_890 = arith.fptosi %select_n3A_889 : vector<16xf32> to vector<16xi32>
        %broadcast_in_dim3A_891 = arith.constant true
        %broadcast_in_dim3A_892 = vector.broadcast %broadcast_in_dim3A_891 : i1 to vector<16xi1>
        %unique3A_893, %unique3A_894 = tpu.scan_count mask(%broadcast_in_dim3A_892 : vector<16xi1>) value(%convert_element_type3A_890 : vector<16xi32>) : vector<16xi1>, vector<16xi32>
        tpu.vector_store_idx %arg7[%convert_element_type3A_890], %unique3A_894 masked %unique3A_893 {add = true} : memref<43008xi32, #tpu.memory_space<vmem>>[vector<16xi32>], vector<16xi32>, vector<16xi1>
        %mul3A_895 = arith.mulf %exp3A_695, %div3A_830 : vector<16xf32>
        %eq3A_896 = arith.constant 4 : i32
        %eq3A_897 = vector.broadcast %eq3A_896 : i32 to vector<16xi32>
        %eq3A_898 = arith.cmpi eq, %get3A_660, %eq3A_897 : vector<16xi32>
        %sub3A_899 = arith.constant 26623.75 : f32
        %sub3A_900 = vector.broadcast %sub3A_899 : f32 to vector<16xf32>
        %sub3A_901 = arith.subf %sub3A_900, %mul3A_895 : vector<16xf32>
        %add3A_902 = arith.constant 4.096000e+03 : f32
        %add3A_903 = vector.broadcast %add3A_902 : f32 to vector<16xf32>
        %add3A_904 = arith.addf %add3A_903, %mul3A_895 : vector<16xf32>
        %select_n3A_905 = arith.select %eq3A_898, %sub3A_901, %add3A_904 : vector<16xi1>, vector<16xf32>
        %convert_element_type3A_906 = arith.fptosi %select_n3A_905 : vector<16xf32> to vector<16xi32>
        %broadcast_in_dim3A_907 = arith.constant true
        %broadcast_in_dim3A_908 = vector.broadcast %broadcast_in_dim3A_907 : i1 to vector<16xi1>
        %unique3A_909, %unique3A_910 = tpu.scan_count mask(%broadcast_in_dim3A_908 : vector<16xi1>) value(%convert_element_type3A_906 : vector<16xi32>) : vector<16xi1>, vector<16xi32>
        tpu.vector_store_idx %arg7[%convert_element_type3A_906], %unique3A_910 masked %unique3A_909 {add = true} : memref<43008xi32, #tpu.memory_space<vmem>>[vector<16xi32>], vector<16xi32>, vector<16xi1>
        %mul3A_911 = arith.mulf %exp3A_702, %div3A_830 : vector<16xf32>
        %eq3A_912 = arith.constant 5 : i32
        %eq3A_913 = vector.broadcast %eq3A_912 : i32 to vector<16xi32>
        %eq3A_914 = arith.cmpi eq, %get3A_660, %eq3A_913 : vector<16xi32>
        %sub3A_915 = arith.constant 27647.75 : f32
        %sub3A_916 = vector.broadcast %sub3A_915 : f32 to vector<16xf32>
        %sub3A_917 = arith.subf %sub3A_916, %mul3A_911 : vector<16xf32>
        %add3A_918 = arith.constant 5.120000e+03 : f32
        %add3A_919 = vector.broadcast %add3A_918 : f32 to vector<16xf32>
        %add3A_920 = arith.addf %add3A_919, %mul3A_911 : vector<16xf32>
        %select_n3A_921 = arith.select %eq3A_914, %sub3A_917, %add3A_920 : vector<16xi1>, vector<16xf32>
        %convert_element_type3A_922 = arith.fptosi %select_n3A_921 : vector<16xf32> to vector<16xi32>
        %broadcast_in_dim3A_923 = arith.constant true
        %broadcast_in_dim3A_924 = vector.broadcast %broadcast_in_dim3A_923 : i1 to vector<16xi1>
        %unique3A_925, %unique3A_926 = tpu.scan_count mask(%broadcast_in_dim3A_924 : vector<16xi1>) value(%convert_element_type3A_922 : vector<16xi32>) : vector<16xi1>, vector<16xi32>
        tpu.vector_store_idx %arg7[%convert_element_type3A_922], %unique3A_926 masked %unique3A_925 {add = true} : memref<43008xi32, #tpu.memory_space<vmem>>[vector<16xi32>], vector<16xi32>, vector<16xi1>
        %mul3A_927 = arith.mulf %exp3A_709, %div3A_830 : vector<16xf32>
        %eq3A_928 = arith.constant 6 : i32
        %eq3A_929 = vector.broadcast %eq3A_928 : i32 to vector<16xi32>
        %eq3A_930 = arith.cmpi eq, %get3A_660, %eq3A_929 : vector<16xi32>
        %sub3A_931 = arith.constant 28671.75 : f32
        %sub3A_932 = vector.broadcast %sub3A_931 : f32 to vector<16xf32>
        %sub3A_933 = arith.subf %sub3A_932, %mul3A_927 : vector<16xf32>
        %add3A_934 = arith.constant 6.144000e+03 : f32
        %add3A_935 = vector.broadcast %add3A_934 : f32 to vector<16xf32>
        %add3A_936 = arith.addf %add3A_935, %mul3A_927 : vector<16xf32>
        %select_n3A_937 = arith.select %eq3A_930, %sub3A_933, %add3A_936 : vector<16xi1>, vector<16xf32>
        %convert_element_type3A_938 = arith.fptosi %select_n3A_937 : vector<16xf32> to vector<16xi32>
        %broadcast_in_dim3A_939 = arith.constant true
        %broadcast_in_dim3A_940 = vector.broadcast %broadcast_in_dim3A_939 : i1 to vector<16xi1>
        %unique3A_941, %unique3A_942 = tpu.scan_count mask(%broadcast_in_dim3A_940 : vector<16xi1>) value(%convert_element_type3A_938 : vector<16xi32>) : vector<16xi1>, vector<16xi32>
        tpu.vector_store_idx %arg7[%convert_element_type3A_938], %unique3A_942 masked %unique3A_941 {add = true} : memref<43008xi32, #tpu.memory_space<vmem>>[vector<16xi32>], vector<16xi32>, vector<16xi1>
        %mul3A_943 = arith.mulf %exp3A_716, %div3A_830 : vector<16xf32>
        %eq3A_944 = arith.constant 7 : i32
        %eq3A_945 = vector.broadcast %eq3A_944 : i32 to vector<16xi32>
        %eq3A_946 = arith.cmpi eq, %get3A_660, %eq3A_945 : vector<16xi32>
        %sub3A_947 = arith.constant 29695.75 : f32
        %sub3A_948 = vector.broadcast %sub3A_947 : f32 to vector<16xf32>
        %sub3A_949 = arith.subf %sub3A_948, %mul3A_943 : vector<16xf32>
        %add3A_950 = arith.constant 7.168000e+03 : f32
        %add3A_951 = vector.broadcast %add3A_950 : f32 to vector<16xf32>
        %add3A_952 = arith.addf %add3A_951, %mul3A_943 : vector<16xf32>
        %select_n3A_953 = arith.select %eq3A_946, %sub3A_949, %add3A_952 : vector<16xi1>, vector<16xf32>
        %convert_element_type3A_954 = arith.fptosi %select_n3A_953 : vector<16xf32> to vector<16xi32>
        %broadcast_in_dim3A_955 = arith.constant true
        %broadcast_in_dim3A_956 = vector.broadcast %broadcast_in_dim3A_955 : i1 to vector<16xi1>
        %unique3A_957, %unique3A_958 = tpu.scan_count mask(%broadcast_in_dim3A_956 : vector<16xi1>) value(%convert_element_type3A_954 : vector<16xi32>) : vector<16xi1>, vector<16xi32>
        tpu.vector_store_idx %arg7[%convert_element_type3A_954], %unique3A_958 masked %unique3A_957 {add = true} : memref<43008xi32, #tpu.memory_space<vmem>>[vector<16xi32>], vector<16xi32>, vector<16xi1>
        %mul3A_959 = arith.mulf %exp3A_723, %div3A_830 : vector<16xf32>
        %eq3A_960 = arith.constant 8 : i32
        %eq3A_961 = vector.broadcast %eq3A_960 : i32 to vector<16xi32>
        %eq3A_962 = arith.cmpi eq, %get3A_660, %eq3A_961 : vector<16xi32>
        %sub3A_963 = arith.constant 30719.75 : f32
        %sub3A_964 = vector.broadcast %sub3A_963 : f32 to vector<16xf32>
        %sub3A_965 = arith.subf %sub3A_964, %mul3A_959 : vector<16xf32>
        %add3A_966 = arith.constant 8.192000e+03 : f32
        %add3A_967 = vector.broadcast %add3A_966 : f32 to vector<16xf32>
        %add3A_968 = arith.addf %add3A_967, %mul3A_959 : vector<16xf32>
        %select_n3A_969 = arith.select %eq3A_962, %sub3A_965, %add3A_968 : vector<16xi1>, vector<16xf32>
        %convert_element_type3A_970 = arith.fptosi %select_n3A_969 : vector<16xf32> to vector<16xi32>
        %broadcast_in_dim3A_971 = arith.constant true
        %broadcast_in_dim3A_972 = vector.broadcast %broadcast_in_dim3A_971 : i1 to vector<16xi1>
        %unique3A_973, %unique3A_974 = tpu.scan_count mask(%broadcast_in_dim3A_972 : vector<16xi1>) value(%convert_element_type3A_970 : vector<16xi32>) : vector<16xi1>, vector<16xi32>
        tpu.vector_store_idx %arg7[%convert_element_type3A_970], %unique3A_974 masked %unique3A_973 {add = true} : memref<43008xi32, #tpu.memory_space<vmem>>[vector<16xi32>], vector<16xi32>, vector<16xi1>
        %mul3A_975 = arith.mulf %exp3A_730, %div3A_830 : vector<16xf32>
        %eq3A_976 = arith.constant 9 : i32
        %eq3A_977 = vector.broadcast %eq3A_976 : i32 to vector<16xi32>
        %eq3A_978 = arith.cmpi eq, %get3A_660, %eq3A_977 : vector<16xi32>
        %sub3A_979 = arith.constant 31743.75 : f32
        %sub3A_980 = vector.broadcast %sub3A_979 : f32 to vector<16xf32>
        %sub3A_981 = arith.subf %sub3A_980, %mul3A_975 : vector<16xf32>
        %add3A_982 = arith.constant 9.216000e+03 : f32
        %add3A_983 = vector.broadcast %add3A_982 : f32 to vector<16xf32>
        %add3A_984 = arith.addf %add3A_983, %mul3A_975 : vector<16xf32>
        %select_n3A_985 = arith.select %eq3A_978, %sub3A_981, %add3A_984 : vector<16xi1>, vector<16xf32>
        %convert_element_type3A_986 = arith.fptosi %select_n3A_985 : vector<16xf32> to vector<16xi32>
        %broadcast_in_dim3A_987 = arith.constant true
        %broadcast_in_dim3A_988 = vector.broadcast %broadcast_in_dim3A_987 : i1 to vector<16xi1>
        %unique3A_989, %unique3A_990 = tpu.scan_count mask(%broadcast_in_dim3A_988 : vector<16xi1>) value(%convert_element_type3A_986 : vector<16xi32>) : vector<16xi1>, vector<16xi32>
        tpu.vector_store_idx %arg7[%convert_element_type3A_986], %unique3A_990 masked %unique3A_989 {add = true} : memref<43008xi32, #tpu.memory_space<vmem>>[vector<16xi32>], vector<16xi32>, vector<16xi1>
        %mul3A_991 = arith.mulf %exp3A_737, %div3A_830 : vector<16xf32>
        %eq3A_992 = arith.constant 10 : i32
        %eq3A_993 = vector.broadcast %eq3A_992 : i32 to vector<16xi32>
        %eq3A_994 = arith.cmpi eq, %get3A_660, %eq3A_993 : vector<16xi32>
        %sub3A_995 = arith.constant 32767.75 : f32
        %sub3A_996 = vector.broadcast %sub3A_995 : f32 to vector<16xf32>
        %sub3A_997 = arith.subf %sub3A_996, %mul3A_991 : vector<16xf32>
        %add3A_998 = arith.constant 1.024000e+04 : f32
        %add3A_999 = vector.broadcast %add3A_998 : f32 to vector<16xf32>
        %add3A_1000 = arith.addf %add3A_999, %mul3A_991 : vector<16xf32>
        %select_n3A_1001 = arith.select %eq3A_994, %sub3A_997, %add3A_1000 : vector<16xi1>, vector<16xf32>
        %convert_element_type3A_1002 = arith.fptosi %select_n3A_1001 : vector<16xf32> to vector<16xi32>
        %broadcast_in_dim3A_1003 = arith.constant true
        %broadcast_in_dim3A_1004 = vector.broadcast %broadcast_in_dim3A_1003 : i1 to vector<16xi1>
        %unique3A_1005, %unique3A_1006 = tpu.scan_count mask(%broadcast_in_dim3A_1004 : vector<16xi1>) value(%convert_element_type3A_1002 : vector<16xi32>) : vector<16xi1>, vector<16xi32>
        tpu.vector_store_idx %arg7[%convert_element_type3A_1002], %unique3A_1006 masked %unique3A_1005 {add = true} : memref<43008xi32, #tpu.memory_space<vmem>>[vector<16xi32>], vector<16xi32>, vector<16xi1>
        %mul3A_1007 = arith.mulf %exp3A_744, %div3A_830 : vector<16xf32>
        %eq3A_1008 = arith.constant 11 : i32
        %eq3A_1009 = vector.broadcast %eq3A_1008 : i32 to vector<16xi32>
        %eq3A_1010 = arith.cmpi eq, %get3A_660, %eq3A_1009 : vector<16xi32>
        %sub3A_1011 = arith.constant 33791.75 : f32
        %sub3A_1012 = vector.broadcast %sub3A_1011 : f32 to vector<16xf32>
        %sub3A_1013 = arith.subf %sub3A_1012, %mul3A_1007 : vector<16xf32>
        %add3A_1014 = arith.constant 1.126400e+04 : f32
        %add3A_1015 = vector.broadcast %add3A_1014 : f32 to vector<16xf32>
        %add3A_1016 = arith.addf %add3A_1015, %mul3A_1007 : vector<16xf32>
        %select_n3A_1017 = arith.select %eq3A_1010, %sub3A_1013, %add3A_1016 : vector<16xi1>, vector<16xf32>
        %convert_element_type3A_1018 = arith.fptosi %select_n3A_1017 : vector<16xf32> to vector<16xi32>
        %broadcast_in_dim3A_1019 = arith.constant true
        %broadcast_in_dim3A_1020 = vector.broadcast %broadcast_in_dim3A_1019 : i1 to vector<16xi1>
        %unique3A_1021, %unique3A_1022 = tpu.scan_count mask(%broadcast_in_dim3A_1020 : vector<16xi1>) value(%convert_element_type3A_1018 : vector<16xi32>) : vector<16xi1>, vector<16xi32>
        tpu.vector_store_idx %arg7[%convert_element_type3A_1018], %unique3A_1022 masked %unique3A_1021 {add = true} : memref<43008xi32, #tpu.memory_space<vmem>>[vector<16xi32>], vector<16xi32>, vector<16xi1>
        %mul3A_1023 = arith.mulf %exp3A_751, %div3A_830 : vector<16xf32>
        %eq3A_1024 = arith.constant 12 : i32
        %eq3A_1025 = vector.broadcast %eq3A_1024 : i32 to vector<16xi32>
        %eq3A_1026 = arith.cmpi eq, %get3A_660, %eq3A_1025 : vector<16xi32>
        %sub3A_1027 = arith.constant 34815.75 : f32
        %sub3A_1028 = vector.broadcast %sub3A_1027 : f32 to vector<16xf32>
        %sub3A_1029 = arith.subf %sub3A_1028, %mul3A_1023 : vector<16xf32>
        %add3A_1030 = arith.constant 1.228800e+04 : f32
        %add3A_1031 = vector.broadcast %add3A_1030 : f32 to vector<16xf32>
        %add3A_1032 = arith.addf %add3A_1031, %mul3A_1023 : vector<16xf32>
        %select_n3A_1033 = arith.select %eq3A_1026, %sub3A_1029, %add3A_1032 : vector<16xi1>, vector<16xf32>
        %convert_element_type3A_1034 = arith.fptosi %select_n3A_1033 : vector<16xf32> to vector<16xi32>
        %broadcast_in_dim3A_1035 = arith.constant true
        %broadcast_in_dim3A_1036 = vector.broadcast %broadcast_in_dim3A_1035 : i1 to vector<16xi1>
        %unique3A_1037, %unique3A_1038 = tpu.scan_count mask(%broadcast_in_dim3A_1036 : vector<16xi1>) value(%convert_element_type3A_1034 : vector<16xi32>) : vector<16xi1>, vector<16xi32>
        tpu.vector_store_idx %arg7[%convert_element_type3A_1034], %unique3A_1038 masked %unique3A_1037 {add = true} : memref<43008xi32, #tpu.memory_space<vmem>>[vector<16xi32>], vector<16xi32>, vector<16xi1>
        %mul3A_1039 = arith.mulf %exp3A_758, %div3A_830 : vector<16xf32>
        %eq3A_1040 = arith.constant 13 : i32
        %eq3A_1041 = vector.broadcast %eq3A_1040 : i32 to vector<16xi32>
        %eq3A_1042 = arith.cmpi eq, %get3A_660, %eq3A_1041 : vector<16xi32>
        %sub3A_1043 = arith.constant 35839.75 : f32
        %sub3A_1044 = vector.broadcast %sub3A_1043 : f32 to vector<16xf32>
        %sub3A_1045 = arith.subf %sub3A_1044, %mul3A_1039 : vector<16xf32>
        %add3A_1046 = arith.constant 1.331200e+04 : f32
        %add3A_1047 = vector.broadcast %add3A_1046 : f32 to vector<16xf32>
        %add3A_1048 = arith.addf %add3A_1047, %mul3A_1039 : vector<16xf32>
        %select_n3A_1049 = arith.select %eq3A_1042, %sub3A_1045, %add3A_1048 : vector<16xi1>, vector<16xf32>
        %convert_element_type3A_1050 = arith.fptosi %select_n3A_1049 : vector<16xf32> to vector<16xi32>
        %broadcast_in_dim3A_1051 = arith.constant true
        %broadcast_in_dim3A_1052 = vector.broadcast %broadcast_in_dim3A_1051 : i1 to vector<16xi1>
        %unique3A_1053, %unique3A_1054 = tpu.scan_count mask(%broadcast_in_dim3A_1052 : vector<16xi1>) value(%convert_element_type3A_1050 : vector<16xi32>) : vector<16xi1>, vector<16xi32>
        tpu.vector_store_idx %arg7[%convert_element_type3A_1050], %unique3A_1054 masked %unique3A_1053 {add = true} : memref<43008xi32, #tpu.memory_space<vmem>>[vector<16xi32>], vector<16xi32>, vector<16xi1>
        %mul3A_1055 = arith.mulf %exp3A_765, %div3A_830 : vector<16xf32>
        %eq3A_1056 = arith.constant 14 : i32
        %eq3A_1057 = vector.broadcast %eq3A_1056 : i32 to vector<16xi32>
        %eq3A_1058 = arith.cmpi eq, %get3A_660, %eq3A_1057 : vector<16xi32>
        %sub3A_1059 = arith.constant 36863.75 : f32
        %sub3A_1060 = vector.broadcast %sub3A_1059 : f32 to vector<16xf32>
        %sub3A_1061 = arith.subf %sub3A_1060, %mul3A_1055 : vector<16xf32>
        %add3A_1062 = arith.constant 1.433600e+04 : f32
        %add3A_1063 = vector.broadcast %add3A_1062 : f32 to vector<16xf32>
        %add3A_1064 = arith.addf %add3A_1063, %mul3A_1055 : vector<16xf32>
        %select_n3A_1065 = arith.select %eq3A_1058, %sub3A_1061, %add3A_1064 : vector<16xi1>, vector<16xf32>
        %convert_element_type3A_1066 = arith.fptosi %select_n3A_1065 : vector<16xf32> to vector<16xi32>
        %broadcast_in_dim3A_1067 = arith.constant true
        %broadcast_in_dim3A_1068 = vector.broadcast %broadcast_in_dim3A_1067 : i1 to vector<16xi1>
        %unique3A_1069, %unique3A_1070 = tpu.scan_count mask(%broadcast_in_dim3A_1068 : vector<16xi1>) value(%convert_element_type3A_1066 : vector<16xi32>) : vector<16xi1>, vector<16xi32>
        tpu.vector_store_idx %arg7[%convert_element_type3A_1066], %unique3A_1070 masked %unique3A_1069 {add = true} : memref<43008xi32, #tpu.memory_space<vmem>>[vector<16xi32>], vector<16xi32>, vector<16xi1>
        %mul3A_1071 = arith.mulf %exp3A_772, %div3A_830 : vector<16xf32>
        %eq3A_1072 = arith.constant 15 : i32
        %eq3A_1073 = vector.broadcast %eq3A_1072 : i32 to vector<16xi32>
        %eq3A_1074 = arith.cmpi eq, %get3A_660, %eq3A_1073 : vector<16xi32>
        %sub3A_1075 = arith.constant 37887.75 : f32
        %sub3A_1076 = vector.broadcast %sub3A_1075 : f32 to vector<16xf32>
        %sub3A_1077 = arith.subf %sub3A_1076, %mul3A_1071 : vector<16xf32>
        %add3A_1078 = arith.constant 1.536000e+04 : f32
        %add3A_1079 = vector.broadcast %add3A_1078 : f32 to vector<16xf32>
        %add3A_1080 = arith.addf %add3A_1079, %mul3A_1071 : vector<16xf32>
        %select_n3A_1081 = arith.select %eq3A_1074, %sub3A_1077, %add3A_1080 : vector<16xi1>, vector<16xf32>
        %convert_element_type3A_1082 = arith.fptosi %select_n3A_1081 : vector<16xf32> to vector<16xi32>
        %broadcast_in_dim3A_1083 = arith.constant true
        %broadcast_in_dim3A_1084 = vector.broadcast %broadcast_in_dim3A_1083 : i1 to vector<16xi1>
        %unique3A_1085, %unique3A_1086 = tpu.scan_count mask(%broadcast_in_dim3A_1084 : vector<16xi1>) value(%convert_element_type3A_1082 : vector<16xi32>) : vector<16xi1>, vector<16xi32>
        tpu.vector_store_idx %arg7[%convert_element_type3A_1082], %unique3A_1086 masked %unique3A_1085 {add = true} : memref<43008xi32, #tpu.memory_space<vmem>>[vector<16xi32>], vector<16xi32>, vector<16xi1>
        %mul3A_1087 = arith.mulf %exp3A_779, %div3A_830 : vector<16xf32>
        %eq3A_1088 = arith.constant 16 : i32
        %eq3A_1089 = vector.broadcast %eq3A_1088 : i32 to vector<16xi32>
        %eq3A_1090 = arith.cmpi eq, %get3A_660, %eq3A_1089 : vector<16xi32>
        %sub3A_1091 = arith.constant 38911.75 : f32
        %sub3A_1092 = vector.broadcast %sub3A_1091 : f32 to vector<16xf32>
        %sub3A_1093 = arith.subf %sub3A_1092, %mul3A_1087 : vector<16xf32>
        %add3A_1094 = arith.constant 1.638400e+04 : f32
        %add3A_1095 = vector.broadcast %add3A_1094 : f32 to vector<16xf32>
        %add3A_1096 = arith.addf %add3A_1095, %mul3A_1087 : vector<16xf32>
        %select_n3A_1097 = arith.select %eq3A_1090, %sub3A_1093, %add3A_1096 : vector<16xi1>, vector<16xf32>
        %convert_element_type3A_1098 = arith.fptosi %select_n3A_1097 : vector<16xf32> to vector<16xi32>
        %broadcast_in_dim3A_1099 = arith.constant true
        %broadcast_in_dim3A_1100 = vector.broadcast %broadcast_in_dim3A_1099 : i1 to vector<16xi1>
        %unique3A_1101, %unique3A_1102 = tpu.scan_count mask(%broadcast_in_dim3A_1100 : vector<16xi1>) value(%convert_element_type3A_1098 : vector<16xi32>) : vector<16xi1>, vector<16xi32>
        tpu.vector_store_idx %arg7[%convert_element_type3A_1098], %unique3A_1102 masked %unique3A_1101 {add = true} : memref<43008xi32, #tpu.memory_space<vmem>>[vector<16xi32>], vector<16xi32>, vector<16xi1>
        %mul3A_1103 = arith.mulf %exp3A_786, %div3A_830 : vector<16xf32>
        %eq3A_1104 = arith.constant 17 : i32
        %eq3A_1105 = vector.broadcast %eq3A_1104 : i32 to vector<16xi32>
        %eq3A_1106 = arith.cmpi eq, %get3A_660, %eq3A_1105 : vector<16xi32>
        %sub3A_1107 = arith.constant 39935.75 : f32
        %sub3A_1108 = vector.broadcast %sub3A_1107 : f32 to vector<16xf32>
        %sub3A_1109 = arith.subf %sub3A_1108, %mul3A_1103 : vector<16xf32>
        %add3A_1110 = arith.constant 1.740800e+04 : f32
        %add3A_1111 = vector.broadcast %add3A_1110 : f32 to vector<16xf32>
        %add3A_1112 = arith.addf %add3A_1111, %mul3A_1103 : vector<16xf32>
        %select_n3A_1113 = arith.select %eq3A_1106, %sub3A_1109, %add3A_1112 : vector<16xi1>, vector<16xf32>
        %convert_element_type3A_1114 = arith.fptosi %select_n3A_1113 : vector<16xf32> to vector<16xi32>
        %broadcast_in_dim3A_1115 = arith.constant true
        %broadcast_in_dim3A_1116 = vector.broadcast %broadcast_in_dim3A_1115 : i1 to vector<16xi1>
        %unique3A_1117, %unique3A_1118 = tpu.scan_count mask(%broadcast_in_dim3A_1116 : vector<16xi1>) value(%convert_element_type3A_1114 : vector<16xi32>) : vector<16xi1>, vector<16xi32>
        tpu.vector_store_idx %arg7[%convert_element_type3A_1114], %unique3A_1118 masked %unique3A_1117 {add = true} : memref<43008xi32, #tpu.memory_space<vmem>>[vector<16xi32>], vector<16xi32>, vector<16xi1>
        %mul3A_1119 = arith.mulf %exp3A_793, %div3A_830 : vector<16xf32>
        %eq3A_1120 = arith.constant 18 : i32
        %eq3A_1121 = vector.broadcast %eq3A_1120 : i32 to vector<16xi32>
        %eq3A_1122 = arith.cmpi eq, %get3A_660, %eq3A_1121 : vector<16xi32>
        %sub3A_1123 = arith.constant 40959.75 : f32
        %sub3A_1124 = vector.broadcast %sub3A_1123 : f32 to vector<16xf32>
        %sub3A_1125 = arith.subf %sub3A_1124, %mul3A_1119 : vector<16xf32>
        %add3A_1126 = arith.constant 1.843200e+04 : f32
        %add3A_1127 = vector.broadcast %add3A_1126 : f32 to vector<16xf32>
        %add3A_1128 = arith.addf %add3A_1127, %mul3A_1119 : vector<16xf32>
        %select_n3A_1129 = arith.select %eq3A_1122, %sub3A_1125, %add3A_1128 : vector<16xi1>, vector<16xf32>
        %convert_element_type3A_1130 = arith.fptosi %select_n3A_1129 : vector<16xf32> to vector<16xi32>
        %broadcast_in_dim3A_1131 = arith.constant true
        %broadcast_in_dim3A_1132 = vector.broadcast %broadcast_in_dim3A_1131 : i1 to vector<16xi1>
        %unique3A_1133, %unique3A_1134 = tpu.scan_count mask(%broadcast_in_dim3A_1132 : vector<16xi1>) value(%convert_element_type3A_1130 : vector<16xi32>) : vector<16xi1>, vector<16xi32>
        tpu.vector_store_idx %arg7[%convert_element_type3A_1130], %unique3A_1134 masked %unique3A_1133 {add = true} : memref<43008xi32, #tpu.memory_space<vmem>>[vector<16xi32>], vector<16xi32>, vector<16xi1>
        %mul3A_1135 = arith.mulf %exp3A_800, %div3A_830 : vector<16xf32>
        %eq3A_1136 = arith.constant 19 : i32
        %eq3A_1137 = vector.broadcast %eq3A_1136 : i32 to vector<16xi32>
        %eq3A_1138 = arith.cmpi eq, %get3A_660, %eq3A_1137 : vector<16xi32>
        %sub3A_1139 = arith.constant 41983.75 : f32
        %sub3A_1140 = vector.broadcast %sub3A_1139 : f32 to vector<16xf32>
        %sub3A_1141 = arith.subf %sub3A_1140, %mul3A_1135 : vector<16xf32>
        %add3A_1142 = arith.constant 1.945600e+04 : f32
        %add3A_1143 = vector.broadcast %add3A_1142 : f32 to vector<16xf32>
        %add3A_1144 = arith.addf %add3A_1143, %mul3A_1135 : vector<16xf32>
        %select_n3A_1145 = arith.select %eq3A_1138, %sub3A_1141, %add3A_1144 : vector<16xi1>, vector<16xf32>
        %convert_element_type3A_1146 = arith.fptosi %select_n3A_1145 : vector<16xf32> to vector<16xi32>
        %broadcast_in_dim3A_1147 = arith.constant true
        %broadcast_in_dim3A_1148 = vector.broadcast %broadcast_in_dim3A_1147 : i1 to vector<16xi1>
        %unique3A_1149, %unique3A_1150 = tpu.scan_count mask(%broadcast_in_dim3A_1148 : vector<16xi1>) value(%convert_element_type3A_1146 : vector<16xi32>) : vector<16xi1>, vector<16xi32>
        tpu.vector_store_idx %arg7[%convert_element_type3A_1146], %unique3A_1150 masked %unique3A_1149 {add = true} : memref<43008xi32, #tpu.memory_space<vmem>>[vector<16xi32>], vector<16xi32>, vector<16xi1>
        %mul3A_1151 = arith.mulf %exp3A_807, %div3A_830 : vector<16xf32>
        %eq3A_1152 = arith.constant 20 : i32
        %eq3A_1153 = vector.broadcast %eq3A_1152 : i32 to vector<16xi32>
        %eq3A_1154 = arith.cmpi eq, %get3A_660, %eq3A_1153 : vector<16xi32>
        %sub3A_1155 = arith.constant 43007.75 : f32
        %sub3A_1156 = vector.broadcast %sub3A_1155 : f32 to vector<16xf32>
        %sub3A_1157 = arith.subf %sub3A_1156, %mul3A_1151 : vector<16xf32>
        %add3A_1158 = arith.constant 2.048000e+04 : f32
        %add3A_1159 = vector.broadcast %add3A_1158 : f32 to vector<16xf32>
        %add3A_1160 = arith.addf %add3A_1159, %mul3A_1151 : vector<16xf32>
        %select_n3A_1161 = arith.select %eq3A_1154, %sub3A_1157, %add3A_1160 : vector<16xi1>, vector<16xf32>
        %convert_element_type3A_1162 = arith.fptosi %select_n3A_1161 : vector<16xf32> to vector<16xi32>
        %broadcast_in_dim3A_1163 = arith.constant true
        %broadcast_in_dim3A_1164 = vector.broadcast %broadcast_in_dim3A_1163 : i1 to vector<16xi1>
        %unique3A_1165, %unique3A_1166 = tpu.scan_count mask(%broadcast_in_dim3A_1164 : vector<16xi1>) value(%convert_element_type3A_1162 : vector<16xi32>) : vector<16xi1>, vector<16xi32>
        tpu.vector_store_idx %arg7[%convert_element_type3A_1162], %unique3A_1166 masked %unique3A_1165 {add = true} : memref<43008xi32, #tpu.memory_space<vmem>>[vector<16xi32>], vector<16xi32>, vector<16xi1>
      }
      %scan3A_95 = arith.constant 16 : i32
      %mul3A_96 = arith.constant 2 : i32
      %mul3A_97 = arith.muli %scan3A_48, %mul3A_96 : i32
      %add3A_98 = arith.constant 1 : i32
      %add3A_99 = arith.addi %mul3A_97, %add3A_98 : i32
      %dma_wait3A_100 = arith.constant 0 : i32
      %dma_wait3A_101 = arith.constant 0 : i32
      %dma_wait3A_102 = arith.constant 1 : i32
      %dma_wait3A_103 = arith.constant 0 : i32
      %dma_wait3A_104 = arith.constant 0 : i32
      %dma_wait3A_105 = tpu.memref_slice %arg5[%dma_wait3A_102, %dma_wait3A_103, %dma_wait3A_104] : memref<2x21x512xf32, #tpu.memory_space<vmem>> -> memref<1x21x512xf32, #tpu.memory_space<vmem>>
      %dma_wait3A_106 = tpu.memref_squeeze %dma_wait3A_105 : memref<1x21x512xf32, #tpu.memory_space<vmem>> -> memref<21x512xf32, #tpu.memory_space<vmem>>
      %dma_wait3A_107 = arith.constant 0 : i32
      %dma_wait3A_108 = arith.constant 0 : i32
      %dma_wait3A_109 = tpu.memref_slice %arg2[%dma_wait3A_100, %dma_wait3A_107, %dma_wait3A_101, %dma_wait3A_108] : memref<4x21x512x512xf32, #tpu.memory_space<hbm>> -> memref<1x21x1x512xf32, #tpu.memory_space<hbm>>
      %dma_wait3A_110 = tpu.memref_squeeze %dma_wait3A_109 : memref<1x21x1x512xf32, #tpu.memory_space<hbm>> -> memref<21x512xf32, #tpu.memory_space<hbm>>
      %dma_wait3A_111 = arith.constant 0 : i32
      %dma_wait3A_112 = arith.constant 0 : i32
      %dma_wait3A_113 = tpu.memref_slice %arg5[%dma_wait3A_102, %dma_wait3A_111, %dma_wait3A_112] : memref<2x21x512xf32, #tpu.memory_space<vmem>> -> memref<1x21x512xf32, #tpu.memory_space<vmem>>
      %dma_wait3A_114 = tpu.memref_squeeze %dma_wait3A_113 : memref<1x21x512xf32, #tpu.memory_space<vmem>> -> memref<21x512xf32, #tpu.memory_space<vmem>>
      %dma_wait3A_115 = arith.constant 0 : i32
      %dma_wait3A_116 = arith.constant 0 : i32
      %dma_wait3A_117 = tpu.memref_slice %arg2[%dma_wait3A_100, %dma_wait3A_115, %dma_wait3A_101, %dma_wait3A_116] : memref<4x21x512x512xf32, #tpu.memory_space<hbm>> -> memref<1x21x1x512xf32, #tpu.memory_space<hbm>>
      %dma_wait3A_118 = tpu.memref_squeeze %dma_wait3A_117 : memref<1x21x1x512xf32, #tpu.memory_space<hbm>> -> memref<21x512xf32, #tpu.memory_space<hbm>>
      tpu.wait_dma2 semaphore(%arg9 : memref<!tpu.dma_semaphore, #tpu.memory_space<semaphore_mem>>) src(%dma_wait3A_118 : memref<21x512xf32, #tpu.memory_space<hbm>>) dst(%dma_wait3A_114 : memref<21x512xf32, #tpu.memory_space<vmem>>)
      %dma_wait3A_119 = arith.constant 0 : i32
      %dma_wait3A_120 = arith.constant 0 : i32
      %dma_wait3A_121 = arith.constant 1 : i32
      %dma_wait3A_122 = arith.constant 0 : i32
      %dma_wait3A_123 = tpu.memref_slice %arg6[%dma_wait3A_121, %dma_wait3A_122] : memref<2x512xi32, #tpu.memory_space<vmem>> -> memref<1x512xi32, #tpu.memory_space<vmem>>
      %dma_wait3A_124 = tpu.memref_squeeze %dma_wait3A_123 : memref<1x512xi32, #tpu.memory_space<vmem>> -> memref<512xi32, #tpu.memory_space<vmem>>
      %dma_wait3A_125 = arith.constant 0 : i32
      %dma_wait3A_126 = tpu.memref_slice %arg3[%dma_wait3A_119, %dma_wait3A_120, %dma_wait3A_125] : memref<4x512x512xi32, #tpu.memory_space<hbm>> -> memref<1x1x512xi32, #tpu.memory_space<hbm>>
      %dma_wait3A_127 = tpu.memref_squeeze %dma_wait3A_126 : memref<1x1x512xi32, #tpu.memory_space<hbm>> -> memref<512xi32, #tpu.memory_space<hbm>>
      %dma_wait3A_128 = arith.constant 0 : i32
      %dma_wait3A_129 = tpu.memref_slice %arg6[%dma_wait3A_121, %dma_wait3A_128] : memref<2x512xi32, #tpu.memory_space<vmem>> -> memref<1x512xi32, #tpu.memory_space<vmem>>
      %dma_wait3A_130 = tpu.memref_squeeze %dma_wait3A_129 : memref<1x512xi32, #tpu.memory_space<vmem>> -> memref<512xi32, #tpu.memory_space<vmem>>
      %dma_wait3A_131 = arith.constant 0 : i32
      %dma_wait3A_132 = tpu.memref_slice %arg3[%dma_wait3A_119, %dma_wait3A_120, %dma_wait3A_131] : memref<4x512x512xi32, #tpu.memory_space<hbm>> -> memref<1x1x512xi32, #tpu.memory_space<hbm>>
      %dma_wait3A_133 = tpu.memref_squeeze %dma_wait3A_132 : memref<1x1x512xi32, #tpu.memory_space<hbm>> -> memref<512xi32, #tpu.memory_space<hbm>>
      tpu.wait_dma2 semaphore(%arg11 : memref<!tpu.dma_semaphore, #tpu.memory_space<semaphore_mem>>) src(%dma_wait3A_133 : memref<512xi32, #tpu.memory_space<hbm>>) dst(%dma_wait3A_130 : memref<512xi32, #tpu.memory_space<vmem>>)
      %add3A_134 = arith.constant 1 : i32
      %add3A_135 = arith.addi %add3A_99, %add3A_134 : i32
      %lt3A_136 = arith.constant 64 : i32
      %lt3A_137 = arith.cmpi slt, %add3A_135, %lt3A_136 : i32
      %convert_element_type3A_138 = arith.extui %lt3A_137 : i1 to i32
      %cond3A_139 = arith.constant 0 : i32
      %cond3A_140 = arith.cmpi ne, %convert_element_type3A_138, %cond3A_139 : i32
      scf.if %cond3A_140 {
        %add3A_147 = arith.constant 1 : i32
        %add3A_148 = arith.addi %add3A_99, %add3A_147 : i32
        %shift_right_arithmetic3A = arith.constant 4 : i32
        %shift_right_arithmetic3A_149 = arith.shrsi %add3A_148, %shift_right_arithmetic3A : i32
        %mul3A_150 = arith.constant 16 : i32
        %mul3A_151 = arith.muli %add3A, %mul3A_150 : i32
        %and3A = arith.constant 15 : i32
        %and3A_152 = arith.andi %add3A_148, %and3A : i32
        %add3A_153 = arith.addi %mul3A_151, %and3A_152 : i32
        %dma_start3A_154 = arith.constant 0 : i32
        %dma_start3A_155 = arith.constant 0 : i32
        %dma_start3A_156 = arith.constant 0 : i32
        %dma_start3A_157 = tpu.memref_slice %arg5[%dma_start3A_154, %dma_start3A_155, %dma_start3A_156] : memref<2x21x512xf32, #tpu.memory_space<vmem>> -> memref<1x21x512xf32, #tpu.memory_space<vmem>>
        %dma_start3A_158 = tpu.memref_squeeze %dma_start3A_157 : memref<1x21x512xf32, #tpu.memory_space<vmem>> -> memref<21x512xf32, #tpu.memory_space<vmem>>
        %dma_start3A_159 = arith.constant 0 : i32
        %dma_start3A_160 = arith.constant 0 : i32
        %dma_start3A_161 = tpu.memref_slice %arg2[%shift_right_arithmetic3A_149, %dma_start3A_159, %add3A_153, %dma_start3A_160] : memref<4x21x512x512xf32, #tpu.memory_space<hbm>> -> memref<1x21x1x512xf32, #tpu.memory_space<hbm>>
        %dma_start3A_162 = tpu.memref_squeeze %dma_start3A_161 : memref<1x21x1x512xf32, #tpu.memory_space<hbm>> -> memref<21x512xf32, #tpu.memory_space<hbm>>
        %dma_start3A_163 = arith.constant 0 : i32
        %dma_start3A_164 = arith.constant 0 : i32
        %dma_start3A_165 = tpu.memref_slice %arg5[%dma_start3A_154, %dma_start3A_163, %dma_start3A_164] : memref<2x21x512xf32, #tpu.memory_space<vmem>> -> memref<1x21x512xf32, #tpu.memory_space<vmem>>
        %dma_start3A_166 = tpu.memref_squeeze %dma_start3A_165 : memref<1x21x512xf32, #tpu.memory_space<vmem>> -> memref<21x512xf32, #tpu.memory_space<vmem>>
        %dma_start3A_167 = arith.constant 0 : i32
        %dma_start3A_168 = arith.constant 0 : i32
        %dma_start3A_169 = tpu.memref_slice %arg2[%shift_right_arithmetic3A_149, %dma_start3A_167, %add3A_153, %dma_start3A_168] : memref<4x21x512x512xf32, #tpu.memory_space<hbm>> -> memref<1x21x1x512xf32, #tpu.memory_space<hbm>>
        %dma_start3A_170 = tpu.memref_squeeze %dma_start3A_169 : memref<1x21x1x512xf32, #tpu.memory_space<hbm>> -> memref<21x512xf32, #tpu.memory_space<hbm>>
        tpu.enqueue_dma source(%dma_start3A_170 : memref<21x512xf32, #tpu.memory_space<hbm>>) target(%dma_start3A_166 : memref<21x512xf32, #tpu.memory_space<vmem>>) target_semaphore(%arg8 : memref<!tpu.dma_semaphore, #tpu.memory_space<semaphore_mem>>)
        %dma_start3A_171 = arith.constant 0 : i32
        %dma_start3A_172 = arith.constant 0 : i32
        %dma_start3A_173 = tpu.memref_slice %arg6[%dma_start3A_171, %dma_start3A_172] : memref<2x512xi32, #tpu.memory_space<vmem>> -> memref<1x512xi32, #tpu.memory_space<vmem>>
        %dma_start3A_174 = tpu.memref_squeeze %dma_start3A_173 : memref<1x512xi32, #tpu.memory_space<vmem>> -> memref<512xi32, #tpu.memory_space<vmem>>
        %dma_start3A_175 = arith.constant 0 : i32
        %dma_start3A_176 = tpu.memref_slice %arg3[%shift_right_arithmetic3A_149, %add3A_153, %dma_start3A_175] : memref<4x512x512xi32, #tpu.memory_space<hbm>> -> memref<1x1x512xi32, #tpu.memory_space<hbm>>
        %dma_start3A_177 = tpu.memref_squeeze %dma_start3A_176 : memref<1x1x512xi32, #tpu.memory_space<hbm>> -> memref<512xi32, #tpu.memory_space<hbm>>
        %dma_start3A_178 = arith.constant 0 : i32
        %dma_start3A_179 = tpu.memref_slice %arg6[%dma_start3A_171, %dma_start3A_178] : memref<2x512xi32, #tpu.memory_space<vmem>> -> memref<1x512xi32, #tpu.memory_space<vmem>>
        %dma_start3A_180 = tpu.memref_squeeze %dma_start3A_179 : memref<1x512xi32, #tpu.memory_space<vmem>> -> memref<512xi32, #tpu.memory_space<vmem>>
        %dma_start3A_181 = arith.constant 0 : i32
        %dma_start3A_182 = tpu.memref_slice %arg3[%shift_right_arithmetic3A_149, %add3A_153, %dma_start3A_181] : memref<4x512x512xi32, #tpu.memory_space<hbm>> -> memref<1x1x512xi32, #tpu.memory_space<hbm>>
        %dma_start3A_183 = tpu.memref_squeeze %dma_start3A_182 : memref<1x1x512xi32, #tpu.memory_space<hbm>> -> memref<512xi32, #tpu.memory_space<hbm>>
        tpu.enqueue_dma source(%dma_start3A_183 : memref<512xi32, #tpu.memory_space<hbm>>) target(%dma_start3A_180 : memref<512xi32, #tpu.memory_space<vmem>>) target_semaphore(%arg10 : memref<!tpu.dma_semaphore, #tpu.memory_space<semaphore_mem>>)
      } else {
      }
      %scan3A_141 = arith.constant 0 : i32
      %scan3A_142 = arith.constant 0 : i32
      %scan3A_143 = arith.constant 16 : i32
      %scan3A_144 = arith.addi %scan3A_142, %scan3A_143 : i32
      %scan3A_145 = arith.constant 1 : i32
      scf.for %scan3A_147 = %scan3A_142 to %scan3A_144 step %scan3A_145  : i32 {
        %mul3A_148 = arith.constant 32 : i32
        %mul3A_149 = arith.muli %scan3A_147, %mul3A_148 : i32
        %get3A = arith.constant 1 : i32
        %get3A_150 = arith.index_cast %get3A : i32 to index
        %get3A_151 = arith.index_cast %mul3A_149 : i32 to index
        %get3A_152 = tpu.vector_load %arg6[%get3A_150, %get3A_151] {strides = array<i32>} : memref<2x512xi32, #tpu.memory_space<vmem>>, vector<16xi32>,
        %get3A_153 = arith.constant 1 : i32
        %get3A_154 = arith.constant 0 : i32
        %get3A_155 = arith.index_cast %get3A_153 : i32 to index
        %get3A_156 = arith.index_cast %get3A_154 : i32 to index
        %get3A_157 = arith.index_cast %mul3A_149 : i32 to index
        %get3A_158 = tpu.vector_load %arg5[%get3A_155, %get3A_156, %get3A_157] {strides = array<i32>} : memref<2x21x512xf32, #tpu.memory_space<vmem>>, vector<16xf32>,
        %exp3A = math.exp %get3A_158 : vector<16xf32>
        %get3A_159 = arith.constant 1 : i32
        %get3A_160 = arith.constant 1 : i32
        %get3A_161 = arith.index_cast %get3A_159 : i32 to index
        %get3A_162 = arith.index_cast %get3A_160 : i32 to index
        %get3A_163 = arith.index_cast %mul3A_149 : i32 to index
        %get3A_164 = tpu.vector_load %arg5[%get3A_161, %get3A_162, %get3A_163] {strides = array<i32>} : memref<2x21x512xf32, #tpu.memory_space<vmem>>, vector<16xf32>,
        %exp3A_165 = math.exp %get3A_164 : vector<16xf32>
        %get3A_166 = arith.constant 1 : i32
        %get3A_167 = arith.constant 2 : i32
        %get3A_168 = arith.index_cast %get3A_166 : i32 to index
        %get3A_169 = arith.index_cast %get3A_167 : i32 to index
        %get3A_170 = arith.index_cast %mul3A_149 : i32 to index
        %get3A_171 = tpu.vector_load %arg5[%get3A_168, %get3A_169, %get3A_170] {strides = array<i32>} : memref<2x21x512xf32, #tpu.memory_space<vmem>>, vector<16xf32>,
        %exp3A_172 = math.exp %get3A_171 : vector<16xf32>
        %get3A_173 = arith.constant 1 : i32
        %get3A_174 = arith.constant 3 : i32
        %get3A_175 = arith.index_cast %get3A_173 : i32 to index
        %get3A_176 = arith.index_cast %get3A_174 : i32 to index
        %get3A_177 = arith.index_cast %mul3A_149 : i32 to index
        %get3A_178 = tpu.vector_load %arg5[%get3A_175, %get3A_176, %get3A_177] {strides = array<i32>} : memref<2x21x512xf32, #tpu.memory_space<vmem>>, vector<16xf32>,
        %exp3A_179 = math.exp %get3A_178 : vector<16xf32>
        %get3A_180 = arith.constant 1 : i32
        %get3A_181 = arith.constant 4 : i32
        %get3A_182 = arith.index_cast %get3A_180 : i32 to index
        %get3A_183 = arith.index_cast %get3A_181 : i32 to index
        %get3A_184 = arith.index_cast %mul3A_149 : i32 to index
        %get3A_185 = tpu.vector_load %arg5[%get3A_182, %get3A_183, %get3A_184] {strides = array<i32>} : memref<2x21x512xf32, #tpu.memory_space<vmem>>, vector<16xf32>,
        %exp3A_186 = math.exp %get3A_185 : vector<16xf32>
        %get3A_187 = arith.constant 1 : i32
        %get3A_188 = arith.constant 5 : i32
        %get3A_189 = arith.index_cast %get3A_187 : i32 to index
        %get3A_190 = arith.index_cast %get3A_188 : i32 to index
        %get3A_191 = arith.index_cast %mul3A_149 : i32 to index
        %get3A_192 = tpu.vector_load %arg5[%get3A_189, %get3A_190, %get3A_191] {strides = array<i32>} : memref<2x21x512xf32, #tpu.memory_space<vmem>>, vector<16xf32>,
        %exp3A_193 = math.exp %get3A_192 : vector<16xf32>
        %get3A_194 = arith.constant 1 : i32
        %get3A_195 = arith.constant 6 : i32
        %get3A_196 = arith.index_cast %get3A_194 : i32 to index
        %get3A_197 = arith.index_cast %get3A_195 : i32 to index
        %get3A_198 = arith.index_cast %mul3A_149 : i32 to index
        %get3A_199 = tpu.vector_load %arg5[%get3A_196, %get3A_197, %get3A_198] {strides = array<i32>} : memref<2x21x512xf32, #tpu.memory_space<vmem>>, vector<16xf32>,
        %exp3A_200 = math.exp %get3A_199 : vector<16xf32>
        %get3A_201 = arith.constant 1 : i32
        %get3A_202 = arith.constant 7 : i32
        %get3A_203 = arith.index_cast %get3A_201 : i32 to index
        %get3A_204 = arith.index_cast %get3A_202 : i32 to index
        %get3A_205 = arith.index_cast %mul3A_149 : i32 to index
        %get3A_206 = tpu.vector_load %arg5[%get3A_203, %get3A_204, %get3A_205] {strides = array<i32>} : memref<2x21x512xf32, #tpu.memory_space<vmem>>, vector<16xf32>,
        %exp3A_207 = math.exp %get3A_206 : vector<16xf32>
        %get3A_208 = arith.constant 1 : i32
        %get3A_209 = arith.constant 8 : i32
        %get3A_210 = arith.index_cast %get3A_208 : i32 to index
        %get3A_211 = arith.index_cast %get3A_209 : i32 to index
        %get3A_212 = arith.index_cast %mul3A_149 : i32 to index
        %get3A_213 = tpu.vector_load %arg5[%get3A_210, %get3A_211, %get3A_212] {strides = array<i32>} : memref<2x21x512xf32, #tpu.memory_space<vmem>>, vector<16xf32>,
        %exp3A_214 = math.exp %get3A_213 : vector<16xf32>
        %get3A_215 = arith.constant 1 : i32
        %get3A_216 = arith.constant 9 : i32
        %get3A_217 = arith.index_cast %get3A_215 : i32 to index
        %get3A_218 = arith.index_cast %get3A_216 : i32 to index
        %get3A_219 = arith.index_cast %mul3A_149 : i32 to index
        %get3A_220 = tpu.vector_load %arg5[%get3A_217, %get3A_218, %get3A_219] {strides = array<i32>} : memref<2x21x512xf32, #tpu.memory_space<vmem>>, vector<16xf32>,
        %exp3A_221 = math.exp %get3A_220 : vector<16xf32>
        %get3A_222 = arith.constant 1 : i32
        %get3A_223 = arith.constant 10 : i32
        %get3A_224 = arith.index_cast %get3A_222 : i32 to index
        %get3A_225 = arith.index_cast %get3A_223 : i32 to index
        %get3A_226 = arith.index_cast %mul3A_149 : i32 to index
        %get3A_227 = tpu.vector_load %arg5[%get3A_224, %get3A_225, %get3A_226] {strides = array<i32>} : memref<2x21x512xf32, #tpu.memory_space<vmem>>, vector<16xf32>,
        %exp3A_228 = math.exp %get3A_227 : vector<16xf32>
        %get3A_229 = arith.constant 1 : i32
        %get3A_230 = arith.constant 11 : i32
        %get3A_231 = arith.index_cast %get3A_229 : i32 to index
        %get3A_232 = arith.index_cast %get3A_230 : i32 to index
        %get3A_233 = arith.index_cast %mul3A_149 : i32 to index
        %get3A_234 = tpu.vector_load %arg5[%get3A_231, %get3A_232, %get3A_233] {strides = array<i32>} : memref<2x21x512xf32, #tpu.memory_space<vmem>>, vector<16xf32>,
        %exp3A_235 = math.exp %get3A_234 : vector<16xf32>
        %get3A_236 = arith.constant 1 : i32
        %get3A_237 = arith.constant 12 : i32
        %get3A_238 = arith.index_cast %get3A_236 : i32 to index
        %get3A_239 = arith.index_cast %get3A_237 : i32 to index
        %get3A_240 = arith.index_cast %mul3A_149 : i32 to index
        %get3A_241 = tpu.vector_load %arg5[%get3A_238, %get3A_239, %get3A_240] {strides = array<i32>} : memref<2x21x512xf32, #tpu.memory_space<vmem>>, vector<16xf32>,
        %exp3A_242 = math.exp %get3A_241 : vector<16xf32>
        %get3A_243 = arith.constant 1 : i32
        %get3A_244 = arith.constant 13 : i32
        %get3A_245 = arith.index_cast %get3A_243 : i32 to index
        %get3A_246 = arith.index_cast %get3A_244 : i32 to index
        %get3A_247 = arith.index_cast %mul3A_149 : i32 to index
        %get3A_248 = tpu.vector_load %arg5[%get3A_245, %get3A_246, %get3A_247] {strides = array<i32>} : memref<2x21x512xf32, #tpu.memory_space<vmem>>, vector<16xf32>,
        %exp3A_249 = math.exp %get3A_248 : vector<16xf32>
        %get3A_250 = arith.constant 1 : i32
        %get3A_251 = arith.constant 14 : i32
        %get3A_252 = arith.index_cast %get3A_250 : i32 to index
        %get3A_253 = arith.index_cast %get3A_251 : i32 to index
        %get3A_254 = arith.index_cast %mul3A_149 : i32 to index
        %get3A_255 = tpu.vector_load %arg5[%get3A_252, %get3A_253, %get3A_254] {strides = array<i32>} : memref<2x21x512xf32, #tpu.memory_space<vmem>>, vector<16xf32>,
        %exp3A_256 = math.exp %get3A_255 : vector<16xf32>
        %get3A_257 = arith.constant 1 : i32
        %get3A_258 = arith.constant 15 : i32
        %get3A_259 = arith.index_cast %get3A_257 : i32 to index
        %get3A_260 = arith.index_cast %get3A_258 : i32 to index
        %get3A_261 = arith.index_cast %mul3A_149 : i32 to index
        %get3A_262 = tpu.vector_load %arg5[%get3A_259, %get3A_260, %get3A_261] {strides = array<i32>} : memref<2x21x512xf32, #tpu.memory_space<vmem>>, vector<16xf32>,
        %exp3A_263 = math.exp %get3A_262 : vector<16xf32>
        %get3A_264 = arith.constant 1 : i32
        %get3A_265 = arith.constant 16 : i32
        %get3A_266 = arith.index_cast %get3A_264 : i32 to index
        %get3A_267 = arith.index_cast %get3A_265 : i32 to index
        %get3A_268 = arith.index_cast %mul3A_149 : i32 to index
        %get3A_269 = tpu.vector_load %arg5[%get3A_266, %get3A_267, %get3A_268] {strides = array<i32>} : memref<2x21x512xf32, #tpu.memory_space<vmem>>, vector<16xf32>,
        %exp3A_270 = math.exp %get3A_269 : vector<16xf32>
        %get3A_271 = arith.constant 1 : i32
        %get3A_272 = arith.constant 17 : i32
        %get3A_273 = arith.index_cast %get3A_271 : i32 to index
        %get3A_274 = arith.index_cast %get3A_272 : i32 to index
        %get3A_275 = arith.index_cast %mul3A_149 : i32 to index
        %get3A_276 = tpu.vector_load %arg5[%get3A_273, %get3A_274, %get3A_275] {strides = array<i32>} : memref<2x21x512xf32, #tpu.memory_space<vmem>>, vector<16xf32>,
        %exp3A_277 = math.exp %get3A_276 : vector<16xf32>
        %get3A_278 = arith.constant 1 : i32
        %get3A_279 = arith.constant 18 : i32
        %get3A_280 = arith.index_cast %get3A_278 : i32 to index
        %get3A_281 = arith.index_cast %get3A_279 : i32 to index
        %get3A_282 = arith.index_cast %mul3A_149 : i32 to index
        %get3A_283 = tpu.vector_load %arg5[%get3A_280, %get3A_281, %get3A_282] {strides = array<i32>} : memref<2x21x512xf32, #tpu.memory_space<vmem>>, vector<16xf32>,
        %exp3A_284 = math.exp %get3A_283 : vector<16xf32>
        %get3A_285 = arith.constant 1 : i32
        %get3A_286 = arith.constant 19 : i32
        %get3A_287 = arith.index_cast %get3A_285 : i32 to index
        %get3A_288 = arith.index_cast %get3A_286 : i32 to index
        %get3A_289 = arith.index_cast %mul3A_149 : i32 to index
        %get3A_290 = tpu.vector_load %arg5[%get3A_287, %get3A_288, %get3A_289] {strides = array<i32>} : memref<2x21x512xf32, #tpu.memory_space<vmem>>, vector<16xf32>,
        %exp3A_291 = math.exp %get3A_290 : vector<16xf32>
        %get3A_292 = arith.constant 1 : i32
        %get3A_293 = arith.constant 20 : i32
        %get3A_294 = arith.index_cast %get3A_292 : i32 to index
        %get3A_295 = arith.index_cast %get3A_293 : i32 to index
        %get3A_296 = arith.index_cast %mul3A_149 : i32 to index
        %get3A_297 = tpu.vector_load %arg5[%get3A_294, %get3A_295, %get3A_296] {strides = array<i32>} : memref<2x21x512xf32, #tpu.memory_space<vmem>>, vector<16xf32>,
        %exp3A_298 = math.exp %get3A_297 : vector<16xf32>
        %add3A_299 = arith.addf %exp3A, %exp3A_165 : vector<16xf32>
        %add3A_300 = arith.addf %exp3A_172, %exp3A_179 : vector<16xf32>
        %add3A_301 = arith.addf %exp3A_186, %exp3A_193 : vector<16xf32>
        %add3A_302 = arith.addf %exp3A_200, %exp3A_207 : vector<16xf32>
        %add3A_303 = arith.addf %exp3A_214, %exp3A_221 : vector<16xf32>
        %add3A_304 = arith.addf %exp3A_228, %exp3A_235 : vector<16xf32>
        %add3A_305 = arith.addf %exp3A_242, %exp3A_249 : vector<16xf32>
        %add3A_306 = arith.addf %exp3A_256, %exp3A_263 : vector<16xf32>
        %add3A_307 = arith.addf %exp3A_270, %exp3A_277 : vector<16xf32>
        %add3A_308 = arith.addf %exp3A_284, %exp3A_291 : vector<16xf32>
        %add3A_309 = arith.addf %add3A_299, %add3A_300 : vector<16xf32>
        %add3A_310 = arith.addf %add3A_301, %add3A_302 : vector<16xf32>
        %add3A_311 = arith.addf %add3A_303, %add3A_304 : vector<16xf32>
        %add3A_312 = arith.addf %add3A_305, %add3A_306 : vector<16xf32>
        %add3A_313 = arith.addf %add3A_307, %add3A_308 : vector<16xf32>
        %add3A_314 = arith.addf %add3A_309, %add3A_310 : vector<16xf32>
        %add3A_315 = arith.addf %add3A_311, %add3A_312 : vector<16xf32>
        %add3A_316 = arith.addf %add3A_313, %exp3A_298 : vector<16xf32>
        %add3A_317 = arith.addf %add3A_314, %add3A_315 : vector<16xf32>
        %add3A_318 = arith.addf %add3A_317, %add3A_316 : vector<16xf32>
        %div3A = arith.constant 1.023500e+03 : f32
        %div3A_319 = vector.broadcast %div3A : f32 to vector<16xf32>
        %div3A_320 = arith.divf %div3A_319, %add3A_318 : vector<16xf32>
        %mul3A_321 = arith.mulf %exp3A, %div3A_320 : vector<16xf32>
        %eq3A = arith.constant 0 : i32
        %eq3A_322 = vector.broadcast %eq3A : i32 to vector<16xi32>
        %eq3A_323 = arith.cmpi eq, %get3A_152, %eq3A_322 : vector<16xi32>
        %sub3A = arith.constant 22527.75 : f32
        %sub3A_324 = vector.broadcast %sub3A : f32 to vector<16xf32>
        %sub3A_325 = arith.subf %sub3A_324, %mul3A_321 : vector<16xf32>
        %add3A_326 = arith.constant 0.000000e+00 : f32
        %add3A_327 = vector.broadcast %add3A_326 : f32 to vector<16xf32>
        %add3A_328 = arith.addf %add3A_327, %mul3A_321 : vector<16xf32>
        %select_n3A = arith.select %eq3A_323, %sub3A_325, %add3A_328 : vector<16xi1>, vector<16xf32>
        %convert_element_type3A_329 = arith.fptosi %select_n3A : vector<16xf32> to vector<16xi32>
        %broadcast_in_dim3A_330 = arith.constant true
        %broadcast_in_dim3A_331 = vector.broadcast %broadcast_in_dim3A_330 : i1 to vector<16xi1>
        %unique3A, %unique3A_332 = tpu.scan_count mask(%broadcast_in_dim3A_331 : vector<16xi1>) value(%convert_element_type3A_329 : vector<16xi32>) : vector<16xi1>, vector<16xi32>
        tpu.vector_store_idx %arg7[%convert_element_type3A_329], %unique3A_332 masked %unique3A {add = true} : memref<43008xi32, #tpu.memory_space<vmem>>[vector<16xi32>], vector<16xi32>, vector<16xi1>
        %mul3A_333 = arith.mulf %exp3A_165, %div3A_320 : vector<16xf32>
        %eq3A_334 = arith.constant 1 : i32
        %eq3A_335 = vector.broadcast %eq3A_334 : i32 to vector<16xi32>
        %eq3A_336 = arith.cmpi eq, %get3A_152, %eq3A_335 : vector<16xi32>
        %sub3A_337 = arith.constant 23551.75 : f32
        %sub3A_338 = vector.broadcast %sub3A_337 : f32 to vector<16xf32>
        %sub3A_339 = arith.subf %sub3A_338, %mul3A_333 : vector<16xf32>
        %add3A_340 = arith.constant 1.024000e+03 : f32
        %add3A_341 = vector.broadcast %add3A_340 : f32 to vector<16xf32>
        %add3A_342 = arith.addf %add3A_341, %mul3A_333 : vector<16xf32>
        %select_n3A_343 = arith.select %eq3A_336, %sub3A_339, %add3A_342 : vector<16xi1>, vector<16xf32>
        %convert_element_type3A_344 = arith.fptosi %select_n3A_343 : vector<16xf32> to vector<16xi32>
        %broadcast_in_dim3A_345 = arith.constant true
        %broadcast_in_dim3A_346 = vector.broadcast %broadcast_in_dim3A_345 : i1 to vector<16xi1>
        %unique3A_347, %unique3A_348 = tpu.scan_count mask(%broadcast_in_dim3A_346 : vector<16xi1>) value(%convert_element_type3A_344 : vector<16xi32>) : vector<16xi1>, vector<16xi32>
        tpu.vector_store_idx %arg7[%convert_element_type3A_344], %unique3A_348 masked %unique3A_347 {add = true} : memref<43008xi32, #tpu.memory_space<vmem>>[vector<16xi32>], vector<16xi32>, vector<16xi1>
        %mul3A_349 = arith.mulf %exp3A_172, %div3A_320 : vector<16xf32>
        %eq3A_350 = arith.constant 2 : i32
        %eq3A_351 = vector.broadcast %eq3A_350 : i32 to vector<16xi32>
        %eq3A_352 = arith.cmpi eq, %get3A_152, %eq3A_351 : vector<16xi32>
        %sub3A_353 = arith.constant 24575.75 : f32
        %sub3A_354 = vector.broadcast %sub3A_353 : f32 to vector<16xf32>
        %sub3A_355 = arith.subf %sub3A_354, %mul3A_349 : vector<16xf32>
        %add3A_356 = arith.constant 2.048000e+03 : f32
        %add3A_357 = vector.broadcast %add3A_356 : f32 to vector<16xf32>
        %add3A_358 = arith.addf %add3A_357, %mul3A_349 : vector<16xf32>
        %select_n3A_359 = arith.select %eq3A_352, %sub3A_355, %add3A_358 : vector<16xi1>, vector<16xf32>
        %convert_element_type3A_360 = arith.fptosi %select_n3A_359 : vector<16xf32> to vector<16xi32>
        %broadcast_in_dim3A_361 = arith.constant true
        %broadcast_in_dim3A_362 = vector.broadcast %broadcast_in_dim3A_361 : i1 to vector<16xi1>
        %unique3A_363, %unique3A_364 = tpu.scan_count mask(%broadcast_in_dim3A_362 : vector<16xi1>) value(%convert_element_type3A_360 : vector<16xi32>) : vector<16xi1>, vector<16xi32>
        tpu.vector_store_idx %arg7[%convert_element_type3A_360], %unique3A_364 masked %unique3A_363 {add = true} : memref<43008xi32, #tpu.memory_space<vmem>>[vector<16xi32>], vector<16xi32>, vector<16xi1>
        %mul3A_365 = arith.mulf %exp3A_179, %div3A_320 : vector<16xf32>
        %eq3A_366 = arith.constant 3 : i32
        %eq3A_367 = vector.broadcast %eq3A_366 : i32 to vector<16xi32>
        %eq3A_368 = arith.cmpi eq, %get3A_152, %eq3A_367 : vector<16xi32>
        %sub3A_369 = arith.constant 25599.75 : f32
        %sub3A_370 = vector.broadcast %sub3A_369 : f32 to vector<16xf32>
        %sub3A_371 = arith.subf %sub3A_370, %mul3A_365 : vector<16xf32>
        %add3A_372 = arith.constant 3.072000e+03 : f32
        %add3A_373 = vector.broadcast %add3A_372 : f32 to vector<16xf32>
        %add3A_374 = arith.addf %add3A_373, %mul3A_365 : vector<16xf32>
        %select_n3A_375 = arith.select %eq3A_368, %sub3A_371, %add3A_374 : vector<16xi1>, vector<16xf32>
        %convert_element_type3A_376 = arith.fptosi %select_n3A_375 : vector<16xf32> to vector<16xi32>
        %broadcast_in_dim3A_377 = arith.constant true
        %broadcast_in_dim3A_378 = vector.broadcast %broadcast_in_dim3A_377 : i1 to vector<16xi1>
        %unique3A_379, %unique3A_380 = tpu.scan_count mask(%broadcast_in_dim3A_378 : vector<16xi1>) value(%convert_element_type3A_376 : vector<16xi32>) : vector<16xi1>, vector<16xi32>
        tpu.vector_store_idx %arg7[%convert_element_type3A_376], %unique3A_380 masked %unique3A_379 {add = true} : memref<43008xi32, #tpu.memory_space<vmem>>[vector<16xi32>], vector<16xi32>, vector<16xi1>
        %mul3A_381 = arith.mulf %exp3A_186, %div3A_320 : vector<16xf32>
        %eq3A_382 = arith.constant 4 : i32
        %eq3A_383 = vector.broadcast %eq3A_382 : i32 to vector<16xi32>
        %eq3A_384 = arith.cmpi eq, %get3A_152, %eq3A_383 : vector<16xi32>
        %sub3A_385 = arith.constant 26623.75 : f32
        %sub3A_386 = vector.broadcast %sub3A_385 : f32 to vector<16xf32>
        %sub3A_387 = arith.subf %sub3A_386, %mul3A_381 : vector<16xf32>
        %add3A_388 = arith.constant 4.096000e+03 : f32
        %add3A_389 = vector.broadcast %add3A_388 : f32 to vector<16xf32>
        %add3A_390 = arith.addf %add3A_389, %mul3A_381 : vector<16xf32>
        %select_n3A_391 = arith.select %eq3A_384, %sub3A_387, %add3A_390 : vector<16xi1>, vector<16xf32>
        %convert_element_type3A_392 = arith.fptosi %select_n3A_391 : vector<16xf32> to vector<16xi32>
        %broadcast_in_dim3A_393 = arith.constant true
        %broadcast_in_dim3A_394 = vector.broadcast %broadcast_in_dim3A_393 : i1 to vector<16xi1>
        %unique3A_395, %unique3A_396 = tpu.scan_count mask(%broadcast_in_dim3A_394 : vector<16xi1>) value(%convert_element_type3A_392 : vector<16xi32>) : vector<16xi1>, vector<16xi32>
        tpu.vector_store_idx %arg7[%convert_element_type3A_392], %unique3A_396 masked %unique3A_395 {add = true} : memref<43008xi32, #tpu.memory_space<vmem>>[vector<16xi32>], vector<16xi32>, vector<16xi1>
        %mul3A_397 = arith.mulf %exp3A_193, %div3A_320 : vector<16xf32>
        %eq3A_398 = arith.constant 5 : i32
        %eq3A_399 = vector.broadcast %eq3A_398 : i32 to vector<16xi32>
        %eq3A_400 = arith.cmpi eq, %get3A_152, %eq3A_399 : vector<16xi32>
        %sub3A_401 = arith.constant 27647.75 : f32
        %sub3A_402 = vector.broadcast %sub3A_401 : f32 to vector<16xf32>
        %sub3A_403 = arith.subf %sub3A_402, %mul3A_397 : vector<16xf32>
        %add3A_404 = arith.constant 5.120000e+03 : f32
        %add3A_405 = vector.broadcast %add3A_404 : f32 to vector<16xf32>
        %add3A_406 = arith.addf %add3A_405, %mul3A_397 : vector<16xf32>
        %select_n3A_407 = arith.select %eq3A_400, %sub3A_403, %add3A_406 : vector<16xi1>, vector<16xf32>
        %convert_element_type3A_408 = arith.fptosi %select_n3A_407 : vector<16xf32> to vector<16xi32>
        %broadcast_in_dim3A_409 = arith.constant true
        %broadcast_in_dim3A_410 = vector.broadcast %broadcast_in_dim3A_409 : i1 to vector<16xi1>
        %unique3A_411, %unique3A_412 = tpu.scan_count mask(%broadcast_in_dim3A_410 : vector<16xi1>) value(%convert_element_type3A_408 : vector<16xi32>) : vector<16xi1>, vector<16xi32>
        tpu.vector_store_idx %arg7[%convert_element_type3A_408], %unique3A_412 masked %unique3A_411 {add = true} : memref<43008xi32, #tpu.memory_space<vmem>>[vector<16xi32>], vector<16xi32>, vector<16xi1>
        %mul3A_413 = arith.mulf %exp3A_200, %div3A_320 : vector<16xf32>
        %eq3A_414 = arith.constant 6 : i32
        %eq3A_415 = vector.broadcast %eq3A_414 : i32 to vector<16xi32>
        %eq3A_416 = arith.cmpi eq, %get3A_152, %eq3A_415 : vector<16xi32>
        %sub3A_417 = arith.constant 28671.75 : f32
        %sub3A_418 = vector.broadcast %sub3A_417 : f32 to vector<16xf32>
        %sub3A_419 = arith.subf %sub3A_418, %mul3A_413 : vector<16xf32>
        %add3A_420 = arith.constant 6.144000e+03 : f32
        %add3A_421 = vector.broadcast %add3A_420 : f32 to vector<16xf32>
        %add3A_422 = arith.addf %add3A_421, %mul3A_413 : vector<16xf32>
        %select_n3A_423 = arith.select %eq3A_416, %sub3A_419, %add3A_422 : vector<16xi1>, vector<16xf32>
        %convert_element_type3A_424 = arith.fptosi %select_n3A_423 : vector<16xf32> to vector<16xi32>
        %broadcast_in_dim3A_425 = arith.constant true
        %broadcast_in_dim3A_426 = vector.broadcast %broadcast_in_dim3A_425 : i1 to vector<16xi1>
        %unique3A_427, %unique3A_428 = tpu.scan_count mask(%broadcast_in_dim3A_426 : vector<16xi1>) value(%convert_element_type3A_424 : vector<16xi32>) : vector<16xi1>, vector<16xi32>
        tpu.vector_store_idx %arg7[%convert_element_type3A_424], %unique3A_428 masked %unique3A_427 {add = true} : memref<43008xi32, #tpu.memory_space<vmem>>[vector<16xi32>], vector<16xi32>, vector<16xi1>
        %mul3A_429 = arith.mulf %exp3A_207, %div3A_320 : vector<16xf32>
        %eq3A_430 = arith.constant 7 : i32
        %eq3A_431 = vector.broadcast %eq3A_430 : i32 to vector<16xi32>
        %eq3A_432 = arith.cmpi eq, %get3A_152, %eq3A_431 : vector<16xi32>
        %sub3A_433 = arith.constant 29695.75 : f32
        %sub3A_434 = vector.broadcast %sub3A_433 : f32 to vector<16xf32>
        %sub3A_435 = arith.subf %sub3A_434, %mul3A_429 : vector<16xf32>
        %add3A_436 = arith.constant 7.168000e+03 : f32
        %add3A_437 = vector.broadcast %add3A_436 : f32 to vector<16xf32>
        %add3A_438 = arith.addf %add3A_437, %mul3A_429 : vector<16xf32>
        %select_n3A_439 = arith.select %eq3A_432, %sub3A_435, %add3A_438 : vector<16xi1>, vector<16xf32>
        %convert_element_type3A_440 = arith.fptosi %select_n3A_439 : vector<16xf32> to vector<16xi32>
        %broadcast_in_dim3A_441 = arith.constant true
        %broadcast_in_dim3A_442 = vector.broadcast %broadcast_in_dim3A_441 : i1 to vector<16xi1>
        %unique3A_443, %unique3A_444 = tpu.scan_count mask(%broadcast_in_dim3A_442 : vector<16xi1>) value(%convert_element_type3A_440 : vector<16xi32>) : vector<16xi1>, vector<16xi32>
        tpu.vector_store_idx %arg7[%convert_element_type3A_440], %unique3A_444 masked %unique3A_443 {add = true} : memref<43008xi32, #tpu.memory_space<vmem>>[vector<16xi32>], vector<16xi32>, vector<16xi1>
        %mul3A_445 = arith.mulf %exp3A_214, %div3A_320 : vector<16xf32>
        %eq3A_446 = arith.constant 8 : i32
        %eq3A_447 = vector.broadcast %eq3A_446 : i32 to vector<16xi32>
        %eq3A_448 = arith.cmpi eq, %get3A_152, %eq3A_447 : vector<16xi32>
        %sub3A_449 = arith.constant 30719.75 : f32
        %sub3A_450 = vector.broadcast %sub3A_449 : f32 to vector<16xf32>
        %sub3A_451 = arith.subf %sub3A_450, %mul3A_445 : vector<16xf32>
        %add3A_452 = arith.constant 8.192000e+03 : f32
        %add3A_453 = vector.broadcast %add3A_452 : f32 to vector<16xf32>
        %add3A_454 = arith.addf %add3A_453, %mul3A_445 : vector<16xf32>
        %select_n3A_455 = arith.select %eq3A_448, %sub3A_451, %add3A_454 : vector<16xi1>, vector<16xf32>
        %convert_element_type3A_456 = arith.fptosi %select_n3A_455 : vector<16xf32> to vector<16xi32>
        %broadcast_in_dim3A_457 = arith.constant true
        %broadcast_in_dim3A_458 = vector.broadcast %broadcast_in_dim3A_457 : i1 to vector<16xi1>
        %unique3A_459, %unique3A_460 = tpu.scan_count mask(%broadcast_in_dim3A_458 : vector<16xi1>) value(%convert_element_type3A_456 : vector<16xi32>) : vector<16xi1>, vector<16xi32>
        tpu.vector_store_idx %arg7[%convert_element_type3A_456], %unique3A_460 masked %unique3A_459 {add = true} : memref<43008xi32, #tpu.memory_space<vmem>>[vector<16xi32>], vector<16xi32>, vector<16xi1>
        %mul3A_461 = arith.mulf %exp3A_221, %div3A_320 : vector<16xf32>
        %eq3A_462 = arith.constant 9 : i32
        %eq3A_463 = vector.broadcast %eq3A_462 : i32 to vector<16xi32>
        %eq3A_464 = arith.cmpi eq, %get3A_152, %eq3A_463 : vector<16xi32>
        %sub3A_465 = arith.constant 31743.75 : f32
        %sub3A_466 = vector.broadcast %sub3A_465 : f32 to vector<16xf32>
        %sub3A_467 = arith.subf %sub3A_466, %mul3A_461 : vector<16xf32>
        %add3A_468 = arith.constant 9.216000e+03 : f32
        %add3A_469 = vector.broadcast %add3A_468 : f32 to vector<16xf32>
        %add3A_470 = arith.addf %add3A_469, %mul3A_461 : vector<16xf32>
        %select_n3A_471 = arith.select %eq3A_464, %sub3A_467, %add3A_470 : vector<16xi1>, vector<16xf32>
        %convert_element_type3A_472 = arith.fptosi %select_n3A_471 : vector<16xf32> to vector<16xi32>
        %broadcast_in_dim3A_473 = arith.constant true
        %broadcast_in_dim3A_474 = vector.broadcast %broadcast_in_dim3A_473 : i1 to vector<16xi1>
        %unique3A_475, %unique3A_476 = tpu.scan_count mask(%broadcast_in_dim3A_474 : vector<16xi1>) value(%convert_element_type3A_472 : vector<16xi32>) : vector<16xi1>, vector<16xi32>
        tpu.vector_store_idx %arg7[%convert_element_type3A_472], %unique3A_476 masked %unique3A_475 {add = true} : memref<43008xi32, #tpu.memory_space<vmem>>[vector<16xi32>], vector<16xi32>, vector<16xi1>
        %mul3A_477 = arith.mulf %exp3A_228, %div3A_320 : vector<16xf32>
        %eq3A_478 = arith.constant 10 : i32
        %eq3A_479 = vector.broadcast %eq3A_478 : i32 to vector<16xi32>
        %eq3A_480 = arith.cmpi eq, %get3A_152, %eq3A_479 : vector<16xi32>
        %sub3A_481 = arith.constant 32767.75 : f32
        %sub3A_482 = vector.broadcast %sub3A_481 : f32 to vector<16xf32>
        %sub3A_483 = arith.subf %sub3A_482, %mul3A_477 : vector<16xf32>
        %add3A_484 = arith.constant 1.024000e+04 : f32
        %add3A_485 = vector.broadcast %add3A_484 : f32 to vector<16xf32>
        %add3A_486 = arith.addf %add3A_485, %mul3A_477 : vector<16xf32>
        %select_n3A_487 = arith.select %eq3A_480, %sub3A_483, %add3A_486 : vector<16xi1>, vector<16xf32>
        %convert_element_type3A_488 = arith.fptosi %select_n3A_487 : vector<16xf32> to vector<16xi32>
        %broadcast_in_dim3A_489 = arith.constant true
        %broadcast_in_dim3A_490 = vector.broadcast %broadcast_in_dim3A_489 : i1 to vector<16xi1>
        %unique3A_491, %unique3A_492 = tpu.scan_count mask(%broadcast_in_dim3A_490 : vector<16xi1>) value(%convert_element_type3A_488 : vector<16xi32>) : vector<16xi1>, vector<16xi32>
        tpu.vector_store_idx %arg7[%convert_element_type3A_488], %unique3A_492 masked %unique3A_491 {add = true} : memref<43008xi32, #tpu.memory_space<vmem>>[vector<16xi32>], vector<16xi32>, vector<16xi1>
        %mul3A_493 = arith.mulf %exp3A_235, %div3A_320 : vector<16xf32>
        %eq3A_494 = arith.constant 11 : i32
        %eq3A_495 = vector.broadcast %eq3A_494 : i32 to vector<16xi32>
        %eq3A_496 = arith.cmpi eq, %get3A_152, %eq3A_495 : vector<16xi32>
        %sub3A_497 = arith.constant 33791.75 : f32
        %sub3A_498 = vector.broadcast %sub3A_497 : f32 to vector<16xf32>
        %sub3A_499 = arith.subf %sub3A_498, %mul3A_493 : vector<16xf32>
        %add3A_500 = arith.constant 1.126400e+04 : f32
        %add3A_501 = vector.broadcast %add3A_500 : f32 to vector<16xf32>
        %add3A_502 = arith.addf %add3A_501, %mul3A_493 : vector<16xf32>
        %select_n3A_503 = arith.select %eq3A_496, %sub3A_499, %add3A_502 : vector<16xi1>, vector<16xf32>
        %convert_element_type3A_504 = arith.fptosi %select_n3A_503 : vector<16xf32> to vector<16xi32>
        %broadcast_in_dim3A_505 = arith.constant true
        %broadcast_in_dim3A_506 = vector.broadcast %broadcast_in_dim3A_505 : i1 to vector<16xi1>
        %unique3A_507, %unique3A_508 = tpu.scan_count mask(%broadcast_in_dim3A_506 : vector<16xi1>) value(%convert_element_type3A_504 : vector<16xi32>) : vector<16xi1>, vector<16xi32>
        tpu.vector_store_idx %arg7[%convert_element_type3A_504], %unique3A_508 masked %unique3A_507 {add = true} : memref<43008xi32, #tpu.memory_space<vmem>>[vector<16xi32>], vector<16xi32>, vector<16xi1>
        %mul3A_509 = arith.mulf %exp3A_242, %div3A_320 : vector<16xf32>
        %eq3A_510 = arith.constant 12 : i32
        %eq3A_511 = vector.broadcast %eq3A_510 : i32 to vector<16xi32>
        %eq3A_512 = arith.cmpi eq, %get3A_152, %eq3A_511 : vector<16xi32>
        %sub3A_513 = arith.constant 34815.75 : f32
        %sub3A_514 = vector.broadcast %sub3A_513 : f32 to vector<16xf32>
        %sub3A_515 = arith.subf %sub3A_514, %mul3A_509 : vector<16xf32>
        %add3A_516 = arith.constant 1.228800e+04 : f32
        %add3A_517 = vector.broadcast %add3A_516 : f32 to vector<16xf32>
        %add3A_518 = arith.addf %add3A_517, %mul3A_509 : vector<16xf32>
        %select_n3A_519 = arith.select %eq3A_512, %sub3A_515, %add3A_518 : vector<16xi1>, vector<16xf32>
        %convert_element_type3A_520 = arith.fptosi %select_n3A_519 : vector<16xf32> to vector<16xi32>
        %broadcast_in_dim3A_521 = arith.constant true
        %broadcast_in_dim3A_522 = vector.broadcast %broadcast_in_dim3A_521 : i1 to vector<16xi1>
        %unique3A_523, %unique3A_524 = tpu.scan_count mask(%broadcast_in_dim3A_522 : vector<16xi1>) value(%convert_element_type3A_520 : vector<16xi32>) : vector<16xi1>, vector<16xi32>
        tpu.vector_store_idx %arg7[%convert_element_type3A_520], %unique3A_524 masked %unique3A_523 {add = true} : memref<43008xi32, #tpu.memory_space<vmem>>[vector<16xi32>], vector<16xi32>, vector<16xi1>
        %mul3A_525 = arith.mulf %exp3A_249, %div3A_320 : vector<16xf32>
        %eq3A_526 = arith.constant 13 : i32
        %eq3A_527 = vector.broadcast %eq3A_526 : i32 to vector<16xi32>
        %eq3A_528 = arith.cmpi eq, %get3A_152, %eq3A_527 : vector<16xi32>
        %sub3A_529 = arith.constant 35839.75 : f32
        %sub3A_530 = vector.broadcast %sub3A_529 : f32 to vector<16xf32>
        %sub3A_531 = arith.subf %sub3A_530, %mul3A_525 : vector<16xf32>
        %add3A_532 = arith.constant 1.331200e+04 : f32
        %add3A_533 = vector.broadcast %add3A_532 : f32 to vector<16xf32>
        %add3A_534 = arith.addf %add3A_533, %mul3A_525 : vector<16xf32>
        %select_n3A_535 = arith.select %eq3A_528, %sub3A_531, %add3A_534 : vector<16xi1>, vector<16xf32>
        %convert_element_type3A_536 = arith.fptosi %select_n3A_535 : vector<16xf32> to vector<16xi32>
        %broadcast_in_dim3A_537 = arith.constant true
        %broadcast_in_dim3A_538 = vector.broadcast %broadcast_in_dim3A_537 : i1 to vector<16xi1>
        %unique3A_539, %unique3A_540 = tpu.scan_count mask(%broadcast_in_dim3A_538 : vector<16xi1>) value(%convert_element_type3A_536 : vector<16xi32>) : vector<16xi1>, vector<16xi32>
        tpu.vector_store_idx %arg7[%convert_element_type3A_536], %unique3A_540 masked %unique3A_539 {add = true} : memref<43008xi32, #tpu.memory_space<vmem>>[vector<16xi32>], vector<16xi32>, vector<16xi1>
        %mul3A_541 = arith.mulf %exp3A_256, %div3A_320 : vector<16xf32>
        %eq3A_542 = arith.constant 14 : i32
        %eq3A_543 = vector.broadcast %eq3A_542 : i32 to vector<16xi32>
        %eq3A_544 = arith.cmpi eq, %get3A_152, %eq3A_543 : vector<16xi32>
        %sub3A_545 = arith.constant 36863.75 : f32
        %sub3A_546 = vector.broadcast %sub3A_545 : f32 to vector<16xf32>
        %sub3A_547 = arith.subf %sub3A_546, %mul3A_541 : vector<16xf32>
        %add3A_548 = arith.constant 1.433600e+04 : f32
        %add3A_549 = vector.broadcast %add3A_548 : f32 to vector<16xf32>
        %add3A_550 = arith.addf %add3A_549, %mul3A_541 : vector<16xf32>
        %select_n3A_551 = arith.select %eq3A_544, %sub3A_547, %add3A_550 : vector<16xi1>, vector<16xf32>
        %convert_element_type3A_552 = arith.fptosi %select_n3A_551 : vector<16xf32> to vector<16xi32>
        %broadcast_in_dim3A_553 = arith.constant true
        %broadcast_in_dim3A_554 = vector.broadcast %broadcast_in_dim3A_553 : i1 to vector<16xi1>
        %unique3A_555, %unique3A_556 = tpu.scan_count mask(%broadcast_in_dim3A_554 : vector<16xi1>) value(%convert_element_type3A_552 : vector<16xi32>) : vector<16xi1>, vector<16xi32>
        tpu.vector_store_idx %arg7[%convert_element_type3A_552], %unique3A_556 masked %unique3A_555 {add = true} : memref<43008xi32, #tpu.memory_space<vmem>>[vector<16xi32>], vector<16xi32>, vector<16xi1>
        %mul3A_557 = arith.mulf %exp3A_263, %div3A_320 : vector<16xf32>
        %eq3A_558 = arith.constant 15 : i32
        %eq3A_559 = vector.broadcast %eq3A_558 : i32 to vector<16xi32>
        %eq3A_560 = arith.cmpi eq, %get3A_152, %eq3A_559 : vector<16xi32>
        %sub3A_561 = arith.constant 37887.75 : f32
        %sub3A_562 = vector.broadcast %sub3A_561 : f32 to vector<16xf32>
        %sub3A_563 = arith.subf %sub3A_562, %mul3A_557 : vector<16xf32>
        %add3A_564 = arith.constant 1.536000e+04 : f32
        %add3A_565 = vector.broadcast %add3A_564 : f32 to vector<16xf32>
        %add3A_566 = arith.addf %add3A_565, %mul3A_557 : vector<16xf32>
        %select_n3A_567 = arith.select %eq3A_560, %sub3A_563, %add3A_566 : vector<16xi1>, vector<16xf32>
        %convert_element_type3A_568 = arith.fptosi %select_n3A_567 : vector<16xf32> to vector<16xi32>
        %broadcast_in_dim3A_569 = arith.constant true
        %broadcast_in_dim3A_570 = vector.broadcast %broadcast_in_dim3A_569 : i1 to vector<16xi1>
        %unique3A_571, %unique3A_572 = tpu.scan_count mask(%broadcast_in_dim3A_570 : vector<16xi1>) value(%convert_element_type3A_568 : vector<16xi32>) : vector<16xi1>, vector<16xi32>
        tpu.vector_store_idx %arg7[%convert_element_type3A_568], %unique3A_572 masked %unique3A_571 {add = true} : memref<43008xi32, #tpu.memory_space<vmem>>[vector<16xi32>], vector<16xi32>, vector<16xi1>
        %mul3A_573 = arith.mulf %exp3A_270, %div3A_320 : vector<16xf32>
        %eq3A_574 = arith.constant 16 : i32
        %eq3A_575 = vector.broadcast %eq3A_574 : i32 to vector<16xi32>
        %eq3A_576 = arith.cmpi eq, %get3A_152, %eq3A_575 : vector<16xi32>
        %sub3A_577 = arith.constant 38911.75 : f32
        %sub3A_578 = vector.broadcast %sub3A_577 : f32 to vector<16xf32>
        %sub3A_579 = arith.subf %sub3A_578, %mul3A_573 : vector<16xf32>
        %add3A_580 = arith.constant 1.638400e+04 : f32
        %add3A_581 = vector.broadcast %add3A_580 : f32 to vector<16xf32>
        %add3A_582 = arith.addf %add3A_581, %mul3A_573 : vector<16xf32>
        %select_n3A_583 = arith.select %eq3A_576, %sub3A_579, %add3A_582 : vector<16xi1>, vector<16xf32>
        %convert_element_type3A_584 = arith.fptosi %select_n3A_583 : vector<16xf32> to vector<16xi32>
        %broadcast_in_dim3A_585 = arith.constant true
        %broadcast_in_dim3A_586 = vector.broadcast %broadcast_in_dim3A_585 : i1 to vector<16xi1>
        %unique3A_587, %unique3A_588 = tpu.scan_count mask(%broadcast_in_dim3A_586 : vector<16xi1>) value(%convert_element_type3A_584 : vector<16xi32>) : vector<16xi1>, vector<16xi32>
        tpu.vector_store_idx %arg7[%convert_element_type3A_584], %unique3A_588 masked %unique3A_587 {add = true} : memref<43008xi32, #tpu.memory_space<vmem>>[vector<16xi32>], vector<16xi32>, vector<16xi1>
        %mul3A_589 = arith.mulf %exp3A_277, %div3A_320 : vector<16xf32>
        %eq3A_590 = arith.constant 17 : i32
        %eq3A_591 = vector.broadcast %eq3A_590 : i32 to vector<16xi32>
        %eq3A_592 = arith.cmpi eq, %get3A_152, %eq3A_591 : vector<16xi32>
        %sub3A_593 = arith.constant 39935.75 : f32
        %sub3A_594 = vector.broadcast %sub3A_593 : f32 to vector<16xf32>
        %sub3A_595 = arith.subf %sub3A_594, %mul3A_589 : vector<16xf32>
        %add3A_596 = arith.constant 1.740800e+04 : f32
        %add3A_597 = vector.broadcast %add3A_596 : f32 to vector<16xf32>
        %add3A_598 = arith.addf %add3A_597, %mul3A_589 : vector<16xf32>
        %select_n3A_599 = arith.select %eq3A_592, %sub3A_595, %add3A_598 : vector<16xi1>, vector<16xf32>
        %convert_element_type3A_600 = arith.fptosi %select_n3A_599 : vector<16xf32> to vector<16xi32>
        %broadcast_in_dim3A_601 = arith.constant true
        %broadcast_in_dim3A_602 = vector.broadcast %broadcast_in_dim3A_601 : i1 to vector<16xi1>
        %unique3A_603, %unique3A_604 = tpu.scan_count mask(%broadcast_in_dim3A_602 : vector<16xi1>) value(%convert_element_type3A_600 : vector<16xi32>) : vector<16xi1>, vector<16xi32>
        tpu.vector_store_idx %arg7[%convert_element_type3A_600], %unique3A_604 masked %unique3A_603 {add = true} : memref<43008xi32, #tpu.memory_space<vmem>>[vector<16xi32>], vector<16xi32>, vector<16xi1>
        %mul3A_605 = arith.mulf %exp3A_284, %div3A_320 : vector<16xf32>
        %eq3A_606 = arith.constant 18 : i32
        %eq3A_607 = vector.broadcast %eq3A_606 : i32 to vector<16xi32>
        %eq3A_608 = arith.cmpi eq, %get3A_152, %eq3A_607 : vector<16xi32>
        %sub3A_609 = arith.constant 40959.75 : f32
        %sub3A_610 = vector.broadcast %sub3A_609 : f32 to vector<16xf32>
        %sub3A_611 = arith.subf %sub3A_610, %mul3A_605 : vector<16xf32>
        %add3A_612 = arith.constant 1.843200e+04 : f32
        %add3A_613 = vector.broadcast %add3A_612 : f32 to vector<16xf32>
        %add3A_614 = arith.addf %add3A_613, %mul3A_605 : vector<16xf32>
        %select_n3A_615 = arith.select %eq3A_608, %sub3A_611, %add3A_614 : vector<16xi1>, vector<16xf32>
        %convert_element_type3A_616 = arith.fptosi %select_n3A_615 : vector<16xf32> to vector<16xi32>
        %broadcast_in_dim3A_617 = arith.constant true
        %broadcast_in_dim3A_618 = vector.broadcast %broadcast_in_dim3A_617 : i1 to vector<16xi1>
        %unique3A_619, %unique3A_620 = tpu.scan_count mask(%broadcast_in_dim3A_618 : vector<16xi1>) value(%convert_element_type3A_616 : vector<16xi32>) : vector<16xi1>, vector<16xi32>
        tpu.vector_store_idx %arg7[%convert_element_type3A_616], %unique3A_620 masked %unique3A_619 {add = true} : memref<43008xi32, #tpu.memory_space<vmem>>[vector<16xi32>], vector<16xi32>, vector<16xi1>
        %mul3A_621 = arith.mulf %exp3A_291, %div3A_320 : vector<16xf32>
        %eq3A_622 = arith.constant 19 : i32
        %eq3A_623 = vector.broadcast %eq3A_622 : i32 to vector<16xi32>
        %eq3A_624 = arith.cmpi eq, %get3A_152, %eq3A_623 : vector<16xi32>
        %sub3A_625 = arith.constant 41983.75 : f32
        %sub3A_626 = vector.broadcast %sub3A_625 : f32 to vector<16xf32>
        %sub3A_627 = arith.subf %sub3A_626, %mul3A_621 : vector<16xf32>
        %add3A_628 = arith.constant 1.945600e+04 : f32
        %add3A_629 = vector.broadcast %add3A_628 : f32 to vector<16xf32>
        %add3A_630 = arith.addf %add3A_629, %mul3A_621 : vector<16xf32>
        %select_n3A_631 = arith.select %eq3A_624, %sub3A_627, %add3A_630 : vector<16xi1>, vector<16xf32>
        %convert_element_type3A_632 = arith.fptosi %select_n3A_631 : vector<16xf32> to vector<16xi32>
        %broadcast_in_dim3A_633 = arith.constant true
        %broadcast_in_dim3A_634 = vector.broadcast %broadcast_in_dim3A_633 : i1 to vector<16xi1>
        %unique3A_635, %unique3A_636 = tpu.scan_count mask(%broadcast_in_dim3A_634 : vector<16xi1>) value(%convert_element_type3A_632 : vector<16xi32>) : vector<16xi1>, vector<16xi32>
        tpu.vector_store_idx %arg7[%convert_element_type3A_632], %unique3A_636 masked %unique3A_635 {add = true} : memref<43008xi32, #tpu.memory_space<vmem>>[vector<16xi32>], vector<16xi32>, vector<16xi1>
        %mul3A_637 = arith.mulf %exp3A_298, %div3A_320 : vector<16xf32>
        %eq3A_638 = arith.constant 20 : i32
        %eq3A_639 = vector.broadcast %eq3A_638 : i32 to vector<16xi32>
        %eq3A_640 = arith.cmpi eq, %get3A_152, %eq3A_639 : vector<16xi32>
        %sub3A_641 = arith.constant 43007.75 : f32
        %sub3A_642 = vector.broadcast %sub3A_641 : f32 to vector<16xf32>
        %sub3A_643 = arith.subf %sub3A_642, %mul3A_637 : vector<16xf32>
        %add3A_644 = arith.constant 2.048000e+04 : f32
        %add3A_645 = vector.broadcast %add3A_644 : f32 to vector<16xf32>
        %add3A_646 = arith.addf %add3A_645, %mul3A_637 : vector<16xf32>
        %select_n3A_647 = arith.select %eq3A_640, %sub3A_643, %add3A_646 : vector<16xi1>, vector<16xf32>
        %convert_element_type3A_648 = arith.fptosi %select_n3A_647 : vector<16xf32> to vector<16xi32>
        %broadcast_in_dim3A_649 = arith.constant true
        %broadcast_in_dim3A_650 = vector.broadcast %broadcast_in_dim3A_649 : i1 to vector<16xi1>
        %unique3A_651, %unique3A_652 = tpu.scan_count mask(%broadcast_in_dim3A_650 : vector<16xi1>) value(%convert_element_type3A_648 : vector<16xi32>) : vector<16xi1>, vector<16xi32>
        tpu.vector_store_idx %arg7[%convert_element_type3A_648], %unique3A_652 masked %unique3A_651 {add = true} : memref<43008xi32, #tpu.memory_space<vmem>>[vector<16xi32>], vector<16xi32>, vector<16xi1>
        %mul3A_653 = arith.constant 32 : i32
        %mul3A_654 = arith.muli %scan3A_147, %mul3A_653 : i32
        %add3A_655 = arith.constant 16 : i32
        %add3A_656 = arith.addi %mul3A_654, %add3A_655 : i32
        %get3A_657 = arith.constant 1 : i32
        %get3A_658 = arith.index_cast %get3A_657 : i32 to index
        %get3A_659 = arith.index_cast %add3A_656 : i32 to index
        %get3A_660 = tpu.vector_load %arg6[%get3A_658, %get3A_659] {strides = array<i32>} : memref<2x512xi32, #tpu.memory_space<vmem>>, vector<16xi32>,
        %get3A_661 = arith.constant 1 : i32
        %get3A_662 = arith.constant 0 : i32
        %get3A_663 = arith.index_cast %get3A_661 : i32 to index
        %get3A_664 = arith.index_cast %get3A_662 : i32 to index
        %get3A_665 = arith.index_cast %add3A_656 : i32 to index
        %get3A_666 = tpu.vector_load %arg5[%get3A_663, %get3A_664, %get3A_665] {strides = array<i32>} : memref<2x21x512xf32, #tpu.memory_space<vmem>>, vector<16xf32>,
        %exp3A_667 = math.exp %get3A_666 : vector<16xf32>
        %get3A_668 = arith.constant 1 : i32
        %get3A_669 = arith.constant 1 : i32
        %get3A_670 = arith.index_cast %get3A_668 : i32 to index
        %get3A_671 = arith.index_cast %get3A_669 : i32 to index
        %get3A_672 = arith.index_cast %add3A_656 : i32 to index
        %get3A_673 = tpu.vector_load %arg5[%get3A_670, %get3A_671, %get3A_672] {strides = array<i32>} : memref<2x21x512xf32, #tpu.memory_space<vmem>>, vector<16xf32>,
        %exp3A_674 = math.exp %get3A_673 : vector<16xf32>
        %get3A_675 = arith.constant 1 : i32
        %get3A_676 = arith.constant 2 : i32
        %get3A_677 = arith.index_cast %get3A_675 : i32 to index
        %get3A_678 = arith.index_cast %get3A_676 : i32 to index
        %get3A_679 = arith.index_cast %add3A_656 : i32 to index
        %get3A_680 = tpu.vector_load %arg5[%get3A_677, %get3A_678, %get3A_679] {strides = array<i32>} : memref<2x21x512xf32, #tpu.memory_space<vmem>>, vector<16xf32>,
        %exp3A_681 = math.exp %get3A_680 : vector<16xf32>
        %get3A_682 = arith.constant 1 : i32
        %get3A_683 = arith.constant 3 : i32
        %get3A_684 = arith.index_cast %get3A_682 : i32 to index
        %get3A_685 = arith.index_cast %get3A_683 : i32 to index
        %get3A_686 = arith.index_cast %add3A_656 : i32 to index
        %get3A_687 = tpu.vector_load %arg5[%get3A_684, %get3A_685, %get3A_686] {strides = array<i32>} : memref<2x21x512xf32, #tpu.memory_space<vmem>>, vector<16xf32>,
        %exp3A_688 = math.exp %get3A_687 : vector<16xf32>
        %get3A_689 = arith.constant 1 : i32
        %get3A_690 = arith.constant 4 : i32
        %get3A_691 = arith.index_cast %get3A_689 : i32 to index
        %get3A_692 = arith.index_cast %get3A_690 : i32 to index
        %get3A_693 = arith.index_cast %add3A_656 : i32 to index
        %get3A_694 = tpu.vector_load %arg5[%get3A_691, %get3A_692, %get3A_693] {strides = array<i32>} : memref<2x21x512xf32, #tpu.memory_space<vmem>>, vector<16xf32>,
        %exp3A_695 = math.exp %get3A_694 : vector<16xf32>
        %get3A_696 = arith.constant 1 : i32
        %get3A_697 = arith.constant 5 : i32
        %get3A_698 = arith.index_cast %get3A_696 : i32 to index
        %get3A_699 = arith.index_cast %get3A_697 : i32 to index
        %get3A_700 = arith.index_cast %add3A_656 : i32 to index
        %get3A_701 = tpu.vector_load %arg5[%get3A_698, %get3A_699, %get3A_700] {strides = array<i32>} : memref<2x21x512xf32, #tpu.memory_space<vmem>>, vector<16xf32>,
        %exp3A_702 = math.exp %get3A_701 : vector<16xf32>
        %get3A_703 = arith.constant 1 : i32
        %get3A_704 = arith.constant 6 : i32
        %get3A_705 = arith.index_cast %get3A_703 : i32 to index
        %get3A_706 = arith.index_cast %get3A_704 : i32 to index
        %get3A_707 = arith.index_cast %add3A_656 : i32 to index
        %get3A_708 = tpu.vector_load %arg5[%get3A_705, %get3A_706, %get3A_707] {strides = array<i32>} : memref<2x21x512xf32, #tpu.memory_space<vmem>>, vector<16xf32>,
        %exp3A_709 = math.exp %get3A_708 : vector<16xf32>
        %get3A_710 = arith.constant 1 : i32
        %get3A_711 = arith.constant 7 : i32
        %get3A_712 = arith.index_cast %get3A_710 : i32 to index
        %get3A_713 = arith.index_cast %get3A_711 : i32 to index
        %get3A_714 = arith.index_cast %add3A_656 : i32 to index
        %get3A_715 = tpu.vector_load %arg5[%get3A_712, %get3A_713, %get3A_714] {strides = array<i32>} : memref<2x21x512xf32, #tpu.memory_space<vmem>>, vector<16xf32>,
        %exp3A_716 = math.exp %get3A_715 : vector<16xf32>
        %get3A_717 = arith.constant 1 : i32
        %get3A_718 = arith.constant 8 : i32
        %get3A_719 = arith.index_cast %get3A_717 : i32 to index
        %get3A_720 = arith.index_cast %get3A_718 : i32 to index
        %get3A_721 = arith.index_cast %add3A_656 : i32 to index
        %get3A_722 = tpu.vector_load %arg5[%get3A_719, %get3A_720, %get3A_721] {strides = array<i32>} : memref<2x21x512xf32, #tpu.memory_space<vmem>>, vector<16xf32>,
        %exp3A_723 = math.exp %get3A_722 : vector<16xf32>
        %get3A_724 = arith.constant 1 : i32
        %get3A_725 = arith.constant 9 : i32
        %get3A_726 = arith.index_cast %get3A_724 : i32 to index
        %get3A_727 = arith.index_cast %get3A_725 : i32 to index
        %get3A_728 = arith.index_cast %add3A_656 : i32 to index
        %get3A_729 = tpu.vector_load %arg5[%get3A_726, %get3A_727, %get3A_728] {strides = array<i32>} : memref<2x21x512xf32, #tpu.memory_space<vmem>>, vector<16xf32>,
        %exp3A_730 = math.exp %get3A_729 : vector<16xf32>
        %get3A_731 = arith.constant 1 : i32
        %get3A_732 = arith.constant 10 : i32
        %get3A_733 = arith.index_cast %get3A_731 : i32 to index
        %get3A_734 = arith.index_cast %get3A_732 : i32 to index
        %get3A_735 = arith.index_cast %add3A_656 : i32 to index
        %get3A_736 = tpu.vector_load %arg5[%get3A_733, %get3A_734, %get3A_735] {strides = array<i32>} : memref<2x21x512xf32, #tpu.memory_space<vmem>>, vector<16xf32>,
        %exp3A_737 = math.exp %get3A_736 : vector<16xf32>
        %get3A_738 = arith.constant 1 : i32
        %get3A_739 = arith.constant 11 : i32
        %get3A_740 = arith.index_cast %get3A_738 : i32 to index
        %get3A_741 = arith.index_cast %get3A_739 : i32 to index
        %get3A_742 = arith.index_cast %add3A_656 : i32 to index
        %get3A_743 = tpu.vector_load %arg5[%get3A_740, %get3A_741, %get3A_742] {strides = array<i32>} : memref<2x21x512xf32, #tpu.memory_space<vmem>>, vector<16xf32>,
        %exp3A_744 = math.exp %get3A_743 : vector<16xf32>
        %get3A_745 = arith.constant 1 : i32
        %get3A_746 = arith.constant 12 : i32
        %get3A_747 = arith.index_cast %get3A_745 : i32 to index
        %get3A_748 = arith.index_cast %get3A_746 : i32 to index
        %get3A_749 = arith.index_cast %add3A_656 : i32 to index
        %get3A_750 = tpu.vector_load %arg5[%get3A_747, %get3A_748, %get3A_749] {strides = array<i32>} : memref<2x21x512xf32, #tpu.memory_space<vmem>>, vector<16xf32>,
        %exp3A_751 = math.exp %get3A_750 : vector<16xf32>
        %get3A_752 = arith.constant 1 : i32
        %get3A_753 = arith.constant 13 : i32
        %get3A_754 = arith.index_cast %get3A_752 : i32 to index
        %get3A_755 = arith.index_cast %get3A_753 : i32 to index
        %get3A_756 = arith.index_cast %add3A_656 : i32 to index
        %get3A_757 = tpu.vector_load %arg5[%get3A_754, %get3A_755, %get3A_756] {strides = array<i32>} : memref<2x21x512xf32, #tpu.memory_space<vmem>>, vector<16xf32>,
        %exp3A_758 = math.exp %get3A_757 : vector<16xf32>
        %get3A_759 = arith.constant 1 : i32
        %get3A_760 = arith.constant 14 : i32
        %get3A_761 = arith.index_cast %get3A_759 : i32 to index
        %get3A_762 = arith.index_cast %get3A_760 : i32 to index
        %get3A_763 = arith.index_cast %add3A_656 : i32 to index
        %get3A_764 = tpu.vector_load %arg5[%get3A_761, %get3A_762, %get3A_763] {strides = array<i32>} : memref<2x21x512xf32, #tpu.memory_space<vmem>>, vector<16xf32>,
        %exp3A_765 = math.exp %get3A_764 : vector<16xf32>
        %get3A_766 = arith.constant 1 : i32
        %get3A_767 = arith.constant 15 : i32
        %get3A_768 = arith.index_cast %get3A_766 : i32 to index
        %get3A_769 = arith.index_cast %get3A_767 : i32 to index
        %get3A_770 = arith.index_cast %add3A_656 : i32 to index
        %get3A_771 = tpu.vector_load %arg5[%get3A_768, %get3A_769, %get3A_770] {strides = array<i32>} : memref<2x21x512xf32, #tpu.memory_space<vmem>>, vector<16xf32>,
        %exp3A_772 = math.exp %get3A_771 : vector<16xf32>
        %get3A_773 = arith.constant 1 : i32
        %get3A_774 = arith.constant 16 : i32
        %get3A_775 = arith.index_cast %get3A_773 : i32 to index
        %get3A_776 = arith.index_cast %get3A_774 : i32 to index
        %get3A_777 = arith.index_cast %add3A_656 : i32 to index
        %get3A_778 = tpu.vector_load %arg5[%get3A_775, %get3A_776, %get3A_777] {strides = array<i32>} : memref<2x21x512xf32, #tpu.memory_space<vmem>>, vector<16xf32>,
        %exp3A_779 = math.exp %get3A_778 : vector<16xf32>
        %get3A_780 = arith.constant 1 : i32
        %get3A_781 = arith.constant 17 : i32
        %get3A_782 = arith.index_cast %get3A_780 : i32 to index
        %get3A_783 = arith.index_cast %get3A_781 : i32 to index
        %get3A_784 = arith.index_cast %add3A_656 : i32 to index
        %get3A_785 = tpu.vector_load %arg5[%get3A_782, %get3A_783, %get3A_784] {strides = array<i32>} : memref<2x21x512xf32, #tpu.memory_space<vmem>>, vector<16xf32>,
        %exp3A_786 = math.exp %get3A_785 : vector<16xf32>
        %get3A_787 = arith.constant 1 : i32
        %get3A_788 = arith.constant 18 : i32
        %get3A_789 = arith.index_cast %get3A_787 : i32 to index
        %get3A_790 = arith.index_cast %get3A_788 : i32 to index
        %get3A_791 = arith.index_cast %add3A_656 : i32 to index
        %get3A_792 = tpu.vector_load %arg5[%get3A_789, %get3A_790, %get3A_791] {strides = array<i32>} : memref<2x21x512xf32, #tpu.memory_space<vmem>>, vector<16xf32>,
        %exp3A_793 = math.exp %get3A_792 : vector<16xf32>
        %get3A_794 = arith.constant 1 : i32
        %get3A_795 = arith.constant 19 : i32
        %get3A_796 = arith.index_cast %get3A_794 : i32 to index
        %get3A_797 = arith.index_cast %get3A_795 : i32 to index
        %get3A_798 = arith.index_cast %add3A_656 : i32 to index
        %get3A_799 = tpu.vector_load %arg5[%get3A_796, %get3A_797, %get3A_798] {strides = array<i32>} : memref<2x21x512xf32, #tpu.memory_space<vmem>>, vector<16xf32>,
        %exp3A_800 = math.exp %get3A_799 : vector<16xf32>
        %get3A_801 = arith.constant 1 : i32
        %get3A_802 = arith.constant 20 : i32
        %get3A_803 = arith.index_cast %get3A_801 : i32 to index
        %get3A_804 = arith.index_cast %get3A_802 : i32 to index
        %get3A_805 = arith.index_cast %add3A_656 : i32 to index
        %get3A_806 = tpu.vector_load %arg5[%get3A_803, %get3A_804, %get3A_805] {strides = array<i32>} : memref<2x21x512xf32, #tpu.memory_space<vmem>>, vector<16xf32>,
        %exp3A_807 = math.exp %get3A_806 : vector<16xf32>
        %add3A_808 = arith.addf %exp3A_667, %exp3A_674 : vector<16xf32>
        %add3A_809 = arith.addf %exp3A_681, %exp3A_688 : vector<16xf32>
        %add3A_810 = arith.addf %exp3A_695, %exp3A_702 : vector<16xf32>
        %add3A_811 = arith.addf %exp3A_709, %exp3A_716 : vector<16xf32>
        %add3A_812 = arith.addf %exp3A_723, %exp3A_730 : vector<16xf32>
        %add3A_813 = arith.addf %exp3A_737, %exp3A_744 : vector<16xf32>
        %add3A_814 = arith.addf %exp3A_751, %exp3A_758 : vector<16xf32>
        %add3A_815 = arith.addf %exp3A_765, %exp3A_772 : vector<16xf32>
        %add3A_816 = arith.addf %exp3A_779, %exp3A_786 : vector<16xf32>
        %add3A_817 = arith.addf %exp3A_793, %exp3A_800 : vector<16xf32>
        %add3A_818 = arith.addf %add3A_808, %add3A_809 : vector<16xf32>
        %add3A_819 = arith.addf %add3A_810, %add3A_811 : vector<16xf32>
        %add3A_820 = arith.addf %add3A_812, %add3A_813 : vector<16xf32>
        %add3A_821 = arith.addf %add3A_814, %add3A_815 : vector<16xf32>
        %add3A_822 = arith.addf %add3A_816, %add3A_817 : vector<16xf32>
        %add3A_823 = arith.addf %add3A_818, %add3A_819 : vector<16xf32>
        %add3A_824 = arith.addf %add3A_820, %add3A_821 : vector<16xf32>
        %add3A_825 = arith.addf %add3A_822, %exp3A_807 : vector<16xf32>
        %add3A_826 = arith.addf %add3A_823, %add3A_824 : vector<16xf32>
        %add3A_827 = arith.addf %add3A_826, %add3A_825 : vector<16xf32>
        %div3A_828 = arith.constant 1.023500e+03 : f32
        %div3A_829 = vector.broadcast %div3A_828 : f32 to vector<16xf32>
        %div3A_830 = arith.divf %div3A_829, %add3A_827 : vector<16xf32>
        %mul3A_831 = arith.mulf %exp3A_667, %div3A_830 : vector<16xf32>
        %eq3A_832 = arith.constant 0 : i32
        %eq3A_833 = vector.broadcast %eq3A_832 : i32 to vector<16xi32>
        %eq3A_834 = arith.cmpi eq, %get3A_660, %eq3A_833 : vector<16xi32>
        %sub3A_835 = arith.constant 22527.75 : f32
        %sub3A_836 = vector.broadcast %sub3A_835 : f32 to vector<16xf32>
        %sub3A_837 = arith.subf %sub3A_836, %mul3A_831 : vector<16xf32>
        %add3A_838 = arith.constant 0.000000e+00 : f32
        %add3A_839 = vector.broadcast %add3A_838 : f32 to vector<16xf32>
        %add3A_840 = arith.addf %add3A_839, %mul3A_831 : vector<16xf32>
        %select_n3A_841 = arith.select %eq3A_834, %sub3A_837, %add3A_840 : vector<16xi1>, vector<16xf32>
        %convert_element_type3A_842 = arith.fptosi %select_n3A_841 : vector<16xf32> to vector<16xi32>
        %broadcast_in_dim3A_843 = arith.constant true
        %broadcast_in_dim3A_844 = vector.broadcast %broadcast_in_dim3A_843 : i1 to vector<16xi1>
        %unique3A_845, %unique3A_846 = tpu.scan_count mask(%broadcast_in_dim3A_844 : vector<16xi1>) value(%convert_element_type3A_842 : vector<16xi32>) : vector<16xi1>, vector<16xi32>
        tpu.vector_store_idx %arg7[%convert_element_type3A_842], %unique3A_846 masked %unique3A_845 {add = true} : memref<43008xi32, #tpu.memory_space<vmem>>[vector<16xi32>], vector<16xi32>, vector<16xi1>
        %mul3A_847 = arith.mulf %exp3A_674, %div3A_830 : vector<16xf32>
        %eq3A_848 = arith.constant 1 : i32
        %eq3A_849 = vector.broadcast %eq3A_848 : i32 to vector<16xi32>
        %eq3A_850 = arith.cmpi eq, %get3A_660, %eq3A_849 : vector<16xi32>
        %sub3A_851 = arith.constant 23551.75 : f32
        %sub3A_852 = vector.broadcast %sub3A_851 : f32 to vector<16xf32>
        %sub3A_853 = arith.subf %sub3A_852, %mul3A_847 : vector<16xf32>
        %add3A_854 = arith.constant 1.024000e+03 : f32
        %add3A_855 = vector.broadcast %add3A_854 : f32 to vector<16xf32>
        %add3A_856 = arith.addf %add3A_855, %mul3A_847 : vector<16xf32>
        %select_n3A_857 = arith.select %eq3A_850, %sub3A_853, %add3A_856 : vector<16xi1>, vector<16xf32>
        %convert_element_type3A_858 = arith.fptosi %select_n3A_857 : vector<16xf32> to vector<16xi32>
        %broadcast_in_dim3A_859 = arith.constant true
        %broadcast_in_dim3A_860 = vector.broadcast %broadcast_in_dim3A_859 : i1 to vector<16xi1>
        %unique3A_861, %unique3A_862 = tpu.scan_count mask(%broadcast_in_dim3A_860 : vector<16xi1>) value(%convert_element_type3A_858 : vector<16xi32>) : vector<16xi1>, vector<16xi32>
        tpu.vector_store_idx %arg7[%convert_element_type3A_858], %unique3A_862 masked %unique3A_861 {add = true} : memref<43008xi32, #tpu.memory_space<vmem>>[vector<16xi32>], vector<16xi32>, vector<16xi1>
        %mul3A_863 = arith.mulf %exp3A_681, %div3A_830 : vector<16xf32>
        %eq3A_864 = arith.constant 2 : i32
        %eq3A_865 = vector.broadcast %eq3A_864 : i32 to vector<16xi32>
        %eq3A_866 = arith.cmpi eq, %get3A_660, %eq3A_865 : vector<16xi32>
        %sub3A_867 = arith.constant 24575.75 : f32
        %sub3A_868 = vector.broadcast %sub3A_867 : f32 to vector<16xf32>
        %sub3A_869 = arith.subf %sub3A_868, %mul3A_863 : vector<16xf32>
        %add3A_870 = arith.constant 2.048000e+03 : f32
        %add3A_871 = vector.broadcast %add3A_870 : f32 to vector<16xf32>
        %add3A_872 = arith.addf %add3A_871, %mul3A_863 : vector<16xf32>
        %select_n3A_873 = arith.select %eq3A_866, %sub3A_869, %add3A_872 : vector<16xi1>, vector<16xf32>
        %convert_element_type3A_874 = arith.fptosi %select_n3A_873 : vector<16xf32> to vector<16xi32>
        %broadcast_in_dim3A_875 = arith.constant true
        %broadcast_in_dim3A_876 = vector.broadcast %broadcast_in_dim3A_875 : i1 to vector<16xi1>
        %unique3A_877, %unique3A_878 = tpu.scan_count mask(%broadcast_in_dim3A_876 : vector<16xi1>) value(%convert_element_type3A_874 : vector<16xi32>) : vector<16xi1>, vector<16xi32>
        tpu.vector_store_idx %arg7[%convert_element_type3A_874], %unique3A_878 masked %unique3A_877 {add = true} : memref<43008xi32, #tpu.memory_space<vmem>>[vector<16xi32>], vector<16xi32>, vector<16xi1>
        %mul3A_879 = arith.mulf %exp3A_688, %div3A_830 : vector<16xf32>
        %eq3A_880 = arith.constant 3 : i32
        %eq3A_881 = vector.broadcast %eq3A_880 : i32 to vector<16xi32>
        %eq3A_882 = arith.cmpi eq, %get3A_660, %eq3A_881 : vector<16xi32>
        %sub3A_883 = arith.constant 25599.75 : f32
        %sub3A_884 = vector.broadcast %sub3A_883 : f32 to vector<16xf32>
        %sub3A_885 = arith.subf %sub3A_884, %mul3A_879 : vector<16xf32>
        %add3A_886 = arith.constant 3.072000e+03 : f32
        %add3A_887 = vector.broadcast %add3A_886 : f32 to vector<16xf32>
        %add3A_888 = arith.addf %add3A_887, %mul3A_879 : vector<16xf32>
        %select_n3A_889 = arith.select %eq3A_882, %sub3A_885, %add3A_888 : vector<16xi1>, vector<16xf32>
        %convert_element_type3A_890 = arith.fptosi %select_n3A_889 : vector<16xf32> to vector<16xi32>
        %broadcast_in_dim3A_891 = arith.constant true
        %broadcast_in_dim3A_892 = vector.broadcast %broadcast_in_dim3A_891 : i1 to vector<16xi1>
        %unique3A_893, %unique3A_894 = tpu.scan_count mask(%broadcast_in_dim3A_892 : vector<16xi1>) value(%convert_element_type3A_890 : vector<16xi32>) : vector<16xi1>, vector<16xi32>
        tpu.vector_store_idx %arg7[%convert_element_type3A_890], %unique3A_894 masked %unique3A_893 {add = true} : memref<43008xi32, #tpu.memory_space<vmem>>[vector<16xi32>], vector<16xi32>, vector<16xi1>
        %mul3A_895 = arith.mulf %exp3A_695, %div3A_830 : vector<16xf32>
        %eq3A_896 = arith.constant 4 : i32
        %eq3A_897 = vector.broadcast %eq3A_896 : i32 to vector<16xi32>
        %eq3A_898 = arith.cmpi eq, %get3A_660, %eq3A_897 : vector<16xi32>
        %sub3A_899 = arith.constant 26623.75 : f32
        %sub3A_900 = vector.broadcast %sub3A_899 : f32 to vector<16xf32>
        %sub3A_901 = arith.subf %sub3A_900, %mul3A_895 : vector<16xf32>
        %add3A_902 = arith.constant 4.096000e+03 : f32
        %add3A_903 = vector.broadcast %add3A_902 : f32 to vector<16xf32>
        %add3A_904 = arith.addf %add3A_903, %mul3A_895 : vector<16xf32>
        %select_n3A_905 = arith.select %eq3A_898, %sub3A_901, %add3A_904 : vector<16xi1>, vector<16xf32>
        %convert_element_type3A_906 = arith.fptosi %select_n3A_905 : vector<16xf32> to vector<16xi32>
        %broadcast_in_dim3A_907 = arith.constant true
        %broadcast_in_dim3A_908 = vector.broadcast %broadcast_in_dim3A_907 : i1 to vector<16xi1>
        %unique3A_909, %unique3A_910 = tpu.scan_count mask(%broadcast_in_dim3A_908 : vector<16xi1>) value(%convert_element_type3A_906 : vector<16xi32>) : vector<16xi1>, vector<16xi32>
        tpu.vector_store_idx %arg7[%convert_element_type3A_906], %unique3A_910 masked %unique3A_909 {add = true} : memref<43008xi32, #tpu.memory_space<vmem>>[vector<16xi32>], vector<16xi32>, vector<16xi1>
        %mul3A_911 = arith.mulf %exp3A_702, %div3A_830 : vector<16xf32>
        %eq3A_912 = arith.constant 5 : i32
        %eq3A_913 = vector.broadcast %eq3A_912 : i32 to vector<16xi32>
        %eq3A_914 = arith.cmpi eq, %get3A_660, %eq3A_913 : vector<16xi32>
        %sub3A_915 = arith.constant 27647.75 : f32
        %sub3A_916 = vector.broadcast %sub3A_915 : f32 to vector<16xf32>
        %sub3A_917 = arith.subf %sub3A_916, %mul3A_911 : vector<16xf32>
        %add3A_918 = arith.constant 5.120000e+03 : f32
        %add3A_919 = vector.broadcast %add3A_918 : f32 to vector<16xf32>
        %add3A_920 = arith.addf %add3A_919, %mul3A_911 : vector<16xf32>
        %select_n3A_921 = arith.select %eq3A_914, %sub3A_917, %add3A_920 : vector<16xi1>, vector<16xf32>
        %convert_element_type3A_922 = arith.fptosi %select_n3A_921 : vector<16xf32> to vector<16xi32>
        %broadcast_in_dim3A_923 = arith.constant true
        %broadcast_in_dim3A_924 = vector.broadcast %broadcast_in_dim3A_923 : i1 to vector<16xi1>
        %unique3A_925, %unique3A_926 = tpu.scan_count mask(%broadcast_in_dim3A_924 : vector<16xi1>) value(%convert_element_type3A_922 : vector<16xi32>) : vector<16xi1>, vector<16xi32>
        tpu.vector_store_idx %arg7[%convert_element_type3A_922], %unique3A_926 masked %unique3A_925 {add = true} : memref<43008xi32, #tpu.memory_space<vmem>>[vector<16xi32>], vector<16xi32>, vector<16xi1>
        %mul3A_927 = arith.mulf %exp3A_709, %div3A_830 : vector<16xf32>
        %eq3A_928 = arith.constant 6 : i32
        %eq3A_929 = vector.broadcast %eq3A_928 : i32 to vector<16xi32>
        %eq3A_930 = arith.cmpi eq, %get3A_660, %eq3A_929 : vector<16xi32>
        %sub3A_931 = arith.constant 28671.75 : f32
        %sub3A_932 = vector.broadcast %sub3A_931 : f32 to vector<16xf32>
        %sub3A_933 = arith.subf %sub3A_932, %mul3A_927 : vector<16xf32>
        %add3A_934 = arith.constant 6.144000e+03 : f32
        %add3A_935 = vector.broadcast %add3A_934 : f32 to vector<16xf32>
        %add3A_936 = arith.addf %add3A_935, %mul3A_927 : vector<16xf32>
        %select_n3A_937 = arith.select %eq3A_930, %sub3A_933, %add3A_936 : vector<16xi1>, vector<16xf32>
        %convert_element_type3A_938 = arith.fptosi %select_n3A_937 : vector<16xf32> to vector<16xi32>
        %broadcast_in_dim3A_939 = arith.constant true
        %broadcast_in_dim3A_940 = vector.broadcast %broadcast_in_dim3A_939 : i1 to vector<16xi1>
        %unique3A_941, %unique3A_942 = tpu.scan_count mask(%broadcast_in_dim3A_940 : vector<16xi1>) value(%convert_element_type3A_938 : vector<16xi32>) : vector<16xi1>, vector<16xi32>
        tpu.vector_store_idx %arg7[%convert_element_type3A_938], %unique3A_942 masked %unique3A_941 {add = true} : memref<43008xi32, #tpu.memory_space<vmem>>[vector<16xi32>], vector<16xi32>, vector<16xi1>
        %mul3A_943 = arith.mulf %exp3A_716, %div3A_830 : vector<16xf32>
        %eq3A_944 = arith.constant 7 : i32
        %eq3A_945 = vector.broadcast %eq3A_944 : i32 to vector<16xi32>
        %eq3A_946 = arith.cmpi eq, %get3A_660, %eq3A_945 : vector<16xi32>
        %sub3A_947 = arith.constant 29695.75 : f32
        %sub3A_948 = vector.broadcast %sub3A_947 : f32 to vector<16xf32>
        %sub3A_949 = arith.subf %sub3A_948, %mul3A_943 : vector<16xf32>
        %add3A_950 = arith.constant 7.168000e+03 : f32
        %add3A_951 = vector.broadcast %add3A_950 : f32 to vector<16xf32>
        %add3A_952 = arith.addf %add3A_951, %mul3A_943 : vector<16xf32>
        %select_n3A_953 = arith.select %eq3A_946, %sub3A_949, %add3A_952 : vector<16xi1>, vector<16xf32>
        %convert_element_type3A_954 = arith.fptosi %select_n3A_953 : vector<16xf32> to vector<16xi32>
        %broadcast_in_dim3A_955 = arith.constant true
        %broadcast_in_dim3A_956 = vector.broadcast %broadcast_in_dim3A_955 : i1 to vector<16xi1>
        %unique3A_957, %unique3A_958 = tpu.scan_count mask(%broadcast_in_dim3A_956 : vector<16xi1>) value(%convert_element_type3A_954 : vector<16xi32>) : vector<16xi1>, vector<16xi32>
        tpu.vector_store_idx %arg7[%convert_element_type3A_954], %unique3A_958 masked %unique3A_957 {add = true} : memref<43008xi32, #tpu.memory_space<vmem>>[vector<16xi32>], vector<16xi32>, vector<16xi1>
        %mul3A_959 = arith.mulf %exp3A_723, %div3A_830 : vector<16xf32>
        %eq3A_960 = arith.constant 8 : i32
        %eq3A_961 = vector.broadcast %eq3A_960 : i32 to vector<16xi32>
        %eq3A_962 = arith.cmpi eq, %get3A_660, %eq3A_961 : vector<16xi32>
        %sub3A_963 = arith.constant 30719.75 : f32
        %sub3A_964 = vector.broadcast %sub3A_963 : f32 to vector<16xf32>
        %sub3A_965 = arith.subf %sub3A_964, %mul3A_959 : vector<16xf32>
        %add3A_966 = arith.constant 8.192000e+03 : f32
        %add3A_967 = vector.broadcast %add3A_966 : f32 to vector<16xf32>
        %add3A_968 = arith.addf %add3A_967, %mul3A_959 : vector<16xf32>
        %select_n3A_969 = arith.select %eq3A_962, %sub3A_965, %add3A_968 : vector<16xi1>, vector<16xf32>
        %convert_element_type3A_970 = arith.fptosi %select_n3A_969 : vector<16xf32> to vector<16xi32>
        %broadcast_in_dim3A_971 = arith.constant true
        %broadcast_in_dim3A_972 = vector.broadcast %broadcast_in_dim3A_971 : i1 to vector<16xi1>
        %unique3A_973, %unique3A_974 = tpu.scan_count mask(%broadcast_in_dim3A_972 : vector<16xi1>) value(%convert_element_type3A_970 : vector<16xi32>) : vector<16xi1>, vector<16xi32>
        tpu.vector_store_idx %arg7[%convert_element_type3A_970], %unique3A_974 masked %unique3A_973 {add = true} : memref<43008xi32, #tpu.memory_space<vmem>>[vector<16xi32>], vector<16xi32>, vector<16xi1>
        %mul3A_975 = arith.mulf %exp3A_730, %div3A_830 : vector<16xf32>
        %eq3A_976 = arith.constant 9 : i32
        %eq3A_977 = vector.broadcast %eq3A_976 : i32 to vector<16xi32>
        %eq3A_978 = arith.cmpi eq, %get3A_660, %eq3A_977 : vector<16xi32>
        %sub3A_979 = arith.constant 31743.75 : f32
        %sub3A_980 = vector.broadcast %sub3A_979 : f32 to vector<16xf32>
        %sub3A_981 = arith.subf %sub3A_980, %mul3A_975 : vector<16xf32>
        %add3A_982 = arith.constant 9.216000e+03 : f32
        %add3A_983 = vector.broadcast %add3A_982 : f32 to vector<16xf32>
        %add3A_984 = arith.addf %add3A_983, %mul3A_975 : vector<16xf32>
        %select_n3A_985 = arith.select %eq3A_978, %sub3A_981, %add3A_984 : vector<16xi1>, vector<16xf32>
        %convert_element_type3A_986 = arith.fptosi %select_n3A_985 : vector<16xf32> to vector<16xi32>
        %broadcast_in_dim3A_987 = arith.constant true
        %broadcast_in_dim3A_988 = vector.broadcast %broadcast_in_dim3A_987 : i1 to vector<16xi1>
        %unique3A_989, %unique3A_990 = tpu.scan_count mask(%broadcast_in_dim3A_988 : vector<16xi1>) value(%convert_element_type3A_986 : vector<16xi32>) : vector<16xi1>, vector<16xi32>
        tpu.vector_store_idx %arg7[%convert_element_type3A_986], %unique3A_990 masked %unique3A_989 {add = true} : memref<43008xi32, #tpu.memory_space<vmem>>[vector<16xi32>], vector<16xi32>, vector<16xi1>
        %mul3A_991 = arith.mulf %exp3A_737, %div3A_830 : vector<16xf32>
        %eq3A_992 = arith.constant 10 : i32
        %eq3A_993 = vector.broadcast %eq3A_992 : i32 to vector<16xi32>
        %eq3A_994 = arith.cmpi eq, %get3A_660, %eq3A_993 : vector<16xi32>
        %sub3A_995 = arith.constant 32767.75 : f32
        %sub3A_996 = vector.broadcast %sub3A_995 : f32 to vector<16xf32>
        %sub3A_997 = arith.subf %sub3A_996, %mul3A_991 : vector<16xf32>
        %add3A_998 = arith.constant 1.024000e+04 : f32
        %add3A_999 = vector.broadcast %add3A_998 : f32 to vector<16xf32>
        %add3A_1000 = arith.addf %add3A_999, %mul3A_991 : vector<16xf32>
        %select_n3A_1001 = arith.select %eq3A_994, %sub3A_997, %add3A_1000 : vector<16xi1>, vector<16xf32>
        %convert_element_type3A_1002 = arith.fptosi %select_n3A_1001 : vector<16xf32> to vector<16xi32>
        %broadcast_in_dim3A_1003 = arith.constant true
        %broadcast_in_dim3A_1004 = vector.broadcast %broadcast_in_dim3A_1003 : i1 to vector<16xi1>
        %unique3A_1005, %unique3A_1006 = tpu.scan_count mask(%broadcast_in_dim3A_1004 : vector<16xi1>) value(%convert_element_type3A_1002 : vector<16xi32>) : vector<16xi1>, vector<16xi32>
        tpu.vector_store_idx %arg7[%convert_element_type3A_1002], %unique3A_1006 masked %unique3A_1005 {add = true} : memref<43008xi32, #tpu.memory_space<vmem>>[vector<16xi32>], vector<16xi32>, vector<16xi1>
        %mul3A_1007 = arith.mulf %exp3A_744, %div3A_830 : vector<16xf32>
        %eq3A_1008 = arith.constant 11 : i32
        %eq3A_1009 = vector.broadcast %eq3A_1008 : i32 to vector<16xi32>
        %eq3A_1010 = arith.cmpi eq, %get3A_660, %eq3A_1009 : vector<16xi32>
        %sub3A_1011 = arith.constant 33791.75 : f32
        %sub3A_1012 = vector.broadcast %sub3A_1011 : f32 to vector<16xf32>
        %sub3A_1013 = arith.subf %sub3A_1012, %mul3A_1007 : vector<16xf32>
        %add3A_1014 = arith.constant 1.126400e+04 : f32
        %add3A_1015 = vector.broadcast %add3A_1014 : f32 to vector<16xf32>
        %add3A_1016 = arith.addf %add3A_1015, %mul3A_1007 : vector<16xf32>
        %select_n3A_1017 = arith.select %eq3A_1010, %sub3A_1013, %add3A_1016 : vector<16xi1>, vector<16xf32>
        %convert_element_type3A_1018 = arith.fptosi %select_n3A_1017 : vector<16xf32> to vector<16xi32>
        %broadcast_in_dim3A_1019 = arith.constant true
        %broadcast_in_dim3A_1020 = vector.broadcast %broadcast_in_dim3A_1019 : i1 to vector<16xi1>
        %unique3A_1021, %unique3A_1022 = tpu.scan_count mask(%broadcast_in_dim3A_1020 : vector<16xi1>) value(%convert_element_type3A_1018 : vector<16xi32>) : vector<16xi1>, vector<16xi32>
        tpu.vector_store_idx %arg7[%convert_element_type3A_1018], %unique3A_1022 masked %unique3A_1021 {add = true} : memref<43008xi32, #tpu.memory_space<vmem>>[vector<16xi32>], vector<16xi32>, vector<16xi1>
        %mul3A_1023 = arith.mulf %exp3A_751, %div3A_830 : vector<16xf32>
        %eq3A_1024 = arith.constant 12 : i32
        %eq3A_1025 = vector.broadcast %eq3A_1024 : i32 to vector<16xi32>
        %eq3A_1026 = arith.cmpi eq, %get3A_660, %eq3A_1025 : vector<16xi32>
        %sub3A_1027 = arith.constant 34815.75 : f32
        %sub3A_1028 = vector.broadcast %sub3A_1027 : f32 to vector<16xf32>
        %sub3A_1029 = arith.subf %sub3A_1028, %mul3A_1023 : vector<16xf32>
        %add3A_1030 = arith.constant 1.228800e+04 : f32
        %add3A_1031 = vector.broadcast %add3A_1030 : f32 to vector<16xf32>
        %add3A_1032 = arith.addf %add3A_1031, %mul3A_1023 : vector<16xf32>
        %select_n3A_1033 = arith.select %eq3A_1026, %sub3A_1029, %add3A_1032 : vector<16xi1>, vector<16xf32>
        %convert_element_type3A_1034 = arith.fptosi %select_n3A_1033 : vector<16xf32> to vector<16xi32>
        %broadcast_in_dim3A_1035 = arith.constant true
        %broadcast_in_dim3A_1036 = vector.broadcast %broadcast_in_dim3A_1035 : i1 to vector<16xi1>
        %unique3A_1037, %unique3A_1038 = tpu.scan_count mask(%broadcast_in_dim3A_1036 : vector<16xi1>) value(%convert_element_type3A_1034 : vector<16xi32>) : vector<16xi1>, vector<16xi32>
        tpu.vector_store_idx %arg7[%convert_element_type3A_1034], %unique3A_1038 masked %unique3A_1037 {add = true} : memref<43008xi32, #tpu.memory_space<vmem>>[vector<16xi32>], vector<16xi32>, vector<16xi1>
        %mul3A_1039 = arith.mulf %exp3A_758, %div3A_830 : vector<16xf32>
        %eq3A_1040 = arith.constant 13 : i32
        %eq3A_1041 = vector.broadcast %eq3A_1040 : i32 to vector<16xi32>
        %eq3A_1042 = arith.cmpi eq, %get3A_660, %eq3A_1041 : vector<16xi32>
        %sub3A_1043 = arith.constant 35839.75 : f32
        %sub3A_1044 = vector.broadcast %sub3A_1043 : f32 to vector<16xf32>
        %sub3A_1045 = arith.subf %sub3A_1044, %mul3A_1039 : vector<16xf32>
        %add3A_1046 = arith.constant 1.331200e+04 : f32
        %add3A_1047 = vector.broadcast %add3A_1046 : f32 to vector<16xf32>
        %add3A_1048 = arith.addf %add3A_1047, %mul3A_1039 : vector<16xf32>
        %select_n3A_1049 = arith.select %eq3A_1042, %sub3A_1045, %add3A_1048 : vector<16xi1>, vector<16xf32>
        %convert_element_type3A_1050 = arith.fptosi %select_n3A_1049 : vector<16xf32> to vector<16xi32>
        %broadcast_in_dim3A_1051 = arith.constant true
        %broadcast_in_dim3A_1052 = vector.broadcast %broadcast_in_dim3A_1051 : i1 to vector<16xi1>
        %unique3A_1053, %unique3A_1054 = tpu.scan_count mask(%broadcast_in_dim3A_1052 : vector<16xi1>) value(%convert_element_type3A_1050 : vector<16xi32>) : vector<16xi1>, vector<16xi32>
        tpu.vector_store_idx %arg7[%convert_element_type3A_1050], %unique3A_1054 masked %unique3A_1053 {add = true} : memref<43008xi32, #tpu.memory_space<vmem>>[vector<16xi32>], vector<16xi32>, vector<16xi1>
        %mul3A_1055 = arith.mulf %exp3A_765, %div3A_830 : vector<16xf32>
        %eq3A_1056 = arith.constant 14 : i32
        %eq3A_1057 = vector.broadcast %eq3A_1056 : i32 to vector<16xi32>
        %eq3A_1058 = arith.cmpi eq, %get3A_660, %eq3A_1057 : vector<16xi32>
        %sub3A_1059 = arith.constant 36863.75 : f32
        %sub3A_1060 = vector.broadcast %sub3A_1059 : f32 to vector<16xf32>
        %sub3A_1061 = arith.subf %sub3A_1060, %mul3A_1055 : vector<16xf32>
        %add3A_1062 = arith.constant 1.433600e+04 : f32
        %add3A_1063 = vector.broadcast %add3A_1062 : f32 to vector<16xf32>
        %add3A_1064 = arith.addf %add3A_1063, %mul3A_1055 : vector<16xf32>
        %select_n3A_1065 = arith.select %eq3A_1058, %sub3A_1061, %add3A_1064 : vector<16xi1>, vector<16xf32>
        %convert_element_type3A_1066 = arith.fptosi %select_n3A_1065 : vector<16xf32> to vector<16xi32>
        %broadcast_in_dim3A_1067 = arith.constant true
        %broadcast_in_dim3A_1068 = vector.broadcast %broadcast_in_dim3A_1067 : i1 to vector<16xi1>
        %unique3A_1069, %unique3A_1070 = tpu.scan_count mask(%broadcast_in_dim3A_1068 : vector<16xi1>) value(%convert_element_type3A_1066 : vector<16xi32>) : vector<16xi1>, vector<16xi32>
        tpu.vector_store_idx %arg7[%convert_element_type3A_1066], %unique3A_1070 masked %unique3A_1069 {add = true} : memref<43008xi32, #tpu.memory_space<vmem>>[vector<16xi32>], vector<16xi32>, vector<16xi1>
        %mul3A_1071 = arith.mulf %exp3A_772, %div3A_830 : vector<16xf32>
        %eq3A_1072 = arith.constant 15 : i32
        %eq3A_1073 = vector.broadcast %eq3A_1072 : i32 to vector<16xi32>
        %eq3A_1074 = arith.cmpi eq, %get3A_660, %eq3A_1073 : vector<16xi32>
        %sub3A_1075 = arith.constant 37887.75 : f32
        %sub3A_1076 = vector.broadcast %sub3A_1075 : f32 to vector<16xf32>
        %sub3A_1077 = arith.subf %sub3A_1076, %mul3A_1071 : vector<16xf32>
        %add3A_1078 = arith.constant 1.536000e+04 : f32
        %add3A_1079 = vector.broadcast %add3A_1078 : f32 to vector<16xf32>
        %add3A_1080 = arith.addf %add3A_1079, %mul3A_1071 : vector<16xf32>
        %select_n3A_1081 = arith.select %eq3A_1074, %sub3A_1077, %add3A_1080 : vector<16xi1>, vector<16xf32>
        %convert_element_type3A_1082 = arith.fptosi %select_n3A_1081 : vector<16xf32> to vector<16xi32>
        %broadcast_in_dim3A_1083 = arith.constant true
        %broadcast_in_dim3A_1084 = vector.broadcast %broadcast_in_dim3A_1083 : i1 to vector<16xi1>
        %unique3A_1085, %unique3A_1086 = tpu.scan_count mask(%broadcast_in_dim3A_1084 : vector<16xi1>) value(%convert_element_type3A_1082 : vector<16xi32>) : vector<16xi1>, vector<16xi32>
        tpu.vector_store_idx %arg7[%convert_element_type3A_1082], %unique3A_1086 masked %unique3A_1085 {add = true} : memref<43008xi32, #tpu.memory_space<vmem>>[vector<16xi32>], vector<16xi32>, vector<16xi1>
        %mul3A_1087 = arith.mulf %exp3A_779, %div3A_830 : vector<16xf32>
        %eq3A_1088 = arith.constant 16 : i32
        %eq3A_1089 = vector.broadcast %eq3A_1088 : i32 to vector<16xi32>
        %eq3A_1090 = arith.cmpi eq, %get3A_660, %eq3A_1089 : vector<16xi32>
        %sub3A_1091 = arith.constant 38911.75 : f32
        %sub3A_1092 = vector.broadcast %sub3A_1091 : f32 to vector<16xf32>
        %sub3A_1093 = arith.subf %sub3A_1092, %mul3A_1087 : vector<16xf32>
        %add3A_1094 = arith.constant 1.638400e+04 : f32
        %add3A_1095 = vector.broadcast %add3A_1094 : f32 to vector<16xf32>
        %add3A_1096 = arith.addf %add3A_1095, %mul3A_1087 : vector<16xf32>
        %select_n3A_1097 = arith.select %eq3A_1090, %sub3A_1093, %add3A_1096 : vector<16xi1>, vector<16xf32>
        %convert_element_type3A_1098 = arith.fptosi %select_n3A_1097 : vector<16xf32> to vector<16xi32>
        %broadcast_in_dim3A_1099 = arith.constant true
        %broadcast_in_dim3A_1100 = vector.broadcast %broadcast_in_dim3A_1099 : i1 to vector<16xi1>
        %unique3A_1101, %unique3A_1102 = tpu.scan_count mask(%broadcast_in_dim3A_1100 : vector<16xi1>) value(%convert_element_type3A_1098 : vector<16xi32>) : vector<16xi1>, vector<16xi32>
        tpu.vector_store_idx %arg7[%convert_element_type3A_1098], %unique3A_1102 masked %unique3A_1101 {add = true} : memref<43008xi32, #tpu.memory_space<vmem>>[vector<16xi32>], vector<16xi32>, vector<16xi1>
        %mul3A_1103 = arith.mulf %exp3A_786, %div3A_830 : vector<16xf32>
        %eq3A_1104 = arith.constant 17 : i32
        %eq3A_1105 = vector.broadcast %eq3A_1104 : i32 to vector<16xi32>
        %eq3A_1106 = arith.cmpi eq, %get3A_660, %eq3A_1105 : vector<16xi32>
        %sub3A_1107 = arith.constant 39935.75 : f32
        %sub3A_1108 = vector.broadcast %sub3A_1107 : f32 to vector<16xf32>
        %sub3A_1109 = arith.subf %sub3A_1108, %mul3A_1103 : vector<16xf32>
        %add3A_1110 = arith.constant 1.740800e+04 : f32
        %add3A_1111 = vector.broadcast %add3A_1110 : f32 to vector<16xf32>
        %add3A_1112 = arith.addf %add3A_1111, %mul3A_1103 : vector<16xf32>
        %select_n3A_1113 = arith.select %eq3A_1106, %sub3A_1109, %add3A_1112 : vector<16xi1>, vector<16xf32>
        %convert_element_type3A_1114 = arith.fptosi %select_n3A_1113 : vector<16xf32> to vector<16xi32>
        %broadcast_in_dim3A_1115 = arith.constant true
        %broadcast_in_dim3A_1116 = vector.broadcast %broadcast_in_dim3A_1115 : i1 to vector<16xi1>
        %unique3A_1117, %unique3A_1118 = tpu.scan_count mask(%broadcast_in_dim3A_1116 : vector<16xi1>) value(%convert_element_type3A_1114 : vector<16xi32>) : vector<16xi1>, vector<16xi32>
        tpu.vector_store_idx %arg7[%convert_element_type3A_1114], %unique3A_1118 masked %unique3A_1117 {add = true} : memref<43008xi32, #tpu.memory_space<vmem>>[vector<16xi32>], vector<16xi32>, vector<16xi1>
        %mul3A_1119 = arith.mulf %exp3A_793, %div3A_830 : vector<16xf32>
        %eq3A_1120 = arith.constant 18 : i32
        %eq3A_1121 = vector.broadcast %eq3A_1120 : i32 to vector<16xi32>
        %eq3A_1122 = arith.cmpi eq, %get3A_660, %eq3A_1121 : vector<16xi32>
        %sub3A_1123 = arith.constant 40959.75 : f32
        %sub3A_1124 = vector.broadcast %sub3A_1123 : f32 to vector<16xf32>
        %sub3A_1125 = arith.subf %sub3A_1124, %mul3A_1119 : vector<16xf32>
        %add3A_1126 = arith.constant 1.843200e+04 : f32
        %add3A_1127 = vector.broadcast %add3A_1126 : f32 to vector<16xf32>
        %add3A_1128 = arith.addf %add3A_1127, %mul3A_1119 : vector<16xf32>
        %select_n3A_1129 = arith.select %eq3A_1122, %sub3A_1125, %add3A_1128 : vector<16xi1>, vector<16xf32>
        %convert_element_type3A_1130 = arith.fptosi %select_n3A_1129 : vector<16xf32> to vector<16xi32>
        %broadcast_in_dim3A_1131 = arith.constant true
        %broadcast_in_dim3A_1132 = vector.broadcast %broadcast_in_dim3A_1131 : i1 to vector<16xi1>
        %unique3A_1133, %unique3A_1134 = tpu.scan_count mask(%broadcast_in_dim3A_1132 : vector<16xi1>) value(%convert_element_type3A_1130 : vector<16xi32>) : vector<16xi1>, vector<16xi32>
        tpu.vector_store_idx %arg7[%convert_element_type3A_1130], %unique3A_1134 masked %unique3A_1133 {add = true} : memref<43008xi32, #tpu.memory_space<vmem>>[vector<16xi32>], vector<16xi32>, vector<16xi1>
        %mul3A_1135 = arith.mulf %exp3A_800, %div3A_830 : vector<16xf32>
        %eq3A_1136 = arith.constant 19 : i32
        %eq3A_1137 = vector.broadcast %eq3A_1136 : i32 to vector<16xi32>
        %eq3A_1138 = arith.cmpi eq, %get3A_660, %eq3A_1137 : vector<16xi32>
        %sub3A_1139 = arith.constant 41983.75 : f32
        %sub3A_1140 = vector.broadcast %sub3A_1139 : f32 to vector<16xf32>
        %sub3A_1141 = arith.subf %sub3A_1140, %mul3A_1135 : vector<16xf32>
        %add3A_1142 = arith.constant 1.945600e+04 : f32
        %add3A_1143 = vector.broadcast %add3A_1142 : f32 to vector<16xf32>
        %add3A_1144 = arith.addf %add3A_1143, %mul3A_1135 : vector<16xf32>
        %select_n3A_1145 = arith.select %eq3A_1138, %sub3A_1141, %add3A_1144 : vector<16xi1>, vector<16xf32>
        %convert_element_type3A_1146 = arith.fptosi %select_n3A_1145 : vector<16xf32> to vector<16xi32>
        %broadcast_in_dim3A_1147 = arith.constant true
        %broadcast_in_dim3A_1148 = vector.broadcast %broadcast_in_dim3A_1147 : i1 to vector<16xi1>
        %unique3A_1149, %unique3A_1150 = tpu.scan_count mask(%broadcast_in_dim3A_1148 : vector<16xi1>) value(%convert_element_type3A_1146 : vector<16xi32>) : vector<16xi1>, vector<16xi32>
        tpu.vector_store_idx %arg7[%convert_element_type3A_1146], %unique3A_1150 masked %unique3A_1149 {add = true} : memref<43008xi32, #tpu.memory_space<vmem>>[vector<16xi32>], vector<16xi32>, vector<16xi1>
        %mul3A_1151 = arith.mulf %exp3A_807, %div3A_830 : vector<16xf32>
        %eq3A_1152 = arith.constant 20 : i32
        %eq3A_1153 = vector.broadcast %eq3A_1152 : i32 to vector<16xi32>
        %eq3A_1154 = arith.cmpi eq, %get3A_660, %eq3A_1153 : vector<16xi32>
        %sub3A_1155 = arith.constant 43007.75 : f32
        %sub3A_1156 = vector.broadcast %sub3A_1155 : f32 to vector<16xf32>
        %sub3A_1157 = arith.subf %sub3A_1156, %mul3A_1151 : vector<16xf32>
        %add3A_1158 = arith.constant 2.048000e+04 : f32
        %add3A_1159 = vector.broadcast %add3A_1158 : f32 to vector<16xf32>
        %add3A_1160 = arith.addf %add3A_1159, %mul3A_1151 : vector<16xf32>
        %select_n3A_1161 = arith.select %eq3A_1154, %sub3A_1157, %add3A_1160 : vector<16xi1>, vector<16xf32>
        %convert_element_type3A_1162 = arith.fptosi %select_n3A_1161 : vector<16xf32> to vector<16xi32>
        %broadcast_in_dim3A_1163 = arith.constant true
        %broadcast_in_dim3A_1164 = vector.broadcast %broadcast_in_dim3A_1163 : i1 to vector<16xi1>
        %unique3A_1165, %unique3A_1166 = tpu.scan_count mask(%broadcast_in_dim3A_1164 : vector<16xi1>) value(%convert_element_type3A_1162 : vector<16xi32>) : vector<16xi1>, vector<16xi32>
        tpu.vector_store_idx %arg7[%convert_element_type3A_1162], %unique3A_1166 masked %unique3A_1165 {add = true} : memref<43008xi32, #tpu.memory_space<vmem>>[vector<16xi32>], vector<16xi32>, vector<16xi1>
      }
      %scan3A_146 = arith.constant 16 : i32
    }
    %scan3A_47 = arith.constant 32 : i32
    "tpu.region"() ({
      %run_scoped3A = tpu.sem_alloc : memref<!tpu.dma_semaphore, #tpu.memory_space<semaphore_mem>>
      %dma_start3A_48 = arith.constant 0 : i32
      %dma_start3A_49 = tpu.memref_slice %arg4[%add3A, %dma_start3A_48] : memref<32x43008xi32, #tpu.memory_space<hbm>> -> memref<1x43008xi32, #tpu.memory_space<hbm>>
      %dma_start3A_50 = tpu.memref_squeeze %dma_start3A_49 : memref<1x43008xi32, #tpu.memory_space<hbm>> -> memref<43008xi32, #tpu.memory_space<hbm>>
      %dma_start3A_51 = arith.constant 0 : i32
      %dma_start3A_52 = tpu.memref_slice %arg4[%add3A, %dma_start3A_51] : memref<32x43008xi32, #tpu.memory_space<hbm>> -> memref<1x43008xi32, #tpu.memory_space<hbm>>
      %dma_start3A_53 = tpu.memref_squeeze %dma_start3A_52 : memref<1x43008xi32, #tpu.memory_space<hbm>> -> memref<43008xi32, #tpu.memory_space<hbm>>
      tpu.enqueue_dma source(%arg7 : memref<43008xi32, #tpu.memory_space<vmem>>) target(%dma_start3A_53 : memref<43008xi32, #tpu.memory_space<hbm>>) target_semaphore(%run_scoped3A : memref<!tpu.dma_semaphore, #tpu.memory_space<semaphore_mem>>)
      %dma_wait3A = arith.constant 0 : i32
      %dma_wait3A_54 = tpu.memref_slice %arg4[%add3A, %dma_wait3A] : memref<32x43008xi32, #tpu.memory_space<hbm>> -> memref<1x43008xi32, #tpu.memory_space<hbm>>
      %dma_wait3A_55 = tpu.memref_squeeze %dma_wait3A_54 : memref<1x43008xi32, #tpu.memory_space<hbm>> -> memref<43008xi32, #tpu.memory_space<hbm>>
      %dma_wait3A_56 = arith.constant 0 : i32
      %dma_wait3A_57 = tpu.memref_slice %arg4[%add3A, %dma_wait3A_56] : memref<32x43008xi32, #tpu.memory_space<hbm>> -> memref<1x43008xi32, #tpu.memory_space<hbm>>
      %dma_wait3A_58 = tpu.memref_squeeze %dma_wait3A_57 : memref<1x43008xi32, #tpu.memory_space<hbm>> -> memref<43008xi32, #tpu.memory_space<hbm>>
      tpu.wait_dma2 semaphore(%run_scoped3A : memref<!tpu.dma_semaphore, #tpu.memory_space<semaphore_mem>>) src(%arg7 : memref<43008xi32, #tpu.memory_space<vmem>>) dst(%dma_wait3A_58 : memref<43008xi32, #tpu.memory_space<hbm>>)
      tpu.yield
    }) : () -> ()
    return
  }
}

module attributes {stable_mosaic.version = 14 : i64} {
  func.func @body(%arg0: memref<32x42x1024xi32, #tpu.memory_space<vmem>>, %arg1: memref<1x1xf32, #tpu.memory_space<smem>>) attributes {dimension_semantics = [], scalar_prefetch = 0 : i64, scratch_operands = 0 : i64, tpu.core_type = #tpu.core_type<tc>} {
    %get3A = arith.constant 0 : index
    %get3A_0 = arith.constant 0 : index
    %get3A_1 = arith.constant 0 : index
    %get3A_2 = vector.load %arg0[%get3A, %get3A_0, %get3A_1] : memref<32x42x1024xi32, #tpu.memory_space<vmem>>, vector<32x42x1024xi32>
    %convert_element_type3A = arith.sitofp %get3A_2 : vector<32x42x1024xi32> to vector<32x42x1024xf32>
    %reduce_sum3A = arith.constant dense<0.000000e+00> : vector<42x1024xf32>
    %reduce_sum3A_3 = vector.multi_reduction <add>, %convert_element_type3A, %reduce_sum3A [0] : vector<32x42x1024xf32> to vector<42x1024xf32>
    %slice3A = vector.extract_strided_slice %reduce_sum3A_3 {offsets = [0, 0], sizes = [21, 1024], strides = [1, 1]} : vector<42x1024xf32> to vector<21x1024xf32>
    %slice3A_4 = vector.extract_strided_slice %reduce_sum3A_3 {offsets = [21, 0], sizes = [21, 1024], strides = [1, 1]} : vector<42x1024xf32> to vector<21x1024xf32>
    %add3A = arith.addf %slice3A, %slice3A_4 : vector<21x1024xf32>
    %slice3A_5 = vector.extract_strided_slice %reduce_sum3A_3 {offsets = [21, 0], sizes = [21, 1024], strides = [1, 1]} : vector<42x1024xf32> to vector<21x1024xf32>
    %iota3A = tpu.iota {dimensions = array<i32: 0>} : vector<1024x1024xi32>
    %iota3A_6 = tpu.iota {dimensions = array<i32: 1>} : vector<1024x1024xi32>
    %ge3A = arith.cmpi sge, %iota3A, %iota3A_6 : vector<1024x1024xi32>
    %convert_element_type3A_7 = arith.extui %ge3A : vector<1024x1024xi1> to vector<1024x1024xi32>
    %convert_element_type3A_8 = arith.sitofp %convert_element_type3A_7 : vector<1024x1024xi32> to vector<1024x1024xf32>
    %dot_general3A = arith.constant dense<0.000000e+00> : vector<21x1024xf32>
    %dot_general3A_9 = tpu.matmul %add3A, %convert_element_type3A_8, %dot_general3A {dimension_numbers = #tpu.dot_dimension_numbers<[1], [0], [0], [1], [0, 0, 1, 1], [], []>, transpose_lhs_hint = false} : vector<21x1024xf32>, vector<1024x1024xf32>, vector<21x1024xf32> -> vector<21x1024xf32>
    %dot_general3A_10 = arith.constant dense<0.000000e+00> : vector<21x1024xf32>
    %dot_general3A_11 = tpu.matmul %slice3A_5, %convert_element_type3A_8, %dot_general3A_10 {dimension_numbers = #tpu.dot_dimension_numbers<[1], [0], [0], [1], [0, 0, 1, 1], [], []>, transpose_lhs_hint = false} : vector<21x1024xf32>, vector<1024x1024xf32>, vector<21x1024xf32> -> vector<21x1024xf32>
    %slice3A_12 = vector.extract_strided_slice %dot_general3A_11 {offsets = [0, 0], sizes = [21, 1], strides = [1, 1]} : vector<21x1024xf32> to vector<21x1xf32>
    %sub3A = vector.broadcast %slice3A_12 : vector<21x1xf32> to vector<21x1024xf32>
    %sub3A_13 = arith.subf %sub3A, %dot_general3A_11 : vector<21x1024xf32>
    %add3A_14 = vector.broadcast %slice3A_12 : vector<21x1xf32> to vector<21x1024xf32>
    %add3A_15 = arith.addf %add3A_14, %dot_general3A_9 : vector<21x1024xf32>
    %sub3A_16 = arith.subf %add3A_15, %dot_general3A_11 : vector<21x1024xf32>
    %max3A = arith.constant 1.000000e+00 : f32
    %max3A_17 = vector.broadcast %max3A : f32 to vector<21x1024xf32>
    %max3A_18 = arith.maximumf %sub3A_16, %max3A_17 : vector<21x1024xf32>
    %div3A = arith.divf %sub3A_13, %max3A_18 : vector<21x1024xf32>
    %sub3A_19 = arith.constant 1.000000e+00 : f32
    %sub3A_20 = vector.broadcast %sub3A_19 : f32 to vector<21x1024xf32>
    %sub3A_21 = arith.subf %sub3A_20, %div3A : vector<21x1024xf32>
    %iota3A_22 = tpu.iota {dimensions = array<i32: 1>} : vector<21x1024xi32>
    %ge3A_23 = arith.constant 1 : i32
    %ge3A_24 = vector.broadcast %ge3A_23 : i32 to vector<21x1024xi32>
    %ge3A_25 = arith.cmpi sge, %iota3A_22, %ge3A_24 : vector<21x1024xi32>
    %convert_element_type3A_26 = arith.extui %ge3A_25 : vector<21x1024xi1> to vector<21x1024xi32>
    %convert_element_type3A_27 = arith.sitofp %convert_element_type3A_26 : vector<21x1024xi32> to vector<21x1024xf32>
    %mul3A = arith.mulf %sub3A_21, %convert_element_type3A_27 : vector<21x1024xf32>
    %reduce_sum3A_28 = arith.constant dense<0.000000e+00> : vector<21xf32>
    %reduce_sum3A_29 = vector.multi_reduction <add>, %mul3A, %reduce_sum3A_28 [1] : vector<21x1024xf32> to vector<21xf32>
    %broadcast_in_dim3A = vector.shape_cast %reduce_sum3A_29 : vector<21xf32> to vector<21x1xf32>
    %mul3A_30 = arith.constant 9.77039569E-4 : f32
    %mul3A_31 = vector.broadcast %mul3A_30 : f32 to vector<21x1xf32>
    %mul3A_32 = arith.mulf %broadcast_in_dim3A, %mul3A_31 : vector<21x1xf32>
    %add3A_33 = arith.constant 4.88519785E-4 : f32
    %add3A_34 = vector.broadcast %add3A_33 : f32 to vector<21x1xf32>
    %add3A_35 = arith.addf %mul3A_32, %add3A_34 : vector<21x1xf32>
    %gt3A = arith.constant 0.000000e+00 : f32
    %gt3A_36 = vector.broadcast %gt3A : f32 to vector<21x1xf32>
    %gt3A_37 = arith.cmpf ogt, %slice3A_12, %gt3A_36 : vector<21x1xf32>
    %convert_element_type3A_38 = arith.extui %gt3A_37 : vector<21x1xi1> to vector<21x1xi32>
    %convert_element_type3A_39 = arith.sitofp %convert_element_type3A_38 : vector<21x1xi32> to vector<21x1xf32>
    %mul3A_40 = arith.mulf %add3A_35, %convert_element_type3A_39 : vector<21x1xf32>
    %reduce_sum3A_41 = vector.shape_cast %mul3A_40 : vector<21x1xf32> to vector<1x21x1xf32>
    %reduce_sum3A_42 = arith.constant dense<0.000000e+00> : vector<1xf32>
    %reduce_sum3A_43 = vector.multi_reduction <add>, %reduce_sum3A_41, %reduce_sum3A_42 [1, 2] : vector<1x21x1xf32> to vector<1xf32>
    %reduce_sum3A_44 = vector.shape_cast %reduce_sum3A_43 : vector<1xf32> to vector<1x1x1xf32>
    %reduce_sum3A_45 = vector.extract %reduce_sum3A_44[0, 0, 0] : f32 from vector<1x1x1xf32>
    %reduce_sum3A_46 = vector.shape_cast %convert_element_type3A_39 : vector<21x1xf32> to vector<1x21x1xf32>
    %reduce_sum3A_47 = arith.constant dense<0.000000e+00> : vector<1xf32>
    %reduce_sum3A_48 = vector.multi_reduction <add>, %reduce_sum3A_46, %reduce_sum3A_47 [1, 2] : vector<1x21x1xf32> to vector<1xf32>
    %reduce_sum3A_49 = vector.shape_cast %reduce_sum3A_48 : vector<1xf32> to vector<1x1x1xf32>
    %reduce_sum3A_50 = vector.extract %reduce_sum3A_49[0, 0, 0] : f32 from vector<1x1x1xf32>
    %div3A_51 = arith.divf %reduce_sum3A_45, %reduce_sum3A_50 : f32
    %swap3A = arith.constant 0 : index
    %swap3A_52 = arith.constant 0 : index
    %swap3A_53 = memref.load %arg1[%swap3A, %swap3A_52] : memref<1x1xf32, #tpu.memory_space<smem>>
    memref.store %div3A_51, %arg1[%swap3A, %swap3A_52] : memref<1x1xf32, #tpu.memory_space<smem>>
    return
  }
}

</mosaic_0001>

<sc_bundles>
// kernel: kernel.4.cloned.1.call-start
scs
__scs_entry_jumppad:
0x0: {  	(pc) =	sbr.rel $0x88, $3  }
0x1: {  	(tag) =	ssettag $0x0;
	lr =	simm.s32 $0x1  }
0x2: {  	[smem:$0x3F9F] =	sst lr;
	_ =	strace $0xD0000000  }
0x3: {  	_ = 	snop  }
0x4: {  	_ = 	snop  }
0x5: {  	_ = 	snop  }
0x6: {  	_ = 	snop  }
0x7: {  	_ = 	snop  }
__scs_overlays_trampoline_lowered:
0x8: {  	[smem:$0x3FAE] =	sst s0  }
0x9: {  	[smem:$0x3FAF] =	sst s1  }
0xa: {  	[smem:$0x3FB0] =	sst s2  }
0xb: {  	[smem:$0x3FB1] =	sst s3  }
0xc: {  	[smem:$0x3FB2] =	sst s4  }
0xd: {  	[smem:$0x3FB3] =	sst s5  }
0xe: {  	[smem:$0x3FB4] =	sst s6  }
0xf: {  	[smem:$0x3FB5] =	sst s7  }
0x10: {  	[smem:$0x3FB6] =	sst s8  }
0x11: {  	[smem:$0x3FB7] =	sst s9;
	s0 =	simm.s32 @!p0 $0x0  }
0x12: {  	s1 =	sld [smem:$0x3F9D];
	s0 =	simm.s32 @p0 $0x1  }
0x13: {  	[smem:$0x3FB8] =	sst s0;
	s0 =	simm.s32 @!p1 $0x0  }
0x14: {  	s2 =	sld [smem:$0x3F9C];
	s0 =	simm.s32 @p1 $0x1  }
0x15: {  	[smem:$0x3FB9] =	sst s0;
	s0 =	simm.s32 @!p2 $0x0  }
0x16: {  	s3 =	sld [smem:$0x3FDB];
	s0 =	simm.s32 @p2 $0x1  }
0x17: {  	s4 =	simm.s32 $0x1BF5;
	[smem:$0x3FBB] =	sst s0  }
0x18: {  	s0 =	sld [smem:$0x3F9E];
	_ =	swait.ge [sflag:s4], $0x0  }
0x19: {  	s7 =	sld [smem:$0x3F9F]  }
0x1a: {  	s8 =	sadd.s32 $0xFFFFE003, lr  }
0x1b: {  	s9 =	sadd.s32 $0xFFFFFEF7, lr;
	s5 =	simm.s32 $0xFFFFFFFF;
	p2 =	slt.u32 s8, $0xFFFFF086  }
0x1c: {  	p1 =	slt.u32 s9, $0xF7A;
	s5 =	simm.s32 @!p2 $0x0  }
0x1d: {  	s5 =	simm.s32 @p1 $0x1;
	p0 =	seq.s32 s7, s2  }
0x1e: {  	s7 =	smul.u32 @!p0 $0xF7A, s2;
	p2 =	seq.s32 @!p0 s5, $0x0  }
0x1f: {  	s9 =	smul.u32 $0xF7A, s1;
	s8 =	simm.s32 @!p0 $0x1BF5;
	p2 =	por !p2, p0  }
0x20: {  	[sflag:s8] =	ssyncset.s32 @!p0 $0xFFFFF086;
	s6 =	sadd.s32 @!p0 s3, s7;
	s7 =	simm.s32 @!p0 $0x108  }
0x21: {  	s3 =	sadd.s32 s3, s9;
	s6 =	sadd.s32 @!p0 $0x88, s6;
	s7 =	simm.s32 @p2 $0x1082  }
0x22: {  	[simem:s7], [sflag:s8] =	dma.local @!p0 [hbm:s6], $0xF7A  }
0x23: {  	s9 =	sor.u32 $0xD0000000, s2;
	s6 =	simm.s32 $0x108;
	_ =	swait.ge @!p0 [sflag:s8], $0x0  }
0x24: {  	s3 =	sadd.s32 $0x88, s3;
	s6 =	simm.s32 @!p1 $0x1082;
	[sflag:s4] =	ssyncset.s32 $0xFFFFF086  }
0x25: {  	[simem:s6], [sflag:s4] =	dma.local [hbm:s3], $0xF7A  }
0x26: {  	[smem:$0x3F9F] =	sst s1;
	(tag) =	ssettag s2;
	_ =	strace s9  }
0x27: {  	s1 =	sld [smem:$0x3FAF]  }
0x28: {  	s2 =	sld [smem:$0x3FB0]  }
0x29: {  	s4 =	sld [smem:$0x3FB2]  }
0x2a: {  	p0 =	seq.s32 s5, $0x0;
	s5 =	sld [smem:$0x3FB3]  }
0x2b: {  	s6 =	sld [smem:$0x3FB4]  }
0x2c: {  	s7 =	sld [smem:$0x3FB5]  }
0x2d: {  	s3 =	simm.s32 $0x108;
	s8 =	sld [smem:$0x3FB6]  }
0x2e: {  	s3 =	simm.s32 @!p0 $0x1082;
	s9 =	sld [smem:$0x3FB7]  }
0x2f: {  	lr =	sadd.s32 s0, s3;
	s0 =	sld [smem:$0x3FAE]  }
0x30: {  	s3 =	sld [smem:$0x3FB1]  }
0x31: {  	[smem:$0x3FBA] =	sst s10  }
0x32: {  	s10 =	sld [smem:$0x3FB8];
	_ =	sdelay $0x3  }
0x33: {  	p0 =	seq.s32 s10, $0x1;
	s10 =	sld [smem:$0x3FBA];
	_ =	sdelay $0x3  }
0x34: {  	[smem:$0x3FBA] =	sst s10  }
0x35: {  	s10 =	sld [smem:$0x3FB9];
	_ =	sdelay $0x3  }
0x36: {  	p1 =	seq.s32 s10, $0x1;
	s10 =	sld [smem:$0x3FBA];
	_ =	sdelay $0x3  }
0x37: {  	[smem:$0x3FBA] =	sst s10  }
0x38: {  	s10 =	sld [smem:$0x3FBB]  }
0x39: {  	_ = 	snop;
	(pc) =	sbr.ind lr, $3  }
0x3a: {  	_ = 	snop  }
0x3b: {  	_ = 	snop  }
0x3c: {  	p2 =	seq.s32 s10, $0x1;
	s10 =	sld [smem:$0x3FBA]  }
0x3d: {  	_ =	shalt  }
0x3e: {  	_ =	shalt  }
0x3f: {  	_ =	shalt  }
0x40: {  	_ =	shalt  }
0x41: {  	_ =	shalt  }
0x42: {  	_ =	shalt  }
0x43: {  	_ =	shalt  }
0x44: {  	_ =	shalt  }
0x45: {  	_ =	shalt  }
0x46: {  	_ =	shalt  }
0x47: {  	_ =	shalt  }
0x48: {  	_ =	shalt  }
0x49: {  	_ =	shalt  }
0x4a: {  	_ =	shalt  }
0x4b: {  	_ =	shalt  }
0x4c: {  	_ =	shalt  }
0x4d: {  	_ =	shalt  }
0x4e: {  	_ =	shalt  }
0x4f: {  	_ =	shalt  }
0x50: {  	_ =	shalt  }
0x51: {  	_ =	shalt  }
0x52: {  	_ =	shalt  }
0x53: {  	_ =	shalt  }
0x54: {  	_ =	shalt  }
0x55: {  	_ =	shalt  }
0x56: {  	_ =	shalt  }
0x57: {  	_ =	shalt  }
0x58: {  	_ =	shalt  }
0x59: {  	_ =	shalt  }
0x5a: {  	_ =	shalt  }
0x5b: {  	_ =	shalt  }
0x5c: {  	_ =	shalt  }
0x5d: {  	_ =	shalt  }
0x5e: {  	_ =	shalt  }
0x5f: {  	_ =	shalt  }
0x60: {  	_ =	shalt  }
0x61: {  	_ =	shalt  }
0x62: {  	_ =	shalt  }
0x63: {  	_ =	shalt  }
0x64: {  	_ =	shalt  }
0x65: {  	_ =	shalt  }
0x66: {  	_ =	shalt  }
0x67: {  	_ =	shalt  }
0x68: {  	_ =	shalt  }
0x69: {  	_ =	shalt  }
0x6a: {  	_ =	shalt  }
0x6b: {  	_ =	shalt  }
0x6c: {  	_ =	shalt  }
0x6d: {  	_ =	shalt  }
0x6e: {  	_ =	shalt  }
0x6f: {  	_ =	shalt  }
0x70: {  	_ =	shalt  }
0x71: {  	_ =	shalt  }
0x72: {  	_ =	shalt  }
0x73: {  	_ =	shalt  }
0x74: {  	_ =	shalt  }
0x75: {  	_ =	shalt  }
0x76: {  	_ =	shalt  }
0x77: {  	_ =	shalt  }
0x78: {  	_ =	shalt  }
0x79: {  	_ =	shalt  }
0x7a: {  	_ =	shalt  }
0x7b: {  	_ =	shalt  }
0x7c: {  	_ =	shalt  }
0x7d: {  	_ =	shalt  }
0x7e: {  	_ =	shalt  }
0x7f: {  	_ =	shalt  }
0x80: {  	_ =	shalt  }
0x81: {  	_ =	shalt  }
0x82: {  	_ =	shalt  }
0x83: {  	_ =	shalt  }
0x84: {  	_ =	shalt  }
0x85: {  	_ =	shalt  }
0x86: {  	_ =	shalt  }
0x87: {  	_ =	shalt  }
.Lfunc_end0:
.L_simem_size_0:
called_computation_lowered:
.L_overlay_start_0:
0x88: {  	s2 =	sld [smem:$0x3FD9]  }
0x89: {  	s3 =	sld [smem:$0x3FFE];
	_ =	sdelay $0x1  }
0x8a: {  	s1 =	srdreg.scid  }
0x8b: {  	s0 =	sand.u32 $0x1, s1  }
0x8c: {  	s17 =	sshll.u32 s0, $0xA;
	s2 =	sadd.s32 s3, s2  }
0x8d: {  	s2 =	sadd.s32 s2, s17  }
0x8e: {  	[smem:$0x3FC6] =	sst s2  }
0x8f: {  	_ = 	snop  }
0x90: {  	s2 =	sld [smem:$0x3FC9]  }
0x91: {  	s18 =	sld [smem:$0x3FC8];
	(tm) =	ssettm $0x1  }
0x92: {  	s4 =	sld [smem:$0x3FFB];
	_ =	sdelay $0x3  }
0x93: {  	_ =	strace s4  }
0x94: {  	s4 =	sld [smem:$0x3FFC];
	_ =	sdelay $0x3  }
0x95: {  	_ =	strace s4  }
0x96: {  	s4 =	sld [smem:$0x3FFD];
	_ =	sdelay $0x3  }
0x97: {  	_ =	strace s4  }
0x98: {  	_ =	strace $0x8FFFFFFF  }
0x99: {  	s19 =	sld [smem:$0x3FDB];
	_ =	sdelay $0x1  }
0x9a: {  	s5 =	simm.s32 $_scs_section_size  }
0x9b: {  	s6 =	simm.s32 $_size__tile_overlayer_lowered;
	s7 =	simm.s32 $_tile_overlayer_lowered  }
0x9c: {  	s22 =	simm.s32 $0x1BFF;
	s21 =	sshll.u32 s7, $0x1;
	s4 =	sadd.s32 s5, s19  }
0x9d: {  	s8 =	simm.s32 $0x0;
	s20 =	sshll.u32 s6, $0x1;
	s6 =	sadd.s32 s21, s4  }
0x9e: {  	[timem:s8], [sflag:s22] =	dma.local [hbm:s6], s20  }
0x9f: {  	_ =	swait.ge [sflag:s22], s20  }
0xa0: {  	s5 =	ssub.s32 $0x0, s20;
	[sflag:s22] =	ssyncset.done $0x0  }
0xa1: {  	[sflag:s22] =	ssyncadd.s32 s5;
	_ =	sdelay $0x1  }
0xa2: {  	s23 =	simm.s32 $0x1B8B  }
0xa3: {  	_ =	swait.ge [sflag:s23], $0x1  }
0xa4: {  	[sflag:s23] =	ssyncset.done $0x0  }
0xa5: {  	s25 =	simm.s32 $0x1B8E;
	s24 =	sld [smem:$0x3FFE];
	[sflag:s23] =	ssyncadd.s32 $0xFFFFFFFF  }
0xa6: {  	s26 =	simm.s32 $execute0_lowered;
	[smem:$0x3FD2] =	sst s25  }
0xa7: {  	s6 =	sshll.u32 s26, $0x1;
	_ =	strace $0x80000046;
	[dreg:$0x1] =	wrdreg $0xFFFFFFFF  }
0xa8: {  	s28 =	simm.s32 $_size_execute0_lowered;
	s4 =	sadd.s32 s4, s6;
	[dreg:$0x0] =	wrdreg $0x0  }
0xa9: {  	s6 =	sshll.u32 s28, $0x1;
	[dreg:$0x2] =	wrdreg s4  }
0xaa: {  	[dreg:$0x3] =	wrdreg s6  }
0xab: {  	[dreg:$0x4] =	wrdreg $0xC0  }
0xac: {  	_ =	task [dreg:s8], $0x5FFFF  }
0xad: {  	[dreg:$0x1] =	wrdreg $0xFFFFFFFF  }
0xae: {  	[dreg:$0x0] =	wrdreg $0x60  }
0xaf: {  	[dreg:$0x2] =	wrdreg s2  }
0xb0: {  	[dreg:$0x3] =	wrdreg s18  }
0xb1: {  	[dreg:$0x4] =	wrdreg s24  }
0xb2: {  	[dreg:$0x5] =	wrdreg $0x9  }
0xb3: {  	_ =	task.clear_ibuf [dreg:s8], $0x6FFFF;
	_ =	strace $0x90000046  }
0xb4: {  	s29 =	simm.s32 $0x9;
	_ =	strace $0x80000048  }
0xb5: {  	_ =	swait.ge [sflag:s29], $0x1  }
0xb6: {  	[sflag:s29] =	ssyncadd.s32 $0xFFFFFFFF  }
0xb7: {  	_ =	strace $0x90000048  }
0xb8: {  	_ =	sfence  }
0xb9: {  	s30 =	sld [smem:$0x0];
	_ =	sdelay $0x2  }
0xba: {  	s31 =	sshll.u32 s1, $0xD;
	s1 =	sshrl.u32 s1, $0x2  }
0xbb: {  	s3 =	sand.u32 $0x4000, s31;
	s1 =	sadd.s32 s1, s30  }
0xbc: {  	s0 =	sor.u32 s3, s0;
	s1 =	sshll.u32 s1, $0x11  }
0xbd: {  	s0 =	sor.u32 s1, s0  }
0xbe: {  	s0 =	sadd.s32 $0x8F2B, s0  }
0xbf: {  	[sflag:s0] =	ssyncadd.remote.s32 $0x1  }
0xc0: {  	_ =	sfence.sel $0xFFFF  }
0xc1: {  	[dreg:$0x0] =	wrdreg $0xFFFFFFFF;
	(pc) =	sbr.abs _section_cstart, $3  }
0xc2: {  	[dreg:$0x1] =	wrdreg $0xFFFFFFFF  }
0xc3: {  	_ =	task.clear_ibuf [dreg:s8], $0x2FFFF;
	_ =	strace $0x9FFFFFFF  }
0xc4: {  	(tm) =	ssettm $0x7FFFFFFF  }
0xc5: {  	_ =	shalt  }
tec
execute0_lowered:
.L_overlay_start_1:
0x0: {  	(tag) =	ssettag $0x1  }
0x1: {  	s5 =	rddreg [dreg:$0x0]  }
0x2: {  	s0 =	srdreg.scid;
	s6 =	rddreg [dreg:$0x1]  }
0x3: {  	s2 =	stileid.u32;
	s3 =	rddreg [dreg:$0x2];
	s7 =	simm.s32 $0x0  }
0x4: {  	s0 =	sand.u32 $0x1, s0;
	s1 =	sshll.u32 s2, $0x1;
	[smem:$0x7FF] =	sst s7  }
0x5: {  	s1 =	sor.u32 s0, s1;
	_ =	strace $0x80000047;
	s0 =	ssub.s32 $0x2, s0  }
0x6: {  	s4 =	sshll.u32 s1, $0x7;
	s14 =	sshll.u32 s1, $0xA;
	s1 =	sshll.u32 s1, $0x4  }
0x7: {  	s13 =	sshrl.u32 s0, $0x1;
	[dreg:$0x4] =	wrdreg s1;
	s15 =	sadd.s32 s5, s14  }
0x8: {  	s0 =	ssub.s32 s0, s13;
	s16 =	sadd.s32 s6, s14;
	[dreg:$0x5] =	wrdreg s15  }
0x9: {  	s0 =	smax.u32 s0, $0x1;
	[dreg:$0x6] =	wrdreg s16  }
0xa: {  	s17 =	sadd.s32 $0x80, s15;
	[dreg:$0x8] =	wrdreg s0  }
0xb: {  	s18 =	sadd.s32 $0x100, s15;
	[dreg:$0x9] =	wrdreg s17  }
0xc: {  	s19 =	sadd.s32 $0x180, s15;
	[dreg:$0xa] =	wrdreg s18  }
0xd: {  	s20 =	sadd.s32 $0x40000, s15;
	[dreg:$0xb] =	wrdreg s19  }
0xe: {  	s21 =	sadd.s32 $0x40080, s15;
	[dreg:$0xc] =	wrdreg s20  }
0xf: {  	s22 =	sadd.s32 $0x40100, s15;
	[dreg:$0xd] =	wrdreg s21  }
0x10: {  	s10 =	simm.s32 $0x6400;
	s23 =	sadd.s32 $0x40180, s15;
	[dreg:$0xe] =	wrdreg s22  }
0x11: {  	s2 =	sshrl.u32 s2, $0x2;
	s24 =	sadd.s32 $0x80000, s15;
	[dreg:$0xf] =	wrdreg s23  }
0x12: {  	s2 =	smul.u32 $0x54000, s2;
	s25 =	sadd.s32 $0x80080, s15;
	[dreg:$0x10] =	wrdreg s24  }
0x13: {  	s4 =	sand.u32 $0x380, s4;
	s26 =	sadd.s32 $0x80100, s15;
	[dreg:$0x11] =	wrdreg s25  }
0x14: {  	s13 =	simm.s32 $0x0;
	s28 =	sadd.s32 $0x80180, s15;
	[dreg:$0x12] =	wrdreg s26  }
0x15: {  	s2 =	sor.u32 s2, s4;
	s29 =	sadd.s32 $0x80, s16;
	[dreg:$0x13] =	wrdreg s28  }
0x16: {  	s30 =	sadd.s32 $0x100, s16;
	s2 =	sshrl.u32 s2, $0x3;
	[dreg:$0x14] =	wrdreg s29  }
0x17: {  	s31 =	sadd.s32 $0x180, s16;
	[dreg:$0x15] =	wrdreg s30;
	s2 =	sadd.s32 s2, s3  }
0x18: {  	[dreg:$0x16] =	wrdreg s31;
	s24 =	simm.s32 $0x80;
	s2 =	sadd.s32 $0x400, s2  }
0x19: {  	v0 =	vimm.s32 $0x0;
	s25 =	simm.s32 $0x40000;
	[dreg:$0x7] =	wrdreg s2;
	s2 =	simm.s32 $0x0  }
.LBB2_1:
0x1a: {  	[dreg:$0x17] =	wrdreg s2;
	s0 =	simm.s32 $0x0;
	s1 =	simm.s32 $0x200  }
.LBB2_2:
0x1b: {  	p0 =	sne.s32 s1, $0x29E00;
	[tilespmem:s0+$0x6470] =	vst v0  }
0x1c: {  	[tilespmem:s0+$0x6400] =	vst v0  }
0x1d: {  	[tilespmem:s0+$0x6410] =	vst v0  }
.Ltmp0:
0x1e: {  	[tilespmem:s0+$0x6420] =	vst v0;
	(pc) =	sbr.rel @p0 .LBB2_2-.Ltmp0, $4  }
0x1f: {  	[tilespmem:s0+$0x6430] =	vst v0  }
0x20: {  	[tilespmem:s0+$0x6440] =	vst v0  }
0x21: {  	[tilespmem:s0+$0x6450] =	vst v0  }
0x22: {  	[tilespmem:s0+$0x6460] =	vst v0;
	s0 =	sshra.s32 s1, $0x2;
	s1 =	sadd.s32 $0x200, s1  }
0x23: {  	[tilespmem:s0+$0x6470] =	vst v0  }
0x24: {  	[tilespmem:s0+$0x6400] =	vst v0  }
0x25: {  	[tilespmem:s0+$0x6410] =	vst v0  }
0x26: {  	[tilespmem:s0+$0x6420] =	vst v0  }
0x27: {  	[tilespmem:s0+$0x6430] =	vst v0  }
0x28: {  	[tilespmem:s0+$0x6440] =	vst v0  }
0x29: {  	[tilespmem:s0+$0x6450] =	vst v0  }
0x2a: {  	[tilespmem:s0+$0x6460] =	vst v0;
	s28 =	rddreg [dreg:$0x5]  }
0x2b: {  	[tilespmem:s13], [sflag:$0x1] =	stream.strided.gather [hbm4b:s28+s24], $0x400, s25, s24, $0x38;
	[tilespmem:$0x10C00] =	vst v63  }
0x2c: {  	s29 =	rddreg [dreg:$0x9];
	s1 =	simm.s32 $0x400  }
0x2d: {  	[tilespmem:s1], [sflag:$0x1] =	stream.strided.gather [hbm4b:s29+s24], $0x400, s25, s24, $0x38;
	[tilespmem:$0x10C00] =	vst v63  }
0x2e: {  	s30 =	rddreg [dreg:$0xa];
	s31 =	simm.s32 $0x800  }
0x2f: {  	[tilespmem:s31], [sflag:$0x1] =	stream.strided.gather [hbm4b:s30+s24], $0x400, s25, s24, $0x38;
	[tilespmem:$0x10C00] =	vst v63  }
0x30: {  	s2 =	simm.s32 $0xC00;
	s1 =	rddreg [dreg:$0xb]  }
0x31: {  	[tilespmem:s2], [sflag:$0x1] =	stream.strided.gather [hbm4b:s1+s24], $0x400, s25, s24, $0x38;
	[tilespmem:$0x10C00] =	vst v63  }
0x32: {  	s3 =	rddreg [dreg:$0xc];
	s4 =	simm.s32 $0x1000  }
0x33: {  	[tilespmem:s4], [sflag:$0x1] =	stream.strided.gather [hbm4b:s3+s24], $0x400, s25, s24, $0x38;
	[tilespmem:$0x10C00] =	vst v63  }
0x34: {  	s5 =	rddreg [dreg:$0xd];
	s6 =	simm.s32 $0x1400  }
0x35: {  	[tilespmem:s6], [sflag:$0x1] =	stream.strided.gather [hbm4b:s5+s24], $0x400, s25, s24, $0x38;
	[tilespmem:$0x10C00] =	vst v63  }
0x36: {  	s7 =	rddreg [dreg:$0xe];
	s8 =	simm.s32 $0x1800  }
0x37: {  	[tilespmem:s8], [sflag:$0x1] =	stream.strided.gather [hbm4b:s7+s24], $0x400, s25, s24, $0x38;
	[tilespmem:$0x10C00] =	vst v63  }
0x38: {  	s9 =	rddreg [dreg:$0xf];
	s11 =	simm.s32 $0x1C00  }
0x39: {  	[tilespmem:s11], [sflag:$0x1] =	stream.strided.gather [hbm4b:s9+s24], $0x400, s25, s24, $0x38;
	[tilespmem:$0x10C00] =	vst v63  }
0x3a: {  	s12 =	rddreg [dreg:$0x10];
	s14 =	simm.s32 $0x2000  }
0x3b: {  	[tilespmem:s14], [sflag:$0x1] =	stream.strided.gather [hbm4b:s12+s24], $0x280, s25, s24, $0x38;
	[tilespmem:$0x10C00] =	vst v63  }
0x3c: {  	s15 =	rddreg [dreg:$0x11];
	s16 =	simm.s32 $0x2400  }
0x3d: {  	[tilespmem:s16], [sflag:$0x1] =	stream.strided.gather [hbm4b:s15+s24], $0x280, s25, s24, $0x38;
	[tilespmem:$0x10C00] =	vst v63  }
0x3e: {  	s17 =	rddreg [dreg:$0x12];
	s18 =	simm.s32 $0x2800  }
0x3f: {  	[tilespmem:s18], [sflag:$0x1] =	stream.strided.gather [hbm4b:s17+s24], $0x280, s25, s24, $0x38;
	[tilespmem:$0x10C00] =	vst v63  }
0x40: {  	s19 =	rddreg [dreg:$0x13];
	s20 =	simm.s32 $0x2C00  }
0x41: {  	[tilespmem:s20], [sflag:$0x1] =	stream.strided.gather [hbm4b:s19+s24], $0x280, s25, s24, $0x38;
	[tilespmem:$0x10C00] =	vst v63  }
0x42: {  	s21 =	rddreg [dreg:$0x6];
	s22 =	simm.s32 $0x6000  }
0x43: {  	[tilespmem:s22], [sflag:$0x3] =	stream.linear.gather [hbm4b:s21+s13], $0x80, $0x38;
	[tilespmem:$0x10C00] =	vst v63  }
0x44: {  	s23 =	rddreg [dreg:$0x14];
	s26 =	simm.s32 $0x6100  }
0x45: {  	[tilespmem:s26], [sflag:$0x3] =	stream.linear.gather [hbm4b:s23+s13], $0x80, $0x38;
	[tilespmem:$0x10C00] =	vst v63  }
0x46: {  	s28 =	rddreg [dreg:$0x15];
	s29 =	simm.s32 $0x6200  }
0x47: {  	[tilespmem:s29], [sflag:$0x3] =	stream.linear.gather [hbm4b:s28+s13], $0x80, $0x38;
	[tilespmem:$0x10C00] =	vst v63  }
0x48: {  	s30 =	rddreg [dreg:$0x16];
	s31 =	simm.s32 $0x6300;
	s14 =	simm.s32 $0x0  }
0x49: {  	[tilespmem:s31], [sflag:$0x3] =	stream.linear.gather [hbm4b:s30+s13], $0x80, $0x38;
	[tilespmem:$0x10C00] =	vst v63  }
.LBB2_4:
0x4a: {  	s15 =	sshll.u32 s14, $0x1;
	s4 =	simm.s32 $0x1;
	s0 =	sshrl.u32 s14, $0x3  }
0x4b: {  	s20 =	sshll.u32 s14, $0x8;
	s21 =	simm.s32 $0x3;
	_ =	swait.ge [sflag:s4], $0x2A00  }
0x4c: {  	s1 =	sand.u32 $0x8, s15;
	s2 =	rddreg [dreg:$0x4];
	[sflag:s4] =	ssyncset.done $0x0  }
0x4d: {  	s3 =	smul.u32 $0x540000, s0;
	s1 =	sor.u32 s2, s1;
	[sflag:s4] =	ssyncadd.s32 $0xFFFFD600  }
0x4e: {  	s2 =	sand.u32 $0x300, s20;
	s1 =	sshll.u32 s1, $0x9;
	_ =	swait.ge [sflag:s21], $0x200  }
0x4f: {  	s2 =	sor.u32 $0x80, s2;
	s3 =	sor.u32 s3, s1;
	[sflag:s21] =	ssyncset.done $0x0  }
0x50: {  	s3 =	sor.u32 s2, s3;
	[sflag:s21] =	ssyncadd.s32 $0xFFFFFE00  }
0x51: {  	s3 =	sshrl.u32 s3, $0x3;
	s4 =	rddreg [dreg:$0x0]  }
0x52: {  	s22 =	simm.s32 $0x3000;
	s3 =	sadd.s32 s4, s3  }
0x53: {  	[tilespmem:s22], [sflag:$0x2] =	stream.strided.gather [hbm4b:s3+s24], $0x400, s25, s24, $0x38;
	[tilespmem:$0x10C00] =	vst v63  }
0x54: {  	s5 =	simm.s32 $0x3400;
	s23 =	sadd.s32 $0x80, s3  }
0x55: {  	[tilespmem:s5], [sflag:$0x2] =	stream.strided.gather [hbm4b:s23+s24], $0x400, s25, s24, $0x38;
	[tilespmem:$0x10C00] =	vst v63  }
0x56: {  	s28 =	simm.s32 $0x3800;
	s26 =	sadd.s32 $0x100, s3  }
0x57: {  	[tilespmem:s28], [sflag:$0x2] =	stream.strided.gather [hbm4b:s26+s24], $0x400, s25, s24, $0x38;
	[tilespmem:$0x10C00] =	vst v63  }
0x58: {  	s30 =	simm.s32 $0x3C00;
	s29 =	sadd.s32 $0x180, s3  }
0x59: {  	[tilespmem:s30], [sflag:$0x2] =	stream.strided.gather [hbm4b:s29+s24], $0x400, s25, s24, $0x38;
	[tilespmem:$0x10C00] =	vst v63  }
0x5a: {  	s7 =	simm.s32 $0x4000;
	s31 =	sadd.s32 $0x40000, s3  }
0x5b: {  	[tilespmem:s7], [sflag:$0x2] =	stream.strided.gather [hbm4b:s31+s24], $0x400, s25, s24, $0x38;
	[tilespmem:$0x10C00] =	vst v63  }
0x5c: {  	s6 =	simm.s32 $0x4400;
	s8 =	sadd.s32 $0x80, s31  }
0x5d: {  	[tilespmem:s6], [sflag:$0x2] =	stream.strided.gather [hbm4b:s8+s24], $0x400, s25, s24, $0x38;
	[tilespmem:$0x10C00] =	vst v63  }
0x5e: {  	s11 =	simm.s32 $0x4800;
	s9 =	sadd.s32 $0x100, s31  }
0x5f: {  	[tilespmem:s11], [sflag:$0x2] =	stream.strided.gather [hbm4b:s9+s24], $0x400, s25, s24, $0x38;
	[tilespmem:$0x10C00] =	vst v63  }
0x60: {  	s12 =	simm.s32 $0x4C00;
	s16 =	simm.s32 $0x5000;
	s4 =	sadd.s32 $0x180, s31  }
0x61: {  	[tilespmem:s12], [sflag:$0x2] =	stream.strided.gather [hbm4b:s4+s24], $0x400, s25, s24, $0x38;
	[tilespmem:$0x10C00] =	vst v63  }
0x62: {  	s18 =	simm.s32 $0x5400;
	s0 =	sshll.u32 s0, $0x12;
	s3 =	sadd.s32 $0x80000, s3  }
0x63: {  	[tilespmem:s16], [sflag:$0x2] =	stream.strided.gather [hbm4b:s3+s24], $0x280, s25, s24, $0x38;
	[tilespmem:$0x10C00] =	vst v63  }
0x64: {  	s20 =	simm.s32 $0x5800;
	s0 =	sor.u32 s0, s1;
	s17 =	sadd.s32 $0x80, s3  }
0x65: {  	[tilespmem:s18], [sflag:$0x2] =	stream.strided.gather [hbm4b:s17+s24], $0x280, s25, s24, $0x38;
	[tilespmem:$0x10C00] =	vst v63  }
0x66: {  	s21 =	simm.s32 $0x5C00;
	s0 =	sor.u32 s2, s0;
	s19 =	sadd.s32 $0x100, s3  }
0x67: {  	[tilespmem:s20], [sflag:$0x2] =	stream.strided.gather [hbm4b:s19+s24], $0x280, s25, s24, $0x38;
	[tilespmem:$0x10C00] =	vst v63  }
0x68: {  	s0 =	sshrl.u32 s0, $0x3;
	s22 =	rddreg [dreg:$0x1];
	s3 =	sadd.s32 $0x180, s3  }
0x69: {  	[tilespmem:s21], [sflag:$0x2] =	stream.strided.gather [hbm4b:s3+s24], $0x280, s25, s24, $0x38;
	[tilespmem:$0x10C00] =	vst v63  }
0x6a: {  	s0 =	sadd.s32 s22, s0;
	s23 =	simm.s32 $0x6080  }
0x6b: {  	[tilespmem:s23], [sflag:$0x4] =	stream.linear.gather [hbm4b:s0+s13], $0x80, $0x38;
	[tilespmem:$0x10C00] =	vst v63  }
0x6c: {  	s26 =	sadd.s32 $0x80, s0;
	s28 =	simm.s32 $0x6180  }
0x6d: {  	[tilespmem:s28], [sflag:$0x4] =	stream.linear.gather [hbm4b:s26+s13], $0x80, $0x38;
	[tilespmem:$0x10C00] =	vst v63  }
0x6e: {  	s29 =	sadd.s32 $0x100, s0;
	s30 =	simm.s32 $0x6280;
	s31 =	simm.s32 $0x6380  }
0x6f: {  	[tilespmem:s30], [sflag:$0x4] =	stream.linear.gather [hbm4b:s29+s13], $0x80, $0x38;
	[tilespmem:$0x10C00] =	vst v63  }
0x70: {  	s18 =	simm.s32 $0x0;
	s0 =	sadd.s32 $0x180, s0;
	s26 =	simm.s32 $0x0  }
0x71: {  	[tilespmem:s31], [sflag:$0x4] =	stream.linear.gather [hbm4b:s0+s13], $0x80, $0x38;
	[tilespmem:$0x10C00] =	vst v63  }
.LBB2_5:
0x72: {  	s4 =	sand.u32 $0x60, s26;
	s2 =	sand.u32 $0xC00, s18  }
0x73: {  	s1 =	sor.u32 s4, s2  }
0x74: {  	v1 =	vld [tilespmem:s1+$0x0]  }
0x75: {  	v2 =	vld [tilespmem:s1+$0x80]  }
0x76: {  	v3 =	vld [tilespmem:s1+$0x100]  }
0x77: {  	v4 =	vld [tilespmem:s1+$0x180]  }
0x78: {  	v5 =	vld [tilespmem:s1+$0x200]  }
0x79: {  	v6 =	vld [tilespmem:s1+$0x280];
	v1 =	vmul.f32 $1.442695020e+00, v1  }
0x7a: {  	s0 =	sor.u32 $0x1000, s2;
	v7 =	vld [tilespmem:s1+$0x300];
	v2 =	vmul.f32 $1.442695020e+00, v2  }
0x7b: {  	s3 =	sor.u32 s4, s0;
	(erf) = vpow2.f32 v1;
	v1 =	vmul.f32 $1.442695020e+00, v3;
	v3 =	vld [tilespmem:s1+$0x380];
	s1 =	sor.u32 $0x1080, s2  }
0x7c: {  	v53 =	vld [tilespmem:s3+$0x0];
	s3 =	sor.u32 $0x1100, s2;
	(erf) = vpow2.f32 v2;
	v2 =	vmul.f32 $1.442695020e+00, v4;
	s5 =	sor.u32 s4, s1  }
0x7d: {  	s6 =	sor.u32 s4, s3;
	(erf) = vpow2.f32 v1;
	v1 =	vmul.f32 $1.442695020e+00, v5;
	v54 =	vld [tilespmem:s5+$0x0];
	s5 =	sor.u32 $0x1180, s2  }
0x7e: {  	v55 =	vld [tilespmem:s6+$0x0];
	s6 =	sor.u32 $0x1200, s2;
	(erf) = vpow2.f32 v2;
	v2 =	vmul.f32 $1.442695020e+00, v6;
	s7 =	sor.u32 s4, s5  }
0x7f: {  	s8 =	sor.u32 s4, s6;
	(erf) = vpow2.f32 v1;
	v1 =	vmul.f32 $1.442695020e+00, v7;
	v56 =	vld [tilespmem:s7+$0x0];
	s7 =	sor.u32 $0x1280, s2  }
0x80: {  	(erf) = vpow2.f32 v2;
	v2 =	vmul.f32 $1.442695020e+00, v3;
	v3 =	vld [tilespmem:s8+$0x0];
	s9 =	sor.u32 s4, s7;
	s8 =	sor.u32 $0x1300, s2  }
0x81: {  	s12 =	sor.u32 $0x1380, s2;
	(erf) = vpow2.f32 v1;
	v1 =	vmul.f32 $1.442695020e+00, v53;
	v57 =	vld [tilespmem:s9+$0x0];
	s11 =	sor.u32 s4, s8  }
0x82: {  	s16 =	sor.u32 $0x2000, s2;
	s21 =	sor.u32 s4, s12;
	(erf) = vpow2.f32 v2;
	v2 =	vmul.f32 $1.442695020e+00, v54;
	v58 =	vld [tilespmem:s11+$0x0]  }
0x83: {  	s17 =	sor.u32 $0x2080, s2;
	s22 =	sor.u32 s4, s16;
	v59 =	vld [tilespmem:s21+$0x0];
	(erf) = vpow2.f32 v1;
	v1 =	vmul.f32 $1.442695020e+00, v55  }
0x84: {  	s19 =	sor.u32 $0x2100, s2;
	s23 =	sor.u32 s4, s17;
	v60 =	vld [tilespmem:s22+$0x0];
	v8 =	vpop (erf);
	(erf) = vpow2.f32 v2;
	v2 =	vmul.f32 $1.442695020e+00, v56  }
0x85: {  	s28 =	sor.u32 s4, s19;
	v12 =	vpop (erf);
	(erf) = vpow2.f32 v1;
	v1 =	vmul.f32 $1.442695020e+00, v3;
	v3 =	vld [tilespmem:s23+$0x0]  }
0x86: {  	v61 =	vld [tilespmem:s28+$0x0];
	v14 =	vpop (erf);
	(erf) = vpow2.f32 v2;
	v2 =	vmul.f32 $1.442695020e+00, v57  }
0x87: {  	s20 =	sor.u32 $0x2180, s2;
	v15 =	vpop (erf);
	(erf) = vpow2.f32 v1;
	v1 =	vmul.f32 $1.442695020e+00, v58  }
0x88: {  	s29 =	sor.u32 s4, s20;
	v17 =	vpop (erf);
	(erf) = vpow2.f32 v2;
	v2 =	vmul.f32 $1.442695020e+00, v59  }
0x89: {  	v62 =	vld [tilespmem:s29+$0x0];
	v18 =	vpop (erf);
	(erf) = vpow2.f32 v1;
	v1 =	vmul.f32 $1.442695020e+00, v60  }
0x8a: {  	v19 =	vpop (erf);
	(erf) = vpow2.f32 v2;
	v2 =	vmul.f32 $1.442695020e+00, v3  }
0x8b: {  	s30 =	sor.u32 $0x2200, s2;
	v20 =	vpop (erf);
	(erf) = vpow2.f32 v1;
	v1 =	vmul.f32 $1.442695020e+00, v61  }
0x8c: {  	s21 =	sor.u32 s4, s30;
	v21 =	vpop (erf);
	(erf) = vpow2.f32 v2  }
0x8d: {  	v22 =	vpop (erf);
	(erf) = vpow2.f32 v1;
	v1 =	vld [tilespmem:s21+$0x0]  }
0x8e: {  	v2 =	vmul.f32 $1.442695020e+00, v62;
	v23 =	vpop (erf)  }
0x8f: {  	v24 =	vpop (erf)  }
0x90: {  	(erf) = vpow2.f32 v2;
	v25 =	vpop (erf)  }
0x91: {  	v26 =	vpop (erf)  }
0x92: {  	v16 =	vpop (erf);
	v1 =	vmul.f32 $1.442695020e+00, v1  }
0x93: {  	v13 =	vpop (erf)  }
0x94: {  	v3 =	vadd.f32 v15, v14;
	v63 =	vadd.f32 v18, v17;
	v9 =	vpop (erf);
	(erf) = vpow2.f32 v1  }
0x95: {  	v33 =	vadd.f32 v20, v19;
	v2 =	vadd.f32 v12, v8  }
0x96: {  	v34 =	vadd.f32 v22, v21;
	v11 =	vadd.f32 v24, v23  }
0x97: {  	v2 =	vadd.f32 v3, v2;
	v3 =	vadd.f32 v33, v63;
	v10 =	vpop (erf)  }
0x98: {  	v27 =	vadd.f32 v26, v25;
	v28 =	vadd.f32 v13, v16;
	v4 =	vpop (erf)  }
0x99: {  	v35 =	vadd.f32 v11, v34;
	v29 =	vadd.f32 v10, v9;
	v1 =	vpop (erf)  }
0x9a: {  	v36 =	vadd.f32 v28, v27;
	v30 =	vadd.f32 v1, v4  }
0x9b: {  	v2 =	vadd.f32 v3, v2  }
0x9c: {  	v3 =	vadd.f32 v36, v35;
	v37 =	vadd.f32 v30, v29  }
0x9d: {  	v6 =	vpop (erf)  }
0x9e: {  	v2 =	vadd.f32 v3, v2;
	v38 =	vadd.f32 v37, v6;
	_ =	sdelay $0x1  }
0x9f: {  	v2 =	vadd.f32 v38, v2  }
0xa0: {  	s31 =	sshrl.u32 s2, $0x2  }
0xa1: {  	s21 =	sor.u32 $0x6000, s31;
	(erf) = vrcp.f32 v2  }
0xa2: {  	s22 =	sor.u32 s4, s21  }
0xa3: {  	v3 =	vld [tilespmem:s22+$0x0];
	_ =	sdelay $0x4  }
0xa4: {  	vm0 =	veq.s32 v3, $0x0  }
0xa5: {  	vm5 =	veq.s32 v3, $0x1;
	vm6 =	veq.s32 v3, $0x2;
	vm7 =	veq.s32 v3, $0x3  }
0xa6: {  	vm8 =	veq.s32 v3, $0x4;
	vm9 =	veq.s32 v3, $0x5;
	vm1 =	veq.s32 v3, $0x6;
	v2 =	vpop (erf)  }
0xa7: {  	vm10 =	veq.s32 v3, $0x7;
	vm11 =	veq.s32 v3, $0x8;
	v11 =	vmul.f32 $1.023500000e+03, v2  }
0xa8: {  	vm12 =	veq.s32 v3, $0x9;
	vm13 =	veq.s32 v3, $0xA;
	vm14 =	veq.s32 v3, $0xB  }
0xa9: {  	vm15 =	veq.s32 v3, $0xC;
	v2 =	vmul.f32 v11, v8;
	v40 =	vmul.f32 v11, v12  }
0xaa: {  	vm4 =	veq.s32 v3, $0xD;
	v42 =	vmul.f32 v11, v14;
	v43 =	vmul.f32 v11, v15  }
0xab: {  	v47 =	vmul.f32 v11, v17;
	v39 =	vsub.f32 $2.252775000e+04, v2;
	v2 =	vadd.f32 $0.0e+00, v2  }
0xac: {  	v51 =	vmul.f32 v11, v18;
	v41 =	vsub.f32 $2.355175000e+04, v40;
	v7 =	vadd.f32 $1.024000000e+03, v40  }
0xad: {  	v52 =	vmul.f32 v11, v19;
	v44 =	vsub.f32 $2.457575000e+04, v42;
	v8 =	vadd.f32 $2.048000000e+03, v42  }
0xae: {  	v56 =	vmul.f32 v11, v20;
	v45 =	vsub.f32 $2.559975000e+04, v43;
	v50 =	vsub.f32 $2.662375000e+04, v47  }
0xaf: {  	v58 =	vmul.f32 v11, v21;
	v14 =	vadd.f32 $4.096000000e+03, v47;
	v53 =	vsub.f32 $2.764775000e+04, v51  }
0xb0: {  	v63 =	vmul.f32 v11, v22;
	v15 =	vadd.f32 $5.120000000e+03, v51;
	v54 =	vsub.f32 $2.867175000e+04, v52  }
0xb1: {  	v27 =	vmul.f32 v11, v23;
	v17 =	vadd.f32 $6.144000000e+03, v52;
	v57 =	vsub.f32 $2.969575000e+04, v56  }
0xb2: {  	v30 =	vmul.f32 v11, v24;
	v61 =	vsub.f32 $3.071975000e+04, v58;
	v62 =	vadd.f32 $8.192000000e+03, v58  }
0xb3: {  	v32 =	vmul.f32 v11, v25;
	v28 =	vsub.f32 $3.174375000e+04, v63;
	v20 =	vadd.f32 $9.216000000e+03, v63  }
0xb4: {  	v33 =	vmul.f32 v11, v26;
	v29 =	vsub.f32 $3.276775000e+04, v27;
	v19 =	vadd.f32 $1.024000000e+04, v27  }
0xb5: {  	v16 =	vmul.f32 v11, v16;
	v31 =	vsub.f32 $3.379175000e+04, v30;
	v21 =	vadd.f32 $1.126400000e+04, v30  }
0xb6: {  	v13 =	vmul.f32 v11, v13;
	v34 =	vsub.f32 $3.481575000e+04, v32;
	v23 =	vadd.f32 $1.228800000e+04, v32  }
0xb7: {  	v9 =	vmul.f32 v11, v9;
	v35 =	vsub.f32 $3.583975000e+04, v33;
	v24 =	vadd.f32 $1.331200000e+04, v33  }
0xb8: {  	v10 =	vmul.f32 v11, v10;
	v37 =	vsub.f32 $3.686375000e+04, v16;
	v16 =	vadd.f32 $1.433600000e+04, v16  }
0xb9: {  	v1 =	vmul.f32 v11, v1;
	v38 =	vsub.f32 $3.788775000e+04, v13;
	v13 =	vadd.f32 $1.536000000e+04, v13  }
0xba: {  	v4 =	vmul.f32 v11, v4;
	v40 =	vsub.f32 $3.993575000e+04, v10;
	v10 =	vadd.f32 $1.740800000e+04, v10  }
0xbb: {  	v6 =	vmul.f32 v11, v6;
	v42 =	vsub.f32 $4.198375000e+04, v1;
	v1 =	vadd.f32 $1.945600000e+04, v1  }
0xbc: {  	v2 =	vsel vm0, v39, v2;
	v5 =	vsel vm5, v41, v7;
	v7 =	vadd.f32 $3.072000000e+03, v43  }
0xbd: {  	v8 =	vsel vm6, v44, v8;
	v12 =	vsel vm8, v50, v14;
	v14 =	vsel vm9, v53, v15  }
0xbe: {  	v55 =	vsel vm1, v54, v17;
	v17 =	vadd.f32 $7.168000000e+03, v56;
	v20 =	vsel vm12, v28, v20  }
0xbf: {  	v19 =	vsel vm13, v29, v19;
	v21 =	vsel vm14, v31, v21;
	v22 =	vsel vm15, v34, v23  }
0xc0: {  	v36 =	vsel vm4, v35, v24;
	vm5 =	veq.s32 v3, $0xE;
	v2 =	vtrunc.f32 v2  }
0xc1: {  	vm6 =	veq.s32 v3, $0xF;
	v5 =	vtrunc.f32 v5;
	v8 =	vtrunc.f32 v8  }
0xc2: {  	v39 =	vsub.f32 $3.891175000e+04, v9;
	v12 =	vtrunc.f32 v12;
	v2 =	vcvt.f32.s32 v2  }
0xc3: {  	v14 =	vtrunc.f32 v14;
	v5 =	vcvt.f32.s32 v5;
	v46 =	vsel vm7, v45, v7  }
0xc4: {  	v9 =	vadd.f32 $1.638400000e+04, v9;
	v48 =	vcvt.f32.s32 v8;
	v49 =	vtrunc.f32 v46;
	(xrf1) =	vunique.msk.u32 $0xffff, v2  }
0xc5: {  	vm8 =	veq.s32 v3, $0x11;
	v18 =	vtrunc.f32 v55;
	v8 =	vcvt.f32.s32 v49;
	(xrf1) =	vunique.msk.u32 $0xffff, v5  }
0xc6: {  	v41 =	vsub.f32 $4.095975000e+04, v4;
	v20 =	vtrunc.f32 v20;
	v12 =	vcvt.f32.s32 v12;
	(xrf1) =	vunique.msk.u32 $0xffff, v48  }
0xc7: {  	v19 =	vtrunc.f32 v19;
	v59 =	vcvt.f32.s32 v14;
	v17 =	vsel vm10, v57, v17;
	(xrf1) =	vunique.msk.u32 $0xffff, v8  }
0xc8: {  	v60 =	vcvt.f32.s32 v18;
	v18 =	vsel vm11, v61, v62;
	v17 =	vtrunc.f32 v17;
	(xrf1) =	vunique.msk.u32 $0xffff, v12  }
0xc9: {  	v4 =	vadd.f32 $1.843200000e+04, v4;
	v18 =	vtrunc.f32 v18;
	v17 =	vcvt.f32.s32 v17;
	(xrf1) =	vunique.msk.u32 $0xffff, v59  }
0xca: {  	vm9 =	veq.s32 v3, $0x12;
	v21 =	vtrunc.f32 v21;
	v18 =	vcvt.f32.s32 v18;
	(xrf1) =	vunique.msk.u32 $0xffff, v60  }
0xcb: {  	v43 =	vsub.f32 $4.300775000e+04, v6;
	v22 =	vtrunc.f32 v22;
	v20 =	vcvt.f32.s32 v20;
	(xrf1) =	vunique.msk.u32 $0xffff, v17  }
0xcc: {  	v6 =	vadd.f32 $2.048000000e+04, v6;
	v23 =	vtrunc.f32 v36;
	v19 =	vcvt.f32.s32 v19;
	(xrf1) =	vunique.msk.u32 $0xffff, v18  }
0xcd: {  	v16 =	vsel vm5, v37, v16;
	v13 =	vsel vm6, v38, v13;
	v21 =	vcvt.f32.s32 v21;
	(xrf1) =	vunique.msk.u32 $0xffff, v20  }
0xce: {  	v10 =	vsel vm8, v40, v10;
	v22 =	vcvt.f32.s32 v22;
	v23 =	vcvt.f32.s32 v23;
	(xrf1) =	vunique.msk.u32 $0xffff, v19  }
0xcf: {  	v16 =	vtrunc.f32 v16;
	v13 =	vtrunc.f32 v13;
	vm7 =	veq.s32 v3, $0x10;
	(xrf1) =	vunique.msk.u32 $0xffff, v21  }
0xd0: {  	v10 =	vtrunc.f32 v10;
	v16 =	vcvt.f32.s32 v16;
	v9 =	vsel vm7, v39, v9;
	(xrf1) =	vunique.msk.u32 $0xffff, v22  }
0xd1: {  	v4 =	vsel vm9, v41, v4;
	v13 =	vcvt.f32.s32 v13;
	v9 =	vtrunc.f32 v9;
	(xrf1) =	vunique.msk.u32 $0xffff, v23  }
0xd2: {  	vm10 =	veq.s32 v3, $0x13;
	vm11 =	veq.s32 v3, $0x14;
	v9 =	vcvt.f32.s32 v9;
	_, v24, vm0 =	vpop (xrf1);
	(xrf1) =	vunique.msk.u32 $0xffff, v16  }
0xd3: {  	v10 =	vcvt.f32.s32 v10;
	v4 =	vtrunc.f32 v4;
	v1 =	vsel vm10, v42, v1;
	_, v44, vm2 =	vpop (xrf1);
	(xrf1) =	vunique.msk.u32 $0xffff, v13  }
0xd4: {  	v6 =	vsel vm11, v43, v6;
	v4 =	vcvt.f32.s32 v4;
	v1 =	vtrunc.f32 v1;
	_, v3, vm3 =	vpop (xrf1);
	(xrf1) =	vunique.msk.u32 $0xffff, v9  }
0xd5: {  	v6 =	vtrunc.f32 v6;
	v1 =	vcvt.f32.s32 v1;
	_, v45, vm12 =	vpop (xrf1);
	(xrf1) =	vunique.msk.u32 $0xffff, v10  }
0xd6: {  	v6 =	vcvt.f32.s32 v6;
	_, v46, vm4 =	vpop (xrf1);
	(xrf1) =	vunique.msk.u32 $0xffff, v4  }
0xd7: {  	_, v47, vm5 =	vpop (xrf1);
	(xrf1) =	vunique.msk.u32 $0xffff, v1  }
0xd8: {  	[tilespmem:v2+s10+$0x0] =	vst.idx.add.s32.msk vm0, v24;
	_, v2, vm0 =	vpop (xrf1);
	(xrf1) =	vunique.msk.u32 $0xffff, v6  }
0xd9: {  	[tilespmem:v5+s10+$0x0] =	vst.idx.add.s32.msk vm2, v44;
	_, v5, vm2 =	vpop (xrf1)  }
0xda: {  	[tilespmem:v48+s10+$0x0] =	vst.idx.add.s32.msk vm3, v3;
	_, v3, vm3 =	vpop (xrf1)  }
0xdb: {  	[tilespmem:v8+s10+$0x0] =	vst.idx.add.s32.msk vm12, v45;
	_, v48, vm13 =	vpop (xrf1)  }
0xdc: {  	[tilespmem:v12+s10+$0x0] =	vst.idx.add.s32.msk vm4, v46;
	_, v49, vm14 =	vpop (xrf1)  }
0xdd: {  	[tilespmem:v59+s10+$0x0] =	vst.idx.add.s32.msk vm5, v47;
	_, v50, vm15 =	vpop (xrf1)  }
0xde: {  	[tilespmem:v60+s10+$0x0] =	vst.idx.add.s32.msk vm0, v2;
	_, v2, vm0 =	vpop (xrf1)  }
0xdf: {  	[tilespmem:v17+s10+$0x0] =	vst.idx.add.s32.msk vm2, v5;
	_, v5, vm2 =	vpop (xrf1)  }
0xe0: {  	[tilespmem:v18+s10+$0x0] =	vst.idx.add.s32.msk vm3, v3;
	_, v3, vm3 =	vpop (xrf1)  }
0xe1: {  	[tilespmem:v20+s10+$0x0] =	vst.idx.add.s32.msk vm13, v48;
	_, v7, vm1 =	vpop (xrf1)  }
0xe2: {  	[tilespmem:v19+s10+$0x0] =	vst.idx.add.s32.msk vm14, v49;
	_, v8, vm4 =	vpop (xrf1)  }
0xe3: {  	[tilespmem:v21+s10+$0x0] =	vst.idx.add.s32.msk vm15, v50;
	_, v11, vm5 =	vpop (xrf1)  }
0xe4: {  	[tilespmem:v22+s10+$0x0] =	vst.idx.add.s32.msk vm0, v2;
	_, v2, vm0 =	vpop (xrf1)  }
0xe5: {  	[tilespmem:v23+s10+$0x0] =	vst.idx.add.s32.msk vm2, v5;
	_, v5, vm2 =	vpop (xrf1)  }
0xe6: {  	[tilespmem:v16+s10+$0x0] =	vst.idx.add.s32.msk vm3, v3;
	_, v3, vm3 =	vpop (xrf1)  }
0xe7: {  	[tilespmem:v13+s10+$0x0] =	vst.idx.add.s32.msk vm1, v7  }
0xe8: {  	[tilespmem:v9+s10+$0x0] =	vst.idx.add.s32.msk vm4, v8  }
0xe9: {  	[tilespmem:v10+s10+$0x0] =	vst.idx.add.s32.msk vm5, v11  }
0xea: {  	[tilespmem:v4+s10+$0x0] =	vst.idx.add.s32.msk vm0, v2  }
0xeb: {  	s4 =	sor.u32 $0x10, s4;
	[tilespmem:v1+s10+$0x0] =	vst.idx.add.s32.msk vm2, v5  }
0xec: {  	s2 =	sor.u32 s4, s2;
	[tilespmem:v6+s10+$0x0] =	vst.idx.add.s32.msk vm3, v3  }
0xed: {  	v1 =	vld [tilespmem:s2+$0x0]  }
0xee: {  	v2 =	vld [tilespmem:s2+$0x80]  }
0xef: {  	v3 =	vld [tilespmem:s2+$0x100]  }
0xf0: {  	v4 =	vld [tilespmem:s2+$0x180]  }
0xf1: {  	v5 =	vld [tilespmem:s2+$0x200]  }
0xf2: {  	v6 =	vld [tilespmem:s2+$0x280];
	v1 =	vmul.f32 $1.442695020e+00, v1  }
0xf3: {  	v7 =	vld [tilespmem:s2+$0x300];
	v2 =	vmul.f32 $1.442695020e+00, v2  }
0xf4: {  	s0 =	sor.u32 s4, s0;
	(erf) = vpow2.f32 v1;
	v1 =	vmul.f32 $1.442695020e+00, v3;
	v3 =	vld [tilespmem:s2+$0x380]  }
0xf5: {  	v51 =	vld [tilespmem:s0+$0x0];
	s2 =	sor.u32 s4, s1;
	(erf) = vpow2.f32 v2;
	v2 =	vmul.f32 $1.442695020e+00, v4  }
0xf6: {  	s3 =	sor.u32 s4, s3;
	v52 =	vld [tilespmem:s2+$0x0];
	(erf) = vpow2.f32 v1;
	v1 =	vmul.f32 $1.442695020e+00, v5  }
0xf7: {  	s5 =	sor.u32 s4, s5;
	v53 =	vld [tilespmem:s3+$0x0];
	(erf) = vpow2.f32 v2;
	v2 =	vmul.f32 $1.442695020e+00, v6  }
0xf8: {  	s6 =	sor.u32 s4, s6;
	v54 =	vld [tilespmem:s5+$0x0];
	(erf) = vpow2.f32 v1;
	v1 =	vmul.f32 $1.442695020e+00, v7  }
0xf9: {  	s7 =	sor.u32 s4, s7;
	(erf) = vpow2.f32 v2;
	v2 =	vmul.f32 $1.442695020e+00, v3;
	v3 =	vld [tilespmem:s6+$0x0]  }
0xfa: {  	s8 =	sor.u32 s4, s8;
	v55 =	vld [tilespmem:s7+$0x0];
	(erf) = vpow2.f32 v1;
	v1 =	vmul.f32 $1.442695020e+00, v51  }
0xfb: {  	s12 =	sor.u32 s4, s12;
	v56 =	vld [tilespmem:s8+$0x0];
	(erf) = vpow2.f32 v2;
	v2 =	vmul.f32 $1.442695020e+00, v52  }
0xfc: {  	s22 =	sor.u32 s4, s16;
	v57 =	vld [tilespmem:s12+$0x0];
	(erf) = vpow2.f32 v1;
	v1 =	vmul.f32 $1.442695020e+00, v53  }
0xfd: {  	s23 =	sor.u32 s4, s17;
	v59 =	vld [tilespmem:s22+$0x0];
	v58 =	vpop (erf);
	(erf) = vpow2.f32 v2;
	v2 =	vmul.f32 $1.442695020e+00, v54  }
0xfe: {  	s28 =	sor.u32 s4, s19;
	v60 =	vpop (erf);
	(erf) = vpow2.f32 v1;
	v1 =	vmul.f32 $1.442695020e+00, v3;
	v3 =	vld [tilespmem:s23+$0x0]  }
0xff: {  	v62 =	vld [tilespmem:s28+$0x0];
	v61 =	vpop (erf);
	(erf) = vpow2.f32 v2;
	v2 =	vmul.f32 $1.442695020e+00, v55  }
0x100: {  	v63 =	vpop (erf);
	(erf) = vpow2.f32 v1;
	v1 =	vmul.f32 $1.442695020e+00, v56  }
0x101: {  	s29 =	sor.u32 s4, s20;
	v33 =	vpop (erf);
	(erf) = vpow2.f32 v2;
	v2 =	vmul.f32 $1.442695020e+00, v57  }
0x102: {  	v32 =	vld [tilespmem:s29+$0x0];
	v34 =	vpop (erf);
	(erf) = vpow2.f32 v1;
	v1 =	vmul.f32 $1.442695020e+00, v59  }
0x103: {  	v35 =	vpop (erf);
	(erf) = vpow2.f32 v2;
	v2 =	vmul.f32 $1.442695020e+00, v3  }
0x104: {  	v36 =	vpop (erf);
	(erf) = vpow2.f32 v1;
	v1 =	vmul.f32 $1.442695020e+00, v62  }
0x105: {  	s30 =	sor.u32 s4, s30;
	v37 =	vpop (erf);
	(erf) = vpow2.f32 v2  }
0x106: {  	v38 =	vpop (erf);
	(erf) = vpow2.f32 v1;
	v1 =	vld [tilespmem:s30+$0x0]  }
0x107: {  	v2 =	vmul.f32 $1.442695020e+00, v32;
	_ =	sdelay $0x1  }
0x108: {  	v39 =	vpop (erf);
	(erf) = vpow2.f32 v2  }
0x109: {  	v23 =	vpop (erf)  }
0x10a: {  	v24 =	vpop (erf);
	v1 =	vmul.f32 $1.442695020e+00, v1  }
0x10b: {  	v25 =	vpop (erf)  }
0x10c: {  	v3 =	vadd.f32 v63, v61;
	v40 =	vadd.f32 v34, v33;
	v26 =	vpop (erf);
	(erf) = vpow2.f32 v1  }
0x10d: {  	v42 =	vadd.f32 v38, v37;
	v43 =	vadd.f32 v23, v39;
	v14 =	vpop (erf)  }
0x10e: {  	v41 =	vadd.f32 v36, v35;
	v44 =	vadd.f32 v25, v24;
	v10 =	vpop (erf)  }
0x10f: {  	v48 =	vadd.f32 v43, v42;
	v1 =	vadd.f32 v60, v58;
	v11 =	vpop (erf)  }
0x110: {  	v45 =	vadd.f32 v14, v26;
	v4 =	vpop (erf);
	v46 =	vadd.f32 v11, v10  }
0x111: {  	v1 =	vadd.f32 v3, v1;
	v3 =	vadd.f32 v41, v40;
	v2 =	vpop (erf)  }
0x112: {  	v49 =	vadd.f32 v45, v44;
	v47 =	vadd.f32 v2, v4  }
0x113: {  	v1 =	vadd.f32 v3, v1  }
0x114: {  	v3 =	vadd.f32 v49, v48;
	v50 =	vadd.f32 v47, v46  }
0x115: {  	v6 =	vpop (erf)  }
0x116: {  	v1 =	vadd.f32 v3, v1;
	v51 =	vadd.f32 v50, v6;
	_ =	sdelay $0x1  }
0x117: {  	v1 =	vadd.f32 v51, v1;
	_ =	sdelay $0x1  }
0x118: {  	(erf) = vrcp.f32 v1;
	_ =	sdelay $0x1  }
0x119: {  	s31 =	sor.u32 s4, s21  }
0x11a: {  	v3 =	vld [tilespmem:s31+$0x0];
	_ =	sdelay $0x4  }
0x11b: {  	vm7 =	veq.s32 v3, $0x0  }
0x11c: {  	vm8 =	veq.s32 v3, $0x1;
	vm9 =	veq.s32 v3, $0x2;
	vm10 =	veq.s32 v3, $0x3;
	v1 =	vpop (erf)  }
0x11d: {  	vm11 =	veq.s32 v3, $0x4;
	vm12 =	veq.s32 v3, $0x5;
	v9 =	vmul.f32 $1.023500000e+03, v1  }
0x11e: {  	vm13 =	veq.s32 v3, $0x6;
	vm14 =	veq.s32 v3, $0x7;
	vm15 =	veq.s32 v3, $0x8  }
0x11f: {  	vm4 =	veq.s32 v3, $0x9;
	vm5 =	veq.s32 v3, $0xA;
	v1 =	vmul.f32 v9, v58  }
0x120: {  	vm6 =	veq.s32 v3, $0xB;
	v53 =	vmul.f32 v9, v60;
	v55 =	vmul.f32 v9, v61  }
0x121: {  	v56 =	vmul.f32 v9, v63;
	v60 =	vmul.f32 v9, v33;
	v52 =	vsub.f32 $2.252775000e+04, v1  }
0x122: {  	v63 =	vmul.f32 v9, v34;
	v1 =	vadd.f32 $0.0e+00, v1;
	v54 =	vsub.f32 $2.355175000e+04, v53  }
0x123: {  	v27 =	vmul.f32 v9, v35;
	v7 =	vadd.f32 $1.024000000e+03, v53;
	v57 =	vsub.f32 $2.457575000e+04, v55  }
0x124: {  	v31 =	vmul.f32 v9, v36;
	v8 =	vadd.f32 $2.048000000e+03, v55;
	v58 =	vsub.f32 $2.559975000e+04, v56  }
0x125: {  	v33 =	vmul.f32 v9, v37;
	v62 =	vsub.f32 $2.662375000e+04, v60;
	v13 =	vadd.f32 $4.096000000e+03, v60  }
0x126: {  	v38 =	vmul.f32 v9, v38;
	v28 =	vsub.f32 $2.764775000e+04, v63;
	v15 =	vadd.f32 $5.120000000e+03, v63  }
0x127: {  	v39 =	vmul.f32 v9, v39;
	v29 =	vsub.f32 $2.867175000e+04, v27;
	v16 =	vadd.f32 $6.144000000e+03, v27  }
0x128: {  	v42 =	vmul.f32 v9, v23;
	v32 =	vsub.f32 $2.969575000e+04, v31;
	v36 =	vsub.f32 $3.071975000e+04, v33  }
0x129: {  	v44 =	vmul.f32 v9, v24;
	v37 =	vadd.f32 $8.192000000e+03, v33;
	v40 =	vsub.f32 $3.174375000e+04, v38  }
0x12a: {  	v45 =	vmul.f32 v9, v25;
	v19 =	vadd.f32 $9.216000000e+03, v38;
	v41 =	vsub.f32 $3.276775000e+04, v39  }
0x12b: {  	v49 =	vmul.f32 v9, v26;
	v18 =	vadd.f32 $1.024000000e+04, v39;
	v43 =	vsub.f32 $3.379175000e+04, v42  }
0x12c: {  	v14 =	vmul.f32 v9, v14;
	v20 =	vadd.f32 $1.126400000e+04, v42;
	v46 =	vsub.f32 $3.481575000e+04, v44  }
0x12d: {  	v10 =	vmul.f32 v9, v10;
	v22 =	vadd.f32 $1.228800000e+04, v44;
	v47 =	vsub.f32 $3.583975000e+04, v45  }
0x12e: {  	v11 =	vmul.f32 v9, v11;
	v23 =	vadd.f32 $1.331200000e+04, v45;
	v50 =	vsub.f32 $3.686375000e+04, v49  }
0x12f: {  	v2 =	vmul.f32 v9, v2;
	v51 =	vsub.f32 $3.788775000e+04, v14;
	v14 =	vadd.f32 $1.536000000e+04, v14  }
0x130: {  	v4 =	vmul.f32 v9, v4;
	v53 =	vsub.f32 $3.993575000e+04, v11;
	v11 =	vadd.f32 $1.740800000e+04, v11  }
0x131: {  	v6 =	vmul.f32 v9, v6;
	v55 =	vsub.f32 $4.198375000e+04, v2;
	v2 =	vadd.f32 $1.945600000e+04, v2  }
0x132: {  	v1 =	vsel vm7, v52, v1;
	v5 =	vsel vm8, v54, v7;
	v7 =	vadd.f32 $3.072000000e+03, v56  }
0x133: {  	v8 =	vsel vm9, v57, v8;
	v12 =	vsel vm11, v62, v13;
	v13 =	vsel vm12, v28, v15  }
0x134: {  	v30 =	vsel vm13, v29, v16;
	v16 =	vadd.f32 $7.168000000e+03, v31;
	v19 =	vsel vm4, v40, v19  }
0x135: {  	v18 =	vsel vm5, v41, v18;
	v20 =	vsel vm6, v43, v20;
	vm7 =	veq.s32 v3, $0xC  }
0x136: {  	vm8 =	veq.s32 v3, $0xD;
	vm9 =	veq.s32 v3, $0xE;
	v52 =	vsub.f32 $3.891175000e+04, v10  }
0x137: {  	v10 =	vadd.f32 $1.638400000e+04, v10;
	vm11 =	veq.s32 v3, $0x10;
	v1 =	vtrunc.f32 v1  }
0x138: {  	vm12 =	veq.s32 v3, $0x11;
	v5 =	vtrunc.f32 v5;
	v8 =	vtrunc.f32 v8  }
0x139: {  	v54 =	vsub.f32 $4.095975000e+04, v4;
	v12 =	vtrunc.f32 v12;
	v1 =	vcvt.f32.s32 v1  }
0x13a: {  	v13 =	vtrunc.f32 v13;
	v5 =	vcvt.f32.s32 v5;
	v59 =	vsel vm10, v58, v7  }
0x13b: {  	v4 =	vadd.f32 $1.843200000e+04, v4;
	v7 =	vcvt.f32.s32 v8;
	v61 =	vtrunc.f32 v59;
	(xrf1) =	vunique.msk.u32 $0xffff, v1  }
0x13c: {  	vm13 =	veq.s32 v3, $0x12;
	v17 =	vtrunc.f32 v30;
	v8 =	vcvt.f32.s32 v61;
	(xrf1) =	vunique.msk.u32 $0xffff, v5  }
0x13d: {  	v56 =	vsub.f32 $4.300775000e+04, v6;
	v19 =	vtrunc.f32 v19;
	v12 =	vcvt.f32.s32 v12;
	(xrf1) =	vunique.msk.u32 $0xffff, v7  }
0x13e: {  	v18 =	vtrunc.f32 v18;
	v34 =	vcvt.f32.s32 v13;
	v16 =	vsel vm14, v32, v16;
	(xrf1) =	vunique.msk.u32 $0xffff, v8  }
0x13f: {  	v35 =	vcvt.f32.s32 v17;
	v17 =	vsel vm15, v36, v37;
	v16 =	vtrunc.f32 v16;
	(xrf1) =	vunique.msk.u32 $0xffff, v12  }
0x140: {  	v6 =	vadd.f32 $2.048000000e+04, v6;
	v17 =	vtrunc.f32 v17;
	v16 =	vcvt.f32.s32 v16;
	(xrf1) =	vunique.msk.u32 $0xffff, v34  }
0x141: {  	v20 =	vtrunc.f32 v20;
	v21 =	vsel vm7, v46, v22;
	v17 =	vcvt.f32.s32 v17;
	(xrf1) =	vunique.msk.u32 $0xffff, v35  }
0x142: {  	v48 =	vsel vm8, v47, v23;
	v23 =	vadd.f32 $1.433600000e+04, v49;
	v19 =	vcvt.f32.s32 v19;
	(xrf1) =	vunique.msk.u32 $0xffff, v16  }
0x143: {  	v11 =	vsel vm12, v53, v11;
	v18 =	vcvt.f32.s32 v18;
	v20 =	vcvt.f32.s32 v20;
	(xrf1) =	vunique.msk.u32 $0xffff, v17  }
0x144: {  	v21 =	vtrunc.f32 v21;
	v22 =	vtrunc.f32 v48;
	vm10 =	veq.s32 v3, $0xF;
	(xrf1) =	vunique.msk.u32 $0xffff, v19  }
0x145: {  	v11 =	vtrunc.f32 v11;
	v21 =	vcvt.f32.s32 v21;
	v23 =	vsel vm9, v50, v23;
	(xrf1) =	vunique.msk.u32 $0xffff, v18  }
0x146: {  	v22 =	vcvt.f32.s32 v22;
	v14 =	vsel vm10, v51, v14;
	v23 =	vtrunc.f32 v23;
	(xrf1) =	vunique.msk.u32 $0xffff, v20  }
0x147: {  	v10 =	vsel vm11, v52, v10;
	v14 =	vtrunc.f32 v14;
	v23 =	vcvt.f32.s32 v23;
	(xrf1) =	vunique.msk.u32 $0xffff, v21  }
0x148: {  	vm8 =	veq.s32 v3, $0x14;
	v10 =	vtrunc.f32 v10;
	v14 =	vcvt.f32.s32 v14;
	(xrf1) =	vunique.msk.u32 $0xffff, v22  }
0x149: {  	v4 =	vsel vm13, v54, v4;
	vm14 =	veq.s32 v3, $0x13;
	v10 =	vcvt.f32.s32 v10;
	_, v24, vm0 =	vpop (xrf1);
	(xrf1) =	vunique.msk.u32 $0xffff, v23  }
0x14a: {  	v11 =	vcvt.f32.s32 v11;
	v4 =	vtrunc.f32 v4;
	v2 =	vsel vm14, v55, v2;
	_, v57, vm15 =	vpop (xrf1);
	(xrf1) =	vunique.msk.u32 $0xffff, v14  }
0x14b: {  	v6 =	vsel vm8, v56, v6;
	v4 =	vcvt.f32.s32 v4;
	v2 =	vtrunc.f32 v2;
	_, v3, vm9 =	vpop (xrf1);
	(xrf1) =	vunique.msk.u32 $0xffff, v10  }
0x14c: {  	v6 =	vtrunc.f32 v6;
	v2 =	vcvt.f32.s32 v2;
	_, v58, vm10 =	vpop (xrf1);
	(xrf1) =	vunique.msk.u32 $0xffff, v11  }
0x14d: {  	v6 =	vcvt.f32.s32 v6;
	_, v59, vm11 =	vpop (xrf1);
	(xrf1) =	vunique.msk.u32 $0xffff, v4  }
0x14e: {  	_, v60, vm12 =	vpop (xrf1);
	(xrf1) =	vunique.msk.u32 $0xffff, v2  }
0x14f: {  	[tilespmem:v1+s10+$0x0] =	vst.idx.add.s32.msk vm0, v24;
	_, v1, vm0 =	vpop (xrf1);
	(xrf1) =	vunique.msk.u32 $0xffff, v6  }
0x150: {  	[tilespmem:v5+s10+$0x0] =	vst.idx.add.s32.msk vm15, v57;
	_, v5, vm2 =	vpop (xrf1)  }
0x151: {  	[tilespmem:v7+s10+$0x0] =	vst.idx.add.s32.msk vm9, v3;
	_, v3, vm3 =	vpop (xrf1)  }
0x152: {  	[tilespmem:v8+s10+$0x0] =	vst.idx.add.s32.msk vm10, v58;
	_, v61, vm13 =	vpop (xrf1)  }
0x153: {  	[tilespmem:v12+s10+$0x0] =	vst.idx.add.s32.msk vm11, v59;
	_, v62, vm14 =	vpop (xrf1)  }
0x154: {  	[tilespmem:v34+s10+$0x0] =	vst.idx.add.s32.msk vm12, v60;
	_, v63, vm15 =	vpop (xrf1)  }
0x155: {  	[tilespmem:v35+s10+$0x0] =	vst.idx.add.s32.msk vm0, v1;
	_, v1, vm0 =	vpop (xrf1)  }
0x156: {  	[tilespmem:v16+s10+$0x0] =	vst.idx.add.s32.msk vm2, v5;
	_, v5, vm2 =	vpop (xrf1)  }
0x157: {  	[tilespmem:v17+s10+$0x0] =	vst.idx.add.s32.msk vm3, v3;
	_, v3, vm3 =	vpop (xrf1)  }
0x158: {  	[tilespmem:v19+s10+$0x0] =	vst.idx.add.s32.msk vm13, v61;
	_, v7, vm1 =	vpop (xrf1)  }
0x159: {  	[tilespmem:v18+s10+$0x0] =	vst.idx.add.s32.msk vm14, v62;
	_, v8, vm4 =	vpop (xrf1)  }
0x15a: {  	[tilespmem:v20+s10+$0x0] =	vst.idx.add.s32.msk vm15, v63;
	_, v9, vm5 =	vpop (xrf1)  }
0x15b: {  	[tilespmem:v21+s10+$0x0] =	vst.idx.add.s32.msk vm0, v1;
	_, v1, vm0 =	vpop (xrf1)  }
0x15c: {  	[tilespmem:v22+s10+$0x0] =	vst.idx.add.s32.msk vm2, v5;
	_, v5, vm2 =	vpop (xrf1)  }
0x15d: {  	[tilespmem:v23+s10+$0x0] =	vst.idx.add.s32.msk vm3, v3;
	_, v3, vm3 =	vpop (xrf1)  }
0x15e: {  	p0 =	sne.s32 s18, $0xF00;
	[tilespmem:v14+s10+$0x0] =	vst.idx.add.s32.msk vm1, v7  }
.Ltmp1:
0x15f: {  	[tilespmem:v10+s10+$0x0] =	vst.idx.add.s32.msk vm4, v8;
	(pc) =	sbr.rel @p0 .LBB2_5-.Ltmp1, $4  }
0x160: {  	[tilespmem:v11+s10+$0x0] =	vst.idx.add.s32.msk vm5, v9  }
0x161: {  	[tilespmem:v4+s10+$0x0] =	vst.idx.add.s32.msk vm0, v1  }
0x162: {  	[tilespmem:v2+s10+$0x0] =	vst.idx.add.s32.msk vm2, v5  }
0x163: {  	s26 =	sadd.s32 $0x20, s26;
	s18 =	sadd.s32 $0x100, s18;
	[tilespmem:v6+s10+$0x0] =	vst.idx.add.s32.msk vm3, v3  }
0x164: {  	s0 =	simm.s32 $0x2  }
0x165: {  	p0 =	seq.s32 s14, $0x1F;
	_ =	swait.ge [sflag:s0], $0x2A00  }
.Ltmp2:
0x166: {  	[sflag:s0] =	ssyncset.done $0x0;
	(pc) =	sbr.rel @p0 .LBB2_8-.Ltmp2, $4  }
0x167: {  	s31 =	simm.s32 $0x4;
	[sflag:s0] =	ssyncadd.s32 $0xFFFFD600  }
0x168: {  	_ =	swait.ge [sflag:s31], $0x200  }
0x169: {  	[sflag:s31] =	ssyncset.done $0x0  }
0x16a: {  	[sflag:s31] =	ssyncadd.s32 $0xFFFFFE00  }
0x16b: {  	s0 =	sadd.s32 $0x2, s15  }
0x16c: {  	s3 =	rddreg [dreg:$0x4];
	s1 =	sshrl.u32 s0, $0x4;
	s2 =	sand.u32 $0x8, s0  }
0x16d: {  	s2 =	sor.u32 s3, s2;
	s23 =	smul.u32 $0x540000, s1  }
0x16e: {  	s0 =	sshll.u32 s0, $0x7;
	s2 =	sshll.u32 s2, $0x9  }
0x16f: {  	s0 =	sand.u32 $0x300, s0;
	s3 =	sor.u32 s23, s2  }
0x170: {  	s3 =	sor.u32 s0, s3  }
0x171: {  	s4 =	rddreg [dreg:$0x0];
	s3 =	sshrl.u32 s3, $0x3  }
0x172: {  	s6 =	simm.s32 $0x0;
	s3 =	sadd.s32 s4, s3  }
0x173: {  	[tilespmem:s6], [sflag:$0x1] =	stream.strided.gather [hbm4b:s3+s24], $0x400, s25, s24, $0x38;
	[tilespmem:$0x10C00] =	vst v63  }
0x174: {  	s5 =	simm.s32 $0x400;
	s4 =	sadd.s32 $0x80, s3  }
0x175: {  	[tilespmem:s5], [sflag:$0x1] =	stream.strided.gather [hbm4b:s4+s24], $0x400, s25, s24, $0x38;
	[tilespmem:$0x10C00] =	vst v63  }
0x176: {  	s28 =	simm.s32 $0x800;
	s26 =	sadd.s32 $0x100, s3  }
0x177: {  	[tilespmem:s28], [sflag:$0x1] =	stream.strided.gather [hbm4b:s26+s24], $0x400, s25, s24, $0x38;
	[tilespmem:$0x10C00] =	vst v63  }
0x178: {  	s30 =	simm.s32 $0xC00;
	s29 =	sadd.s32 $0x180, s3  }
0x179: {  	[tilespmem:s30], [sflag:$0x1] =	stream.strided.gather [hbm4b:s29+s24], $0x400, s25, s24, $0x38;
	[tilespmem:$0x10C00] =	vst v63  }
0x17a: {  	s8 =	simm.s32 $0x1000;
	s31 =	sadd.s32 $0x40000, s3  }
0x17b: {  	[tilespmem:s8], [sflag:$0x1] =	stream.strided.gather [hbm4b:s31+s24], $0x400, s25, s24, $0x38;
	[tilespmem:$0x10C00] =	vst v63  }
0x17c: {  	s7 =	simm.s32 $0x1400;
	s9 =	sadd.s32 $0x80, s31  }
0x17d: {  	[tilespmem:s7], [sflag:$0x1] =	stream.strided.gather [hbm4b:s9+s24], $0x400, s25, s24, $0x38;
	[tilespmem:$0x10C00] =	vst v63  }
0x17e: {  	s12 =	simm.s32 $0x1800;
	s11 =	sadd.s32 $0x100, s31  }
0x17f: {  	[tilespmem:s12], [sflag:$0x1] =	stream.strided.gather [hbm4b:s11+s24], $0x400, s25, s24, $0x38;
	[tilespmem:$0x10C00] =	vst v63  }
0x180: {  	s15 =	simm.s32 $0x1C00;
	s16 =	simm.s32 $0x2000;
	s4 =	sadd.s32 $0x180, s31  }
0x181: {  	[tilespmem:s15], [sflag:$0x1] =	stream.strided.gather [hbm4b:s4+s24], $0x400, s25, s24, $0x38;
	[tilespmem:$0x10C00] =	vst v63  }
0x182: {  	s18 =	simm.s32 $0x2400;
	s1 =	sshll.u32 s1, $0x12;
	s3 =	sadd.s32 $0x80000, s3  }
0x183: {  	[tilespmem:s16], [sflag:$0x1] =	stream.strided.gather [hbm4b:s3+s24], $0x280, s25, s24, $0x38;
	[tilespmem:$0x10C00] =	vst v63  }
0x184: {  	s20 =	simm.s32 $0x2800;
	s1 =	sor.u32 s1, s2;
	s17 =	sadd.s32 $0x80, s3  }
0x185: {  	[tilespmem:s18], [sflag:$0x1] =	stream.strided.gather [hbm4b:s17+s24], $0x280, s25, s24, $0x38;
	[tilespmem:$0x10C00] =	vst v63  }
0x186: {  	s21 =	simm.s32 $0x2C00;
	s0 =	sor.u32 s0, s1;
	s19 =	sadd.s32 $0x100, s3  }
0x187: {  	[tilespmem:s20], [sflag:$0x1] =	stream.strided.gather [hbm4b:s19+s24], $0x280, s25, s24, $0x38;
	[tilespmem:$0x10C00] =	vst v63  }
0x188: {  	s22 =	rddreg [dreg:$0x1];
	s0 =	sshrl.u32 s0, $0x3;
	s3 =	sadd.s32 $0x180, s3  }
0x189: {  	[tilespmem:s21], [sflag:$0x1] =	stream.strided.gather [hbm4b:s3+s24], $0x280, s25, s24, $0x38;
	[tilespmem:$0x10C00] =	vst v63  }
0x18a: {  	s23 =	simm.s32 $0x6000;
	s0 =	sadd.s32 s22, s0  }
0x18b: {  	[tilespmem:s23], [sflag:$0x3] =	stream.linear.gather [hbm4b:s0+s6], $0x80, $0x38;
	[tilespmem:$0x10C00] =	vst v63  }
0x18c: {  	s26 =	sadd.s32 $0x80, s0;
	s28 =	simm.s32 $0x6100  }
0x18d: {  	[tilespmem:s28], [sflag:$0x3] =	stream.linear.gather [hbm4b:s26+s6], $0x80, $0x38;
	[tilespmem:$0x10C00] =	vst v63  }
0x18e: {  	s29 =	sadd.s32 $0x100, s0;
	s30 =	simm.s32 $0x6200  }
0x18f: {  	[tilespmem:s30], [sflag:$0x3] =	stream.linear.gather [hbm4b:s29+s6], $0x80, $0x38;
	[tilespmem:$0x10C00] =	vst v63  }
0x190: {  	s31 =	simm.s32 $0x6300;
	s0 =	sadd.s32 $0x180, s0  }
0x191: {  	[tilespmem:s31], [sflag:$0x3] =	stream.linear.gather [hbm4b:s0+s6], $0x80, $0x38;
	[tilespmem:$0x10C00] =	vst v63  }
.LBB2_8:
0x192: {  	s15 =	simm.s32 $0x0;
	s26 =	simm.s32 $0x0  }
.LBB2_9:
0x193: {  	s11 =	sand.u32 $0xC00, s26  }
0x194: {  	s20 =	sand.u32 $0x60, s15;
	s18 =	sor.u32 $0x3000, s11  }
0x195: {  	s19 =	sor.u32 $0x3080, s11;
	s0 =	sor.u32 s20, s18  }
0x196: {  	s21 =	sor.u32 $0x3100, s11;
	s12 =	sor.u32 s20, s19;
	v1 =	vld [tilespmem:s0+$0x0]  }
0x197: {  	s22 =	sor.u32 $0x3180, s11;
	s16 =	sor.u32 s20, s21;
	v2 =	vld [tilespmem:s12+$0x0]  }
0x198: {  	s23 =	sor.u32 $0x3200, s11;
	s17 =	sor.u32 s20, s22;
	v3 =	vld [tilespmem:s16+$0x0]  }
0x199: {  	s7 =	sor.u32 $0x3280, s11;
	s28 =	sor.u32 s20, s23;
	v4 =	vld [tilespmem:s17+$0x0]  }
0x19a: {  	s6 =	sor.u32 $0x3300, s11;
	s29 =	sor.u32 s20, s7;
	v5 =	vld [tilespmem:s28+$0x0]  }
0x19b: {  	s30 =	sor.u32 s20, s6;
	v6 =	vld [tilespmem:s29+$0x0];
	s28 =	sor.u32 $0x3380, s11;
	v1 =	vmul.f32 $1.442695020e+00, v1  }
0x19c: {  	v7 =	vld [tilespmem:s30+$0x0];
	s29 =	sor.u32 $0x4000, s11;
	s31 =	sor.u32 s20, s28;
	v2 =	vmul.f32 $1.442695020e+00, v2  }
0x19d: {  	s30 =	sor.u32 $0x4080, s11;
	s1 =	sor.u32 s20, s29;
	(erf) = vpow2.f32 v1;
	v1 =	vmul.f32 $1.442695020e+00, v3;
	v3 =	vld [tilespmem:s31+$0x0]  }
0x19e: {  	s2 =	sor.u32 s20, s30;
	v52 =	vld [tilespmem:s1+$0x0];
	s31 =	sor.u32 $0x4100, s11;
	(erf) = vpow2.f32 v2;
	v2 =	vmul.f32 $1.442695020e+00, v4  }
0x19f: {  	v53 =	vld [tilespmem:s2+$0x0];
	s2 =	sor.u32 $0x4180, s11;
	s3 =	sor.u32 s20, s31;
	(erf) = vpow2.f32 v1;
	v1 =	vmul.f32 $1.442695020e+00, v5  }
0x1a0: {  	s0 =	sor.u32 $0x4200, s11;
	s1 =	sor.u32 s20, s2;
	v54 =	vld [tilespmem:s3+$0x0];
	(erf) = vpow2.f32 v2;
	v2 =	vmul.f32 $1.442695020e+00, v6  }
0x1a1: {  	s8 =	sor.u32 $0x4280, s11;
	s4 =	sor.u32 s20, s0;
	v55 =	vld [tilespmem:s1+$0x0];
	(erf) = vpow2.f32 v1;
	v1 =	vmul.f32 $1.442695020e+00, v7  }
0x1a2: {  	s9 =	sor.u32 $0x4300, s11;
	s5 =	sor.u32 s20, s8;
	(erf) = vpow2.f32 v2;
	v2 =	vmul.f32 $1.442695020e+00, v3;
	v3 =	vld [tilespmem:s4+$0x0]  }
0x1a3: {  	v56 =	vld [tilespmem:s5+$0x0];
	s1 =	sor.u32 $0x4380, s11;
	s3 =	sor.u32 s20, s9;
	(erf) = vpow2.f32 v1;
	v1 =	vmul.f32 $1.442695020e+00, v52  }
0x1a4: {  	v57 =	vld [tilespmem:s3+$0x0];
	s3 =	sor.u32 $0x5000, s11;
	s4 =	sor.u32 s20, s1;
	(erf) = vpow2.f32 v2;
	v2 =	vmul.f32 $1.442695020e+00, v53  }
0x1a5: {  	s5 =	sor.u32 s20, s3;
	v58 =	vld [tilespmem:s4+$0x0];
	s4 =	sor.u32 $0x5080, s11;
	(erf) = vpow2.f32 v1;
	v1 =	vmul.f32 $1.442695020e+00, v54  }
0x1a6: {  	v59 =	vld [tilespmem:s5+$0x0];
	s5 =	sor.u32 $0x5100, s11;
	s16 =	sor.u32 s20, s4;
	v8 =	vpop (erf);
	(erf) = vpow2.f32 v2;
	v2 =	vmul.f32 $1.442695020e+00, v55  }
0x1a7: {  	s17 =	sor.u32 s20, s5;
	v12 =	vpop (erf);
	(erf) = vpow2.f32 v1;
	v1 =	vmul.f32 $1.442695020e+00, v3;
	v3 =	vld [tilespmem:s16+$0x0]  }
0x1a8: {  	v60 =	vld [tilespmem:s17+$0x0];
	v14 =	vpop (erf);
	(erf) = vpow2.f32 v2;
	v2 =	vmul.f32 $1.442695020e+00, v56  }
0x1a9: {  	s16 =	sor.u32 $0x5180, s11;
	v15 =	vpop (erf);
	(erf) = vpow2.f32 v1;
	v1 =	vmul.f32 $1.442695020e+00, v57  }
0x1aa: {  	s12 =	sor.u32 s20, s16;
	v17 =	vpop (erf);
	(erf) = vpow2.f32 v2;
	v2 =	vmul.f32 $1.442695020e+00, v58  }
0x1ab: {  	v61 =	vld [tilespmem:s12+$0x0];
	v18 =	vpop (erf);
	(erf) = vpow2.f32 v1;
	v1 =	vmul.f32 $1.442695020e+00, v59  }
0x1ac: {  	v19 =	vpop (erf);
	(erf) = vpow2.f32 v2;
	v2 =	vmul.f32 $1.442695020e+00, v3  }
0x1ad: {  	s17 =	sor.u32 $0x5200, s11;
	v20 =	vpop (erf);
	(erf) = vpow2.f32 v1;
	v1 =	vmul.f32 $1.442695020e+00, v60  }
0x1ae: {  	s12 =	sor.u32 s20, s17;
	v21 =	vpop (erf);
	(erf) = vpow2.f32 v2  }
0x1af: {  	v22 =	vpop (erf);
	(erf) = vpow2.f32 v1;
	v1 =	vld [tilespmem:s12+$0x0]  }
0x1b0: {  	v2 =	vmul.f32 $1.442695020e+00, v61;
	v23 =	vpop (erf)  }
0x1b1: {  	v24 =	vpop (erf)  }
0x1b2: {  	(erf) = vpow2.f32 v2;
	v25 =	vpop (erf)  }
0x1b3: {  	v26 =	vpop (erf)  }
0x1b4: {  	v16 =	vpop (erf);
	v1 =	vmul.f32 $1.442695020e+00, v1  }
0x1b5: {  	v13 =	vpop (erf)  }
0x1b6: {  	v3 =	vadd.f32 v15, v14;
	v62 =	vadd.f32 v18, v17;
	v9 =	vpop (erf);
	(erf) = vpow2.f32 v1  }
0x1b7: {  	v63 =	vadd.f32 v20, v19;
	v2 =	vadd.f32 v12, v8  }
0x1b8: {  	v33 =	vadd.f32 v22, v21;
	v11 =	vadd.f32 v24, v23  }
0x1b9: {  	v2 =	vadd.f32 v3, v2;
	v3 =	vadd.f32 v63, v62;
	v10 =	vpop (erf)  }
0x1ba: {  	v27 =	vadd.f32 v26, v25;
	v28 =	vadd.f32 v13, v16;
	v4 =	vpop (erf)  }
0x1bb: {  	v34 =	vadd.f32 v11, v33;
	v29 =	vadd.f32 v10, v9;
	v1 =	vpop (erf)  }
0x1bc: {  	v35 =	vadd.f32 v28, v27;
	v30 =	vadd.f32 v1, v4  }
0x1bd: {  	v2 =	vadd.f32 v3, v2  }
0x1be: {  	v3 =	vadd.f32 v35, v34;
	v36 =	vadd.f32 v30, v29  }
0x1bf: {  	v6 =	vpop (erf)  }
0x1c0: {  	v2 =	vadd.f32 v3, v2;
	v37 =	vadd.f32 v36, v6;
	_ =	sdelay $0x1  }
0x1c1: {  	v2 =	vadd.f32 v37, v2  }
0x1c2: {  	s11 =	sshrl.u32 s11, $0x2  }
0x1c3: {  	s11 =	sor.u32 $0x6000, s11;
	(erf) = vrcp.f32 v2  }
0x1c4: {  	s12 =	sor.u32 s20, s11  }
0x1c5: {  	v3 =	vld [tilespmem:s12+$0x80];
	_ =	sdelay $0x4  }
0x1c6: {  	vm0 =	veq.s32 v3, $0x0  }
0x1c7: {  	vm5 =	veq.s32 v3, $0x1;
	vm6 =	veq.s32 v3, $0x2;
	vm7 =	veq.s32 v3, $0x3  }
0x1c8: {  	vm8 =	veq.s32 v3, $0x4;
	vm9 =	veq.s32 v3, $0x5;
	vm1 =	veq.s32 v3, $0x6;
	v2 =	vpop (erf)  }
0x1c9: {  	vm10 =	veq.s32 v3, $0x7;
	vm11 =	veq.s32 v3, $0x8;
	v11 =	vmul.f32 $1.023500000e+03, v2  }
0x1ca: {  	vm12 =	veq.s32 v3, $0x9;
	vm13 =	veq.s32 v3, $0xA;
	vm14 =	veq.s32 v3, $0xB  }
0x1cb: {  	vm15 =	veq.s32 v3, $0xC;
	v2 =	vmul.f32 v11, v8;
	v39 =	vmul.f32 v11, v12  }
0x1cc: {  	vm4 =	veq.s32 v3, $0xD;
	v41 =	vmul.f32 v11, v14;
	v42 =	vmul.f32 v11, v15  }
0x1cd: {  	v46 =	vmul.f32 v11, v17;
	v38 =	vsub.f32 $2.252775000e+04, v2;
	v2 =	vadd.f32 $0.0e+00, v2  }
0x1ce: {  	v50 =	vmul.f32 v11, v18;
	v40 =	vsub.f32 $2.355175000e+04, v39;
	v7 =	vadd.f32 $1.024000000e+03, v39  }
0x1cf: {  	v51 =	vmul.f32 v11, v19;
	v43 =	vsub.f32 $2.457575000e+04, v41;
	v8 =	vadd.f32 $2.048000000e+03, v41  }
0x1d0: {  	v55 =	vmul.f32 v11, v20;
	v44 =	vsub.f32 $2.559975000e+04, v42;
	v49 =	vsub.f32 $2.662375000e+04, v46  }
0x1d1: {  	v57 =	vmul.f32 v11, v21;
	v14 =	vadd.f32 $4.096000000e+03, v46;
	v52 =	vsub.f32 $2.764775000e+04, v50  }
0x1d2: {  	v62 =	vmul.f32 v11, v22;
	v15 =	vadd.f32 $5.120000000e+03, v50;
	v53 =	vsub.f32 $2.867175000e+04, v51  }
0x1d3: {  	v63 =	vmul.f32 v11, v23;
	v17 =	vadd.f32 $6.144000000e+03, v51;
	v56 =	vsub.f32 $2.969575000e+04, v55  }
0x1d4: {  	v29 =	vmul.f32 v11, v24;
	v60 =	vsub.f32 $3.071975000e+04, v57;
	v61 =	vadd.f32 $8.192000000e+03, v57  }
0x1d5: {  	v31 =	vmul.f32 v11, v25;
	v27 =	vsub.f32 $3.174375000e+04, v62;
	v20 =	vadd.f32 $9.216000000e+03, v62  }
0x1d6: {  	v32 =	vmul.f32 v11, v26;
	v28 =	vsub.f32 $3.276775000e+04, v63;
	v19 =	vadd.f32 $1.024000000e+04, v63  }
0x1d7: {  	v16 =	vmul.f32 v11, v16;
	v30 =	vsub.f32 $3.379175000e+04, v29;
	v21 =	vadd.f32 $1.126400000e+04, v29  }
0x1d8: {  	v13 =	vmul.f32 v11, v13;
	v33 =	vsub.f32 $3.481575000e+04, v31;
	v23 =	vadd.f32 $1.228800000e+04, v31  }
0x1d9: {  	v9 =	vmul.f32 v11, v9;
	v34 =	vsub.f32 $3.583975000e+04, v32;
	v24 =	vadd.f32 $1.331200000e+04, v32  }
0x1da: {  	v10 =	vmul.f32 v11, v10;
	v36 =	vsub.f32 $3.686375000e+04, v16;
	v16 =	vadd.f32 $1.433600000e+04, v16  }
0x1db: {  	v1 =	vmul.f32 v11, v1;
	v37 =	vsub.f32 $3.788775000e+04, v13;
	v13 =	vadd.f32 $1.536000000e+04, v13  }
0x1dc: {  	v4 =	vmul.f32 v11, v4;
	v39 =	vsub.f32 $3.993575000e+04, v10;
	v10 =	vadd.f32 $1.740800000e+04, v10  }
0x1dd: {  	v6 =	vmul.f32 v11, v6;
	v41 =	vsub.f32 $4.198375000e+04, v1;
	v1 =	vadd.f32 $1.945600000e+04, v1  }
0x1de: {  	v2 =	vsel vm0, v38, v2;
	v5 =	vsel vm5, v40, v7;
	v7 =	vadd.f32 $3.072000000e+03, v42  }
0x1df: {  	v8 =	vsel vm6, v43, v8;
	v12 =	vsel vm8, v49, v14;
	v14 =	vsel vm9, v52, v15  }
0x1e0: {  	v54 =	vsel vm1, v53, v17;
	v17 =	vadd.f32 $7.168000000e+03, v55;
	v20 =	vsel vm12, v27, v20  }
0x1e1: {  	v19 =	vsel vm13, v28, v19;
	v21 =	vsel vm14, v30, v21;
	v22 =	vsel vm15, v33, v23  }
0x1e2: {  	v35 =	vsel vm4, v34, v24;
	vm5 =	veq.s32 v3, $0xE;
	v2 =	vtrunc.f32 v2  }
0x1e3: {  	vm6 =	veq.s32 v3, $0xF;
	v5 =	vtrunc.f32 v5;
	v8 =	vtrunc.f32 v8  }
0x1e4: {  	v38 =	vsub.f32 $3.891175000e+04, v9;
	v12 =	vtrunc.f32 v12;
	v2 =	vcvt.f32.s32 v2  }
0x1e5: {  	v14 =	vtrunc.f32 v14;
	v5 =	vcvt.f32.s32 v5;
	v45 =	vsel vm7, v44, v7  }
0x1e6: {  	v9 =	vadd.f32 $1.638400000e+04, v9;
	v47 =	vcvt.f32.s32 v8;
	v48 =	vtrunc.f32 v45;
	(xrf1) =	vunique.msk.u32 $0xffff, v2  }
0x1e7: {  	vm8 =	veq.s32 v3, $0x11;
	v18 =	vtrunc.f32 v54;
	v8 =	vcvt.f32.s32 v48;
	(xrf1) =	vunique.msk.u32 $0xffff, v5  }
0x1e8: {  	v40 =	vsub.f32 $4.095975000e+04, v4;
	v20 =	vtrunc.f32 v20;
	v12 =	vcvt.f32.s32 v12;
	(xrf1) =	vunique.msk.u32 $0xffff, v47  }
0x1e9: {  	v19 =	vtrunc.f32 v19;
	v58 =	vcvt.f32.s32 v14;
	v17 =	vsel vm10, v56, v17;
	(xrf1) =	vunique.msk.u32 $0xffff, v8  }
0x1ea: {  	v59 =	vcvt.f32.s32 v18;
	v18 =	vsel vm11, v60, v61;
	v17 =	vtrunc.f32 v17;
	(xrf1) =	vunique.msk.u32 $0xffff, v12  }
0x1eb: {  	v4 =	vadd.f32 $1.843200000e+04, v4;
	v18 =	vtrunc.f32 v18;
	v17 =	vcvt.f32.s32 v17;
	(xrf1) =	vunique.msk.u32 $0xffff, v58  }
0x1ec: {  	vm9 =	veq.s32 v3, $0x12;
	v21 =	vtrunc.f32 v21;
	v18 =	vcvt.f32.s32 v18;
	(xrf1) =	vunique.msk.u32 $0xffff, v59  }
0x1ed: {  	v42 =	vsub.f32 $4.300775000e+04, v6;
	v22 =	vtrunc.f32 v22;
	v20 =	vcvt.f32.s32 v20;
	(xrf1) =	vunique.msk.u32 $0xffff, v17  }
0x1ee: {  	v6 =	vadd.f32 $2.048000000e+04, v6;
	v23 =	vtrunc.f32 v35;
	v19 =	vcvt.f32.s32 v19;
	(xrf1) =	vunique.msk.u32 $0xffff, v18  }
0x1ef: {  	v16 =	vsel vm5, v36, v16;
	v13 =	vsel vm6, v37, v13;
	v21 =	vcvt.f32.s32 v21;
	(xrf1) =	vunique.msk.u32 $0xffff, v20  }
0x1f0: {  	v10 =	vsel vm8, v39, v10;
	v22 =	vcvt.f32.s32 v22;
	v23 =	vcvt.f32.s32 v23;
	(xrf1) =	vunique.msk.u32 $0xffff, v19  }
0x1f1: {  	v16 =	vtrunc.f32 v16;
	v13 =	vtrunc.f32 v13;
	vm7 =	veq.s32 v3, $0x10;
	(xrf1) =	vunique.msk.u32 $0xffff, v21  }
0x1f2: {  	v10 =	vtrunc.f32 v10;
	v16 =	vcvt.f32.s32 v16;
	v9 =	vsel vm7, v38, v9;
	(xrf1) =	vunique.msk.u32 $0xffff, v22  }
0x1f3: {  	v4 =	vsel vm9, v40, v4;
	v13 =	vcvt.f32.s32 v13;
	v9 =	vtrunc.f32 v9;
	(xrf1) =	vunique.msk.u32 $0xffff, v23  }
0x1f4: {  	vm10 =	veq.s32 v3, $0x13;
	vm11 =	veq.s32 v3, $0x14;
	v9 =	vcvt.f32.s32 v9;
	_, v24, vm0 =	vpop (xrf1);
	(xrf1) =	vunique.msk.u32 $0xffff, v16  }
0x1f5: {  	v10 =	vcvt.f32.s32 v10;
	v4 =	vtrunc.f32 v4;
	v1 =	vsel vm10, v41, v1;
	_, v43, vm2 =	vpop (xrf1);
	(xrf1) =	vunique.msk.u32 $0xffff, v13  }
0x1f6: {  	v6 =	vsel vm11, v42, v6;
	v4 =	vcvt.f32.s32 v4;
	v1 =	vtrunc.f32 v1;
	_, v3, vm3 =	vpop (xrf1);
	(xrf1) =	vunique.msk.u32 $0xffff, v9  }
0x1f7: {  	v6 =	vtrunc.f32 v6;
	v1 =	vcvt.f32.s32 v1;
	_, v44, vm12 =	vpop (xrf1);
	(xrf1) =	vunique.msk.u32 $0xffff, v10  }
0x1f8: {  	v6 =	vcvt.f32.s32 v6;
	_, v45, vm4 =	vpop (xrf1);
	(xrf1) =	vunique.msk.u32 $0xffff, v4  }
0x1f9: {  	_, v46, vm5 =	vpop (xrf1);
	(xrf1) =	vunique.msk.u32 $0xffff, v1  }
0x1fa: {  	[tilespmem:v2+s10+$0x0] =	vst.idx.add.s32.msk vm0, v24;
	_, v2, vm0 =	vpop (xrf1);
	(xrf1) =	vunique.msk.u32 $0xffff, v6  }
0x1fb: {  	[tilespmem:v5+s10+$0x0] =	vst.idx.add.s32.msk vm2, v43;
	_, v5, vm2 =	vpop (xrf1)  }
0x1fc: {  	[tilespmem:v47+s10+$0x0] =	vst.idx.add.s32.msk vm3, v3;
	_, v3, vm3 =	vpop (xrf1)  }
0x1fd: {  	[tilespmem:v8+s10+$0x0] =	vst.idx.add.s32.msk vm12, v44;
	_, v47, vm13 =	vpop (xrf1)  }
0x1fe: {  	[tilespmem:v12+s10+$0x0] =	vst.idx.add.s32.msk vm4, v45;
	_, v48, vm14 =	vpop (xrf1)  }
0x1ff: {  	[tilespmem:v58+s10+$0x0] =	vst.idx.add.s32.msk vm5, v46;
	_, v49, vm15 =	vpop (xrf1)  }
0x200: {  	[tilespmem:v59+s10+$0x0] =	vst.idx.add.s32.msk vm0, v2;
	_, v2, vm0 =	vpop (xrf1)  }
0x201: {  	[tilespmem:v17+s10+$0x0] =	vst.idx.add.s32.msk vm2, v5;
	_, v5, vm2 =	vpop (xrf1)  }
0x202: {  	[tilespmem:v18+s10+$0x0] =	vst.idx.add.s32.msk vm3, v3;
	_, v3, vm3 =	vpop (xrf1)  }
0x203: {  	[tilespmem:v20+s10+$0x0] =	vst.idx.add.s32.msk vm13, v47;
	_, v7, vm1 =	vpop (xrf1)  }
0x204: {  	[tilespmem:v19+s10+$0x0] =	vst.idx.add.s32.msk vm14, v48;
	_, v8, vm4 =	vpop (xrf1)  }
0x205: {  	[tilespmem:v21+s10+$0x0] =	vst.idx.add.s32.msk vm15, v49;
	_, v11, vm5 =	vpop (xrf1)  }
0x206: {  	[tilespmem:v22+s10+$0x0] =	vst.idx.add.s32.msk vm0, v2;
	_, v2, vm0 =	vpop (xrf1)  }
0x207: {  	[tilespmem:v23+s10+$0x0] =	vst.idx.add.s32.msk vm2, v5;
	_, v5, vm2 =	vpop (xrf1)  }
0x208: {  	[tilespmem:v16+s10+$0x0] =	vst.idx.add.s32.msk vm3, v3;
	_, v3, vm3 =	vpop (xrf1)  }
0x209: {  	[tilespmem:v13+s10+$0x0] =	vst.idx.add.s32.msk vm1, v7  }
0x20a: {  	[tilespmem:v9+s10+$0x0] =	vst.idx.add.s32.msk vm4, v8  }
0x20b: {  	[tilespmem:v10+s10+$0x0] =	vst.idx.add.s32.msk vm5, v11  }
0x20c: {  	[tilespmem:v4+s10+$0x0] =	vst.idx.add.s32.msk vm0, v2  }
0x20d: {  	s20 =	sor.u32 $0x10, s20;
	[tilespmem:v1+s10+$0x0] =	vst.idx.add.s32.msk vm2, v5  }
0x20e: {  	s18 =	sor.u32 s20, s18;
	[tilespmem:v6+s10+$0x0] =	vst.idx.add.s32.msk vm3, v3  }
0x20f: {  	s19 =	sor.u32 s20, s19;
	v1 =	vld [tilespmem:s18+$0x0]  }
0x210: {  	s21 =	sor.u32 s20, s21;
	v2 =	vld [tilespmem:s19+$0x0]  }
0x211: {  	s22 =	sor.u32 s20, s22;
	v3 =	vld [tilespmem:s21+$0x0]  }
0x212: {  	s23 =	sor.u32 s20, s23;
	v4 =	vld [tilespmem:s22+$0x0]  }
0x213: {  	s7 =	sor.u32 s20, s7;
	v5 =	vld [tilespmem:s23+$0x0]  }
0x214: {  	s6 =	sor.u32 s20, s6;
	v6 =	vld [tilespmem:s7+$0x0];
	v1 =	vmul.f32 $1.442695020e+00, v1  }
0x215: {  	s28 =	sor.u32 s20, s28;
	v7 =	vld [tilespmem:s6+$0x0];
	v2 =	vmul.f32 $1.442695020e+00, v2  }
0x216: {  	s29 =	sor.u32 s20, s29;
	v8 =	vld [tilespmem:s28+$0x0];
	(erf) = vpow2.f32 v1;
	v1 =	vmul.f32 $1.442695020e+00, v3  }
0x217: {  	s7 =	sor.u32 s20, s30;
	v3 =	vld [tilespmem:s29+$0x0];
	(erf) = vpow2.f32 v2;
	v2 =	vmul.f32 $1.442695020e+00, v4  }
0x218: {  	s12 =	sor.u32 s20, s31;
	v50 =	vld [tilespmem:s7+$0x0];
	(erf) = vpow2.f32 v1;
	v1 =	vmul.f32 $1.442695020e+00, v5  }
0x219: {  	s2 =	sor.u32 s20, s2;
	v51 =	vld [tilespmem:s12+$0x0];
	(erf) = vpow2.f32 v2;
	v2 =	vmul.f32 $1.442695020e+00, v6  }
0x21a: {  	s0 =	sor.u32 s20, s0;
	v52 =	vld [tilespmem:s2+$0x0];
	(erf) = vpow2.f32 v1;
	v1 =	vmul.f32 $1.442695020e+00, v7  }
0x21b: {  	v53 =	vld [tilespmem:s0+$0x0];
	s18 =	sor.u32 s20, s8;
	(erf) = vpow2.f32 v2;
	v2 =	vmul.f32 $1.442695020e+00, v8  }
0x21c: {  	s19 =	sor.u32 s20, s9;
	v54 =	vld [tilespmem:s18+$0x0];
	(erf) = vpow2.f32 v1;
	v1 =	vmul.f32 $1.442695020e+00, v3  }
0x21d: {  	s21 =	sor.u32 s20, s1;
	v3 =	vld [tilespmem:s19+$0x0];
	(erf) = vpow2.f32 v2;
	v2 =	vmul.f32 $1.442695020e+00, v50  }
0x21e: {  	s22 =	sor.u32 s20, s3;
	v55 =	vld [tilespmem:s21+$0x0];
	(erf) = vpow2.f32 v1;
	v1 =	vmul.f32 $1.442695020e+00, v51  }
0x21f: {  	s23 =	sor.u32 s20, s4;
	v56 =	vld [tilespmem:s22+$0x0];
	v57 =	vpop (erf);
	(erf) = vpow2.f32 v2;
	v2 =	vmul.f32 $1.442695020e+00, v52  }
0x220: {  	s28 =	sor.u32 s20, s5;
	v58 =	vld [tilespmem:s23+$0x0];
	v59 =	vpop (erf);
	(erf) = vpow2.f32 v1;
	v1 =	vmul.f32 $1.442695020e+00, v53  }
0x221: {  	v60 =	vld [tilespmem:s28+$0x0];
	s29 =	sor.u32 s20, s16;
	v61 =	vpop (erf);
	(erf) = vpow2.f32 v2;
	v2 =	vmul.f32 $1.442695020e+00, v54  }
0x222: {  	v62 =	vld [tilespmem:s29+$0x0];
	v63 =	vpop (erf);
	(erf) = vpow2.f32 v1;
	v1 =	vmul.f32 $1.442695020e+00, v3  }
0x223: {  	v33 =	vpop (erf);
	(erf) = vpow2.f32 v2;
	v2 =	vmul.f32 $1.442695020e+00, v55  }
0x224: {  	v34 =	vpop (erf);
	(erf) = vpow2.f32 v1;
	v1 =	vmul.f32 $1.442695020e+00, v56  }
0x225: {  	s30 =	sor.u32 s20, s17;
	v35 =	vpop (erf);
	(erf) = vpow2.f32 v2;
	v2 =	vmul.f32 $1.442695020e+00, v58  }
0x226: {  	v3 =	vld [tilespmem:s30+$0x0];
	v36 =	vpop (erf);
	(erf) = vpow2.f32 v1;
	v1 =	vmul.f32 $1.442695020e+00, v60  }
0x227: {  	v37 =	vpop (erf);
	(erf) = vpow2.f32 v2;
	v2 =	vmul.f32 $1.442695020e+00, v62  }
0x228: {  	v38 =	vpop (erf);
	(erf) = vpow2.f32 v1  }
0x229: {  	v23 =	vpop (erf);
	(erf) = vpow2.f32 v2  }
0x22a: {  	v24 =	vpop (erf)  }
0x22b: {  	v1 =	vmul.f32 $1.442695020e+00, v3;
	v25 =	vpop (erf)  }
0x22c: {  	v26 =	vpop (erf)  }
0x22d: {  	v39 =	vadd.f32 v34, v33;
	v40 =	vadd.f32 v36, v35;
	(erf) = vpow2.f32 v1;
	v27 =	vpop (erf)  }
0x22e: {  	v3 =	vadd.f32 v63, v61;
	v1 =	vadd.f32 v59, v57;
	v14 =	vpop (erf)  }
0x22f: {  	v41 =	vadd.f32 v38, v37;
	v42 =	vadd.f32 v24, v23;
	v10 =	vpop (erf)  }
0x230: {  	v1 =	vadd.f32 v3, v1;
	v3 =	vadd.f32 v40, v39;
	v11 =	vpop (erf)  }
0x231: {  	v43 =	vadd.f32 v26, v25;
	v44 =	vadd.f32 v14, v27;
	v4 =	vpop (erf)  }
0x232: {  	v47 =	vadd.f32 v42, v41;
	v45 =	vadd.f32 v11, v10;
	v2 =	vpop (erf)  }
0x233: {  	v48 =	vadd.f32 v44, v43;
	v46 =	vadd.f32 v2, v4  }
0x234: {  	v1 =	vadd.f32 v3, v1  }
0x235: {  	v3 =	vadd.f32 v48, v47;
	v49 =	vadd.f32 v46, v45  }
0x236: {  	v6 =	vpop (erf)  }
0x237: {  	v1 =	vadd.f32 v3, v1;
	v50 =	vadd.f32 v49, v6;
	_ =	sdelay $0x1  }
0x238: {  	v1 =	vadd.f32 v50, v1;
	_ =	sdelay $0x1  }
0x239: {  	(erf) = vrcp.f32 v1;
	_ =	sdelay $0x1  }
0x23a: {  	s31 =	sor.u32 s20, s11  }
0x23b: {  	v3 =	vld [tilespmem:s31+$0x80];
	_ =	sdelay $0x4  }
0x23c: {  	vm7 =	veq.s32 v3, $0x0  }
0x23d: {  	vm8 =	veq.s32 v3, $0x1;
	vm9 =	veq.s32 v3, $0x2;
	vm10 =	veq.s32 v3, $0x3;
	v1 =	vpop (erf)  }
0x23e: {  	vm11 =	veq.s32 v3, $0x4;
	vm12 =	veq.s32 v3, $0x5;
	v9 =	vmul.f32 $1.023500000e+03, v1  }
0x23f: {  	vm13 =	veq.s32 v3, $0x6;
	vm14 =	veq.s32 v3, $0x7;
	vm15 =	veq.s32 v3, $0x8  }
0x240: {  	vm4 =	veq.s32 v3, $0x9;
	v1 =	vmul.f32 v9, v57;
	v52 =	vmul.f32 v9, v59  }
0x241: {  	vm5 =	veq.s32 v3, $0xA;
	v54 =	vmul.f32 v9, v61;
	v55 =	vmul.f32 v9, v63  }
0x242: {  	vm6 =	veq.s32 v3, $0xB;
	v59 =	vmul.f32 v9, v33;
	v62 =	vmul.f32 v9, v34  }
0x243: {  	v63 =	vmul.f32 v9, v35;
	v51 =	vsub.f32 $2.252775000e+04, v1;
	v1 =	vadd.f32 $0.0e+00, v1  }
0x244: {  	v31 =	vmul.f32 v9, v36;
	v53 =	vsub.f32 $2.355175000e+04, v52;
	v7 =	vadd.f32 $1.024000000e+03, v52  }
0x245: {  	v33 =	vmul.f32 v9, v37;
	v56 =	vsub.f32 $2.457575000e+04, v54;
	v8 =	vadd.f32 $2.048000000e+03, v54  }
0x246: {  	v38 =	vmul.f32 v9, v38;
	v57 =	vsub.f32 $2.559975000e+04, v55;
	v61 =	vsub.f32 $2.662375000e+04, v59  }
0x247: {  	v39 =	vmul.f32 v9, v23;
	v13 =	vadd.f32 $4.096000000e+03, v59;
	v28 =	vsub.f32 $2.764775000e+04, v62  }
0x248: {  	v42 =	vmul.f32 v9, v24;
	v15 =	vadd.f32 $5.120000000e+03, v62;
	v29 =	vsub.f32 $2.867175000e+04, v63  }
0x249: {  	v44 =	vmul.f32 v9, v25;
	v16 =	vadd.f32 $6.144000000e+03, v63;
	v32 =	vsub.f32 $2.969575000e+04, v31  }
0x24a: {  	v45 =	vmul.f32 v9, v26;
	v36 =	vsub.f32 $3.071975000e+04, v33;
	v37 =	vadd.f32 $8.192000000e+03, v33  }
0x24b: {  	v49 =	vmul.f32 v9, v27;
	v40 =	vsub.f32 $3.174375000e+04, v38;
	v19 =	vadd.f32 $9.216000000e+03, v38  }
0x24c: {  	v14 =	vmul.f32 v9, v14;
	v41 =	vsub.f32 $3.276775000e+04, v39;
	v18 =	vadd.f32 $1.024000000e+04, v39  }
0x24d: {  	v10 =	vmul.f32 v9, v10;
	v43 =	vsub.f32 $3.379175000e+04, v42;
	v20 =	vadd.f32 $1.126400000e+04, v42  }
0x24e: {  	v11 =	vmul.f32 v9, v11;
	v46 =	vsub.f32 $3.481575000e+04, v44;
	v22 =	vadd.f32 $1.228800000e+04, v44  }
0x24f: {  	v4 =	vmul.f32 v9, v4;
	v47 =	vsub.f32 $3.583975000e+04, v45;
	v23 =	vadd.f32 $1.331200000e+04, v45  }
0x250: {  	v2 =	vmul.f32 v9, v2;
	v50 =	vsub.f32 $3.686375000e+04, v49;
	v52 =	vsub.f32 $3.891175000e+04, v10  }
0x251: {  	v6 =	vmul.f32 v9, v6;
	v10 =	vadd.f32 $1.638400000e+04, v10;
	v54 =	vsub.f32 $4.095975000e+04, v4  }
0x252: {  	v4 =	vadd.f32 $1.843200000e+04, v4;
	v1 =	vsel vm7, v51, v1;
	v5 =	vsel vm8, v53, v7  }
0x253: {  	v7 =	vadd.f32 $3.072000000e+03, v55;
	v8 =	vsel vm9, v56, v8;
	v12 =	vsel vm11, v61, v13  }
0x254: {  	v13 =	vsel vm12, v28, v15;
	v30 =	vsel vm13, v29, v16;
	v16 =	vadd.f32 $7.168000000e+03, v31  }
0x255: {  	v19 =	vsel vm4, v40, v19;
	v18 =	vsel vm5, v41, v18;
	v20 =	vsel vm6, v43, v20  }
0x256: {  	vm7 =	veq.s32 v3, $0xC;
	vm8 =	veq.s32 v3, $0xD;
	vm9 =	veq.s32 v3, $0xE  }
0x257: {  	v51 =	vsub.f32 $3.788775000e+04, v14;
	v14 =	vadd.f32 $1.536000000e+04, v14;
	vm11 =	veq.s32 v3, $0x10  }
0x258: {  	v53 =	vsub.f32 $3.993575000e+04, v11;
	v11 =	vadd.f32 $1.740800000e+04, v11;
	v1 =	vtrunc.f32 v1  }
0x259: {  	vm12 =	veq.s32 v3, $0x11;
	v5 =	vtrunc.f32 v5;
	v8 =	vtrunc.f32 v8  }
0x25a: {  	vm13 =	veq.s32 v3, $0x12;
	v12 =	vtrunc.f32 v12;
	v1 =	vcvt.f32.s32 v1  }
0x25b: {  	v13 =	vtrunc.f32 v13;
	v5 =	vcvt.f32.s32 v5;
	v58 =	vsel vm10, v57, v7  }
0x25c: {  	v55 =	vsub.f32 $4.198375000e+04, v2;
	v7 =	vcvt.f32.s32 v8;
	v60 =	vtrunc.f32 v58;
	(xrf1) =	vunique.msk.u32 $0xffff, v1  }
0x25d: {  	v2 =	vadd.f32 $1.945600000e+04, v2;
	v17 =	vtrunc.f32 v30;
	v8 =	vcvt.f32.s32 v60;
	(xrf1) =	vunique.msk.u32 $0xffff, v5  }
0x25e: {  	v56 =	vsub.f32 $4.300775000e+04, v6;
	v19 =	vtrunc.f32 v19;
	v12 =	vcvt.f32.s32 v12;
	(xrf1) =	vunique.msk.u32 $0xffff, v7  }
0x25f: {  	v18 =	vtrunc.f32 v18;
	v34 =	vcvt.f32.s32 v13;
	v16 =	vsel vm14, v32, v16;
	(xrf1) =	vunique.msk.u32 $0xffff, v8  }
0x260: {  	v35 =	vcvt.f32.s32 v17;
	v17 =	vsel vm15, v36, v37;
	v16 =	vtrunc.f32 v16;
	(xrf1) =	vunique.msk.u32 $0xffff, v12  }
0x261: {  	v6 =	vadd.f32 $2.048000000e+04, v6;
	v17 =	vtrunc.f32 v17;
	v16 =	vcvt.f32.s32 v16;
	(xrf1) =	vunique.msk.u32 $0xffff, v34  }
0x262: {  	v20 =	vtrunc.f32 v20;
	v21 =	vsel vm7, v46, v22;
	v17 =	vcvt.f32.s32 v17;
	(xrf1) =	vunique.msk.u32 $0xffff, v35  }
0x263: {  	v48 =	vsel vm8, v47, v23;
	v23 =	vadd.f32 $1.433600000e+04, v49;
	v19 =	vcvt.f32.s32 v19;
	(xrf1) =	vunique.msk.u32 $0xffff, v16  }
0x264: {  	v10 =	vsel vm11, v52, v10;
	v18 =	vcvt.f32.s32 v18;
	v20 =	vcvt.f32.s32 v20;
	(xrf1) =	vunique.msk.u32 $0xffff, v17  }
0x265: {  	v4 =	vsel vm13, v54, v4;
	v21 =	vtrunc.f32 v21;
	v22 =	vtrunc.f32 v48;
	(xrf1) =	vunique.msk.u32 $0xffff, v19  }
0x266: {  	vm10 =	veq.s32 v3, $0xF;
	v21 =	vcvt.f32.s32 v21;
	v23 =	vsel vm9, v50, v23;
	(xrf1) =	vunique.msk.u32 $0xffff, v18  }
0x267: {  	v22 =	vcvt.f32.s32 v22;
	v14 =	vsel vm10, v51, v14;
	v23 =	vtrunc.f32 v23;
	(xrf1) =	vunique.msk.u32 $0xffff, v20  }
0x268: {  	vm8 =	veq.s32 v3, $0x14;
	v14 =	vtrunc.f32 v14;
	v23 =	vcvt.f32.s32 v23;
	(xrf1) =	vunique.msk.u32 $0xffff, v21  }
0x269: {  	v10 =	vtrunc.f32 v10;
	v11 =	vsel vm12, v53, v11;
	v14 =	vcvt.f32.s32 v14;
	(xrf1) =	vunique.msk.u32 $0xffff, v22  }
0x26a: {  	vm14 =	veq.s32 v3, $0x13;
	v10 =	vcvt.f32.s32 v10;
	v11 =	vtrunc.f32 v11;
	_, v24, vm0 =	vpop (xrf1);
	(xrf1) =	vunique.msk.u32 $0xffff, v23  }
0x26b: {  	v4 =	vtrunc.f32 v4;
	v2 =	vsel vm14, v55, v2;
	v11 =	vcvt.f32.s32 v11;
	_, v57, vm15 =	vpop (xrf1);
	(xrf1) =	vunique.msk.u32 $0xffff, v14  }
0x26c: {  	v6 =	vsel vm8, v56, v6;
	v4 =	vcvt.f32.s32 v4;
	v2 =	vtrunc.f32 v2;
	_, v3, vm9 =	vpop (xrf1);
	(xrf1) =	vunique.msk.u32 $0xffff, v10  }
0x26d: {  	v6 =	vtrunc.f32 v6;
	v2 =	vcvt.f32.s32 v2;
	_, v58, vm10 =	vpop (xrf1);
	(xrf1) =	vunique.msk.u32 $0xffff, v11  }
0x26e: {  	v6 =	vcvt.f32.s32 v6;
	_, v59, vm11 =	vpop (xrf1);
	(xrf1) =	vunique.msk.u32 $0xffff, v4  }
0x26f: {  	_, v60, vm12 =	vpop (xrf1);
	(xrf1) =	vunique.msk.u32 $0xffff, v2  }
0x270: {  	[tilespmem:v1+s10+$0x0] =	vst.idx.add.s32.msk vm0, v24;
	_, v1, vm0 =	vpop (xrf1);
	(xrf1) =	vunique.msk.u32 $0xffff, v6  }
0x271: {  	[tilespmem:v5+s10+$0x0] =	vst.idx.add.s32.msk vm15, v57;
	_, v5, vm2 =	vpop (xrf1)  }
0x272: {  	[tilespmem:v7+s10+$0x0] =	vst.idx.add.s32.msk vm9, v3;
	_, v3, vm3 =	vpop (xrf1)  }
0x273: {  	[tilespmem:v8+s10+$0x0] =	vst.idx.add.s32.msk vm10, v58;
	_, v61, vm13 =	vpop (xrf1)  }
0x274: {  	[tilespmem:v12+s10+$0x0] =	vst.idx.add.s32.msk vm11, v59;
	_, v62, vm14 =	vpop (xrf1)  }
0x275: {  	[tilespmem:v34+s10+$0x0] =	vst.idx.add.s32.msk vm12, v60;
	_, v63, vm15 =	vpop (xrf1)  }
0x276: {  	[tilespmem:v35+s10+$0x0] =	vst.idx.add.s32.msk vm0, v1;
	_, v1, vm0 =	vpop (xrf1)  }
0x277: {  	[tilespmem:v16+s10+$0x0] =	vst.idx.add.s32.msk vm2, v5;
	_, v5, vm2 =	vpop (xrf1)  }
0x278: {  	[tilespmem:v17+s10+$0x0] =	vst.idx.add.s32.msk vm3, v3;
	_, v3, vm3 =	vpop (xrf1)  }
0x279: {  	[tilespmem:v19+s10+$0x0] =	vst.idx.add.s32.msk vm13, v61;
	_, v7, vm1 =	vpop (xrf1)  }
0x27a: {  	[tilespmem:v18+s10+$0x0] =	vst.idx.add.s32.msk vm14, v62;
	_, v8, vm4 =	vpop (xrf1)  }
0x27b: {  	[tilespmem:v20+s10+$0x0] =	vst.idx.add.s32.msk vm15, v63;
	_, v9, vm5 =	vpop (xrf1)  }
0x27c: {  	[tilespmem:v21+s10+$0x0] =	vst.idx.add.s32.msk vm0, v1;
	_, v1, vm0 =	vpop (xrf1)  }
0x27d: {  	[tilespmem:v22+s10+$0x0] =	vst.idx.add.s32.msk vm2, v5;
	_, v5, vm2 =	vpop (xrf1)  }
0x27e: {  	[tilespmem:v23+s10+$0x0] =	vst.idx.add.s32.msk vm3, v3;
	_, v3, vm3 =	vpop (xrf1)  }
0x27f: {  	p0 =	sne.s32 s26, $0xF00;
	[tilespmem:v14+s10+$0x0] =	vst.idx.add.s32.msk vm1, v7  }
.Ltmp3:
0x280: {  	[tilespmem:v10+s10+$0x0] =	vst.idx.add.s32.msk vm4, v8;
	(pc) =	sbr.rel @p0 .LBB2_9-.Ltmp3, $4  }
0x281: {  	[tilespmem:v11+s10+$0x0] =	vst.idx.add.s32.msk vm5, v9  }
0x282: {  	[tilespmem:v4+s10+$0x0] =	vst.idx.add.s32.msk vm0, v1  }
0x283: {  	[tilespmem:v2+s10+$0x0] =	vst.idx.add.s32.msk vm2, v5  }
0x284: {  	s15 =	sadd.s32 $0x20, s15;
	s26 =	sadd.s32 $0x100, s26;
	[tilespmem:v6+s10+$0x0] =	vst.idx.add.s32.msk vm3, v3  }
0x285: {  	s14 =	sadd.s32 $0x1, s14  }
0x286: {  	p0 =	sne.s32 s14, $0x20  }
.Ltmp4:
0x287: {  	_ = 	snop;
	(pc) =	sbr.rel @p0 .LBB2_4-.Ltmp4, $1  }
0x288: {  	_ =	sdelay $0x3  }
0x289: {  	s0 =	rddreg [dreg:$0x7];
	s1 =	simm.s32 $0x400;
	s30 =	simm.s32 $0x5  }
0x28a: {  	[hbm4b:s0+s24] =	stream.strided.scatter [tilespmem:s10], [sflag:$0x5], $0xA800, s1, s24, $0x38;
	[tilespmem:$0x10C00] =	vst v63  }
0x28b: {  	_ =	swait.ge [sflag:s30], $0xA800  }
0x28c: {  	s2 =	rddreg [dreg:$0x17]  }
0x28d: {  	s31 =	rddreg [dreg:$0x8];
	s2 =	sadd.s32 $0x1, s2  }
0x28e: {  	p0 =	sne.s32 s2, s31  }
.Ltmp5:
0x28f: {  	_ = 	snop;
	(pc) =	sbr.rel @p0 .LBB2_1-.Ltmp5, $3  }
0x290: {  	_ =	sdelay $0x1  }
0x291: {  	[sflag:s30] =	ssyncset.done $0x0  }
0x292: {  	[sflag:s30] =	ssyncadd.s32 $0xFFFF5800  }
0x293: {  	_ =	sfence.sel $0x180000  }
0x294: {  	[bflag:$0x0] =	sbarrier.arrive $0xFFFF  }
0x295: {  	_ =	strace $0x90000047  }
0x296: {  	s0 =	stileid.u32;
	[bflag:$0x2] =	sbarrier.arrive $0xFFFF  }
0x297: {  	p0 =	sne.s32 s0, $0x0;
	s0 =	rddreg [dreg:$0x3]  }
0x298: {  	s0 =	sadd.s32 @!p0 $0x100000, s0  }
0x299: {  	[sflag:s0] =	ssyncadd.tile.s32 @!p0 $0x1;
	_ =	shalt  }
.Lfunc_end2:
_tile_overlayer_lowered:
.L_overlay_start_2:
0x29a: {  	(tag) =	ssettag $0x2  }
0x29b: {  	s0 =	rddreg [dreg:$0x0];
	s2 =	stileid.u32  }
0x29c: {  	s1 =	rddreg [dreg:$0x1];
	p0 =	sne.s32 s2, $0x0  }
0x29d: {  	s3 =	rddreg [dreg:$0x2];
	[bflag:$0x3] =	sbarrier.arrive $0xFFFF;
	s2 =	simm.s32 @!p0 $0x1C05  }
0x29e: {  	[timem:s3], [sflag:s2] =	dma.local @!p0 [hbm:s0], s1  }
0x29f: {  	s0 =	simm.s32 @!p0 $0x5  }
0x2a0: {  	_ =	swait.ge @!p0 [sflag:s0], s1  }
0x2a1: {  	s1 =	ssub.s32 @!p0 $0x0, s1;
	[sflag:s0] =	ssyncset.done @!p0 $0x0  }
0x2a2: {  	[sflag:s0] =	ssyncadd.s32 @!p0 s1  }
0x2a3: {  	[bflag:$0x3] =	sbarrier.arrive $0xFFFF  }
0x2a4: {  	_ =	shalt  }

</sc_bundles>
